<compile_context>
chip_gen: v7x
topology: tpu7x:2x2x1
jax: 0.10.2.dev20260603
libtpu: 0.0.44.dev20260713+nightly
codegen_flags: <defaults>
</compile_context>

<pallas_src>
import functools

import jax
import jax.numpy as jnp
from jax import lax
from jax.experimental import pallas as pl
from jax.experimental.pallas import tpu as pltpu
from jax.experimental.pallas import tpu_sc as plsc

_N_NODES = 10000
_N_EDGES = 320000
_D = 128
_N_GRAPHS = 64
_N_CLASSES = 10

_NC = 2
_NS = 16
_NW = _NC * _NS
_EPW = _N_EDGES // _NW
_PITCH = 10112
_COFF = _PITCH
_ACC = 657408
_APT = _ACC // _NS
_ZB = _APT // 2


_HA = 4992
_HB = _EPW - _HA


def _sc_histogram(edge_index, batch, ones, zeros):
    mesh = plsc.VectorSubcoreMesh(
        core_axis_name="c", subcore_axis_name="s",
        num_cores=_NC, num_subcores=_NS)

    @functools.partial(
        pl.kernel,
        out_type=jax.ShapeDtypeStruct((_NC * _ACC,), jnp.float32),
        mesh=mesh,
        scratch_types=[
            pltpu.VMEM((_EPW,), jnp.int32),
            pltpu.VMEM((_EPW,), jnp.int32),
            pltpu.VMEM((_EPW,), jnp.int32),
            pltpu.VMEM((_HA,), jnp.int32),
            pltpu.VMEM((_HB,), jnp.int32),
            pltpu.VMEM((_EPW,), jnp.float32),
            pltpu.VMEM((_ZB,), jnp.float32),
            pltpu.VMEM_SHARED((_ACC,), jnp.float32),
            pltpu.VMEM_SHARED((_N_NODES,), jnp.int32),
            pltpu.SemaphoreType.DMA,
            pltpu.SemaphoreType.DMA,
            pltpu.SemaphoreType.DMA,
            pltpu.SemaphoreType.DMA,
            pltpu.SemaphoreType.DMA,
            pltpu.SemaphoreType.DMA,
            pltpu.SemaphoreType.DMA,
            pltpu.SemaphoreType.DMA,
            pltpu.SemaphoreType.DMA,
            pltpu.SemaphoreType.DMA,
            pltpu.SemaphoreType.DMA,
        ],
    )
    def hist(edge_hbm, batch_hbm, ones_hbm, zeros_hbm, out_hbm,
             row_v, col_v, g_v, idxA, idxB, ones_v, zbuf, shared, batch_sh,
             s_b, s_row, s_col, s_ones, s_zero, s_sh, s_g1, s_g2, s_sc,
             s_rd, s_wr):
        cid = lax.axis_index("c")
        sid = lax.axis_index("s")
        wid = sid * _NC + cid
        base = wid * _EPW

        d_row = pltpu.async_copy(edge_hbm.at[pl.ds(base, _EPW)], row_v,
                                 s_row)
        d_col = pltpu.async_copy(edge_hbm.at[pl.ds(_N_EDGES + base, _EPW)],
                                 col_v, s_col)
        d_on = pltpu.async_copy(ones_hbm, ones_v, s_ones)
        d_z = pltpu.async_copy(zeros_hbm, zbuf, s_zero)

        @pl.when(sid == 0)
        def _():
            pltpu.sync_copy(batch_hbm, g_v)
            pltpu.sync_copy(g_v, batch_sh)

        plsc.subcore_barrier()
        d_row.wait()
        d_g1 = pltpu.async_copy(
            batch_sh.at[row_v.at[pl.ds(0, _HA)]],
            g_v.at[pl.ds(0, _HA)], s_g1)
        d_g2 = pltpu.async_copy(
            batch_sh.at[row_v.at[pl.ds(_HA, _HB)]],
            g_v.at[pl.ds(_HA, _HB)], s_g2)

        d_z.wait()
        d_sh0 = pltpu.async_copy(
            zbuf, shared.at[pl.ds(sid * _APT, _ZB)], s_sh)
        d_sh1 = pltpu.async_copy(
            zbuf, shared.at[pl.ds(sid * _APT + _ZB, _ZB)], s_sh)

        def stepA(i, carry):
            e = i * 16
            c16 = col_v[pl.ds(e, 16)]
            g16 = g_v[pl.ds(e, 16)]
            idxA[pl.ds(e, 16)] = g16 * _PITCH + c16 + _COFF
            return carry

        def stepB(i, carry):
            e = i * 16
            c16 = col_v[pl.ds(_HA + e, 16)]
            g16 = g_v[pl.ds(_HA + e, 16)]
            idxB[pl.ds(e, 16)] = g16 * _PITCH + c16 + _COFF
            return carry

        d_on.wait()
        d_sh0.wait()
        d_sh1.wait()
        plsc.subcore_barrier()
        d_s0 = pltpu.async_copy(ones_v, shared.at[row_v], s_sc, add=True)
        d_col.wait()
        d_g1.wait()
        lax.fori_loop(0, _HA // 16, stepA, 0)
        d_s1 = pltpu.async_copy(ones_v.at[pl.ds(0, _HA)], shared.at[idxA],
                                s_sc, add=True)
        d_g2.wait()
        lax.fori_loop(0, _HB // 16, stepB, 0)
        d_s2 = pltpu.async_copy(ones_v.at[pl.ds(0, _HB)], shared.at[idxB],
                                s_sc, add=True)
        d_s0.wait()
        d_s1.wait()
        d_s2.wait()
        plsc.subcore_barrier()
        hb = _ZB // 2
        src0 = cid * _ACC + sid * _APT

        def rd(k, buf):
            return pltpu.async_copy(
                shared.at[pl.ds(sid * _APT + k * hb, hb)], buf, s_rd)

        def wr(k, buf):
            return pltpu.async_copy(
                buf, out_hbm.at[pl.ds(src0 + k * hb, hb)], s_wr)

        bufA = zbuf.at[pl.ds(0, hb)]
        bufB = zbuf.at[pl.ds(hb, hb)]
        r0 = rd(0, bufA)
        r1 = rd(1, bufB)
        r0.wait()
        w0 = wr(0, bufA)
        r1.wait()
        w1 = wr(1, bufB)
        w0.wait()
        r2 = rd(2, bufA)
        w1.wait()
        r3 = rd(3, bufB)
        r2.wait()
        w2 = wr(2, bufA)
        r3.wait()
        w3 = wr(3, bufB)
        w2.wait()
        w3.wait()

    return hist(edge_index, batch, ones, zeros)


def _tc_body(flat_ref, batch_ref, x_ref, wphi_ref, bphi_ref,
             w1_ref, b1_ref, w2_ref, b2_ref, out_ref, dv, c0, c1, sem):
    descs_d = [pltpu.make_async_copy(
        flat_ref.at[pl.ds(k * _ACC, _PITCH)], dv.at[k], sem)
        for k in range(_NC)]
    descs_c = []
    for g in range(_N_GRAPHS):
        descs_c.append(pltpu.make_async_copy(
            flat_ref.at[pl.ds(_COFF + g * _PITCH, _PITCH)],
            c0.at[g], sem))
        descs_c.append(pltpu.make_async_copy(
            flat_ref.at[pl.ds(_ACC + _COFF + g * _PITCH, _PITCH)],
            c1.at[g], sem))
    for d in descs_d:
        d.start()
    for d in descs_c:
        d.start()
    for d in descs_d:
        d.wait()
    deg = (dv[0:1, :] + dv[1:2, :])[:, :_N_NODES]
    gids = lax.broadcasted_iota(jnp.int32, (_N_GRAPHS, _N_NODES), 0)
    crow = jnp.where(gids == batch_ref[...], deg, 0.0)
    cnt = jnp.sum(crow, axis=1, keepdims=True)
    Yr = lax.dot_general(
        crow, x_ref[...], (((1,), (0,)), ((), ())),
        precision=lax.Precision.HIGHEST,
        preferred_element_type=jnp.float32)
    for d in descs_c:
        d.wait()
    ccol = (c0[...] + c1[...])[:, :_N_NODES]
    Yc = lax.dot_general(
        ccol, x_ref[...], (((1,), (0,)), ((), ())),
        precision=lax.Precision.HIGHEST,
        preferred_element_type=jnp.float32)
    pooled = (
        jnp.dot(Yr, wphi_ref[:_D, :], precision=lax.Precision.HIGHEST)
        + jnp.dot(Yc, wphi_ref[_D:, :], precision=lax.Precision.HIGHEST)
        + cnt * bphi_ref[...])
    h = jnp.maximum(
        jnp.dot(pooled, w1_ref[...], precision=lax.Precision.HIGHEST)
        + b1_ref[...], 0.0)
    out_ref[...] = (
        jnp.dot(h, w2_ref[...], precision=lax.Precision.HIGHEST)
        + b2_ref[...])


def kernel(x, edge_index, batch, W_phi, b_phi, W1, b1, W2, b2):
    ones = jnp.ones((_EPW,), jnp.float32)
    zeros = jnp.zeros((_ZB,), jnp.float32)

    flat = _sc_histogram(edge_index.reshape(2 * _N_EDGES), batch, ones,
                         zeros)

    out = pl.pallas_call(
        _tc_body,
        out_shape=jax.ShapeDtypeStruct((_N_GRAPHS, _N_CLASSES), jnp.float32),
        in_specs=[
            pl.BlockSpec(memory_space=pl.ANY),
            pl.BlockSpec(memory_space=pltpu.MemorySpace.VMEM),
            pl.BlockSpec(memory_space=pltpu.MemorySpace.VMEM),
            pl.BlockSpec(memory_space=pltpu.MemorySpace.VMEM),
            pl.BlockSpec(memory_space=pltpu.MemorySpace.VMEM),
            pl.BlockSpec(memory_space=pltpu.MemorySpace.VMEM),
            pl.BlockSpec(memory_space=pltpu.MemorySpace.VMEM),
            pl.BlockSpec(memory_space=pltpu.MemorySpace.VMEM),
            pl.BlockSpec(memory_space=pltpu.MemorySpace.VMEM),
        ],
        scratch_shapes=[
            pltpu.VMEM((_NC, _PITCH), jnp.float32),
            pltpu.VMEM((_N_GRAPHS, _PITCH), jnp.float32),
            pltpu.VMEM((_N_GRAPHS, _PITCH), jnp.float32),
            pltpu.SemaphoreType.DMA,
        ],
    )(flat, batch.reshape(1, _N_NODES), x, W_phi,
      b_phi.reshape(1, _D), W1, b1.reshape(1, _D), W2,
      b2.reshape(1, _N_CLASSES))
    return out

# --- scband reference (transcript-rebuilt; emitter-appended) ---
"""Pipeline reference for scband-graph2-pcgnn-8031588843786 (READ-ONLY COPY).

The authoritative reference and input builder live on the scoring server;
editing this copy changes nothing except your own understanding.
"""

import jax, jax.numpy as jnp
import numpy as np

N_NODES = 10000
N_EDGES = 320000
D = 128
N_GRAPHS = 64
N_CLASSES = 10


def setup_inputs(seed: int = 0) -> dict:
    key = jax.random.key(seed)
    k_x, k_e, k_b, k_wp, k_bp, k_w1, k_b1, k_w2, k_b2 = jax.random.split(key, 9)
    x = jax.random.normal(k_x, (N_NODES, D), dtype=jnp.float32)
    edge_index = jax.random.randint(k_e, (2, N_EDGES), 0, N_NODES, dtype=jnp.int64 if jax.config.jax_enable_x64 else jnp.int32).astype(jnp.int32)
    batch = jnp.sort(jax.random.randint(k_b, (N_NODES,), 0, N_GRAPHS)).astype(jnp.int32)
    # phi = Linear(2*D, D)
    W_phi = jax.random.normal(k_wp, (2 * D, D), dtype=jnp.float32) * (1.0 / np.sqrt(2 * D))
    b_phi = jax.random.normal(k_bp, (D,), dtype=jnp.float32) * 0.01
    # mlp = Linear(D, D) -> ReLU -> Linear(D, N_CLASSES)
    W1 = jax.random.normal(k_w1, (D, D), dtype=jnp.float32) * (1.0 / np.sqrt(D))
    b1 = jax.random.normal(k_b1, (D,), dtype=jnp.float32) * 0.01
    W2 = jax.random.normal(k_w2, (D, N_CLASSES), dtype=jnp.float32) * (1.0 / np.sqrt(D))
    b2 = jax.random.normal(k_b2, (N_CLASSES,), dtype=jnp.float32) * 0.01
    return {"x": x, "edge_index": edge_index, "batch": batch, "W_phi": W_phi, "b_phi": b_phi, "W1": W1, "b1": b1, "W2": W2, "b2": b2}


def reference(x, edge_index, batch, W_phi, b_phi, W1, b1, W2, b2):
    # MessagePassing with aggr='add', flow='target_to_source':
    # x_i = x[edge_index[0]], x_j = x[edge_index[1]], aggregate at edge_index[0]
    row = edge_index[0]
    col = edge_index[1]
    x_i = jnp.take(x, row, axis=0)
    x_j = jnp.take(x, col, axis=0)
    msg = jnp.concatenate([x_i, x_j], axis=-1) @ W_phi + b_phi  # phi
    aggr = jax.ops.segment_sum(msg, row, num_segments=N_NODES)  # scatter-add to source nodes
    # update returns aggr_out unchanged
    # global_add_pool over batch assignment
    pooled = jax.ops.segment_sum(aggr, batch, num_segments=N_GRAPHS)
    # mlp
    h = jax.nn.relu(pooled @ W1 + b1)
    out = h @ W2 + b2
    return out

if __name__ == "__main__":
    import jax
    _d = setup_inputs()
    print(jax.jit(kernel)(*tuple(_d.values())))

</pallas_src>

<mosaic_0001>
#map = affine_map<(d0, d1) -> (0)>
module attributes {stable_mosaic.version = 14 : i64} {
  func.func @hist(%arg0: i32, %arg1: i32, %arg2: memref<640000xi32, #tpu.memory_space<hbm>>, %arg3: memref<10000xi32, #tpu.memory_space<hbm>>, %arg4: memref<10000xf32, #tpu.memory_space<hbm>>, %arg5: memref<20544xf32, #tpu.memory_space<hbm>>, %arg6: memref<1314816xf32, #tpu.memory_space<hbm>>, %arg7: memref<10000xi32, #tpu.memory_space<vmem>>, %arg8: memref<10000xi32, #tpu.memory_space<vmem>>, %arg9: memref<10000xi32, #tpu.memory_space<vmem>>, %arg10: memref<4992xi32, #tpu.memory_space<vmem>>, %arg11: memref<5008xi32, #tpu.memory_space<vmem>>, %arg12: memref<10000xf32, #tpu.memory_space<vmem>>, %arg13: memref<20544xf32, #tpu.memory_space<vmem>>, %arg14: memref<657408xf32, #tpu.memory_space<vmem_shared>>, %arg15: memref<10000xi32, #tpu.memory_space<vmem_shared>>, %arg16: memref<!tpu.dma_semaphore, #tpu.memory_space<semaphore_mem>>, %arg17: memref<!tpu.dma_semaphore, #tpu.memory_space<semaphore_mem>>, %arg18: memref<!tpu.dma_semaphore, #tpu.memory_space<semaphore_mem>>, %arg19: memref<!tpu.dma_semaphore, #tpu.memory_space<semaphore_mem>>, %arg20: memref<!tpu.dma_semaphore, #tpu.memory_space<semaphore_mem>>, %arg21: memref<!tpu.dma_semaphore, #tpu.memory_space<semaphore_mem>>, %arg22: memref<!tpu.dma_semaphore, #tpu.memory_space<semaphore_mem>>, %arg23: memref<!tpu.dma_semaphore, #tpu.memory_space<semaphore_mem>>, %arg24: memref<!tpu.dma_semaphore, #tpu.memory_space<semaphore_mem>>, %arg25: memref<!tpu.dma_semaphore, #tpu.memory_space<semaphore_mem>>, %arg26: memref<!tpu.dma_semaphore, #tpu.memory_space<semaphore_mem>>) attributes {dimension_semantics = [#tpu.dimension_semantics<core_parallel>, #tpu.dimension_semantics<subcore_parallel>], iteration_bounds = array<i64: 2, 16>, scalar_prefetch = 0 : i64, scratch_operands = 20 : i64, tpu.core_type = #tpu.core_type<sc_vector_subcore>, window_params = [{transform_indices = #map}, {transform_indices = #map}, {transform_indices = #map}, {transform_indices = #map}, {transform_indices = #map}]} {
    %mul3A = arith.constant 2 : i32
    %mul3A_0 = arith.muli %arg1, %mul3A : i32
    %add3A = arith.addi %mul3A_0, %arg0 : i32
    %mul3A_1 = arith.constant 10000 : i32
    %mul3A_2 = arith.muli %add3A, %mul3A_1 : i32
    %dma_start3A = tpu.memref_slice %arg2[%mul3A_2] : memref<640000xi32, #tpu.memory_space<hbm>> -> memref<10000xi32, #tpu.memory_space<hbm>>
    %dma_start3A_3 = tpu.memref_slice %arg2[%mul3A_2] : memref<640000xi32, #tpu.memory_space<hbm>> -> memref<10000xi32, #tpu.memory_space<hbm>>
    tpu.enqueue_dma source(%dma_start3A_3 : memref<10000xi32, #tpu.memory_space<hbm>>) target(%arg7 : memref<10000xi32, #tpu.memory_space<vmem>>) target_semaphore(%arg17 : memref<!tpu.dma_semaphore, #tpu.memory_space<semaphore_mem>>)
    %add3A_4 = arith.constant 320000 : i32
    %add3A_5 = arith.addi %add3A_4, %mul3A_2 : i32
    %dma_start3A_6 = tpu.memref_slice %arg2[%add3A_5] : memref<640000xi32, #tpu.memory_space<hbm>> -> memref<10000xi32, #tpu.memory_space<hbm>>
    %dma_start3A_7 = tpu.memref_slice %arg2[%add3A_5] : memref<640000xi32, #tpu.memory_space<hbm>> -> memref<10000xi32, #tpu.memory_space<hbm>>
    tpu.enqueue_dma source(%dma_start3A_7 : memref<10000xi32, #tpu.memory_space<hbm>>) target(%arg8 : memref<10000xi32, #tpu.memory_space<vmem>>) target_semaphore(%arg18 : memref<!tpu.dma_semaphore, #tpu.memory_space<semaphore_mem>>)
    tpu.enqueue_dma source(%arg4 : memref<10000xf32, #tpu.memory_space<hbm>>) target(%arg12 : memref<10000xf32, #tpu.memory_space<vmem>>) target_semaphore(%arg19 : memref<!tpu.dma_semaphore, #tpu.memory_space<semaphore_mem>>)
    tpu.enqueue_dma source(%arg5 : memref<20544xf32, #tpu.memory_space<hbm>>) target(%arg13 : memref<20544xf32, #tpu.memory_space<vmem>>) target_semaphore(%arg20 : memref<!tpu.dma_semaphore, #tpu.memory_space<semaphore_mem>>)
    %eq3A = arith.constant 0 : i32
    %eq3A_8 = arith.cmpi eq, %arg1, %eq3A : i32
    %convert_element_type3A = arith.extui %eq3A_8 : i1 to i32
    %cond3A = arith.constant 0 : i32
    %cond3A_9 = arith.cmpi ne, %convert_element_type3A, %cond3A : i32
    scf.if %cond3A_9 {
      "tpu.region"() ({
        %run_scoped3A = tpu.sem_alloc : memref<!tpu.dma_semaphore, #tpu.memory_space<semaphore_mem>>
        tpu.enqueue_dma source(%arg3 : memref<10000xi32, #tpu.memory_space<hbm>>) target(%arg9 : memref<10000xi32, #tpu.memory_space<vmem>>) target_semaphore(%run_scoped3A : memref<!tpu.dma_semaphore, #tpu.memory_space<semaphore_mem>>)
        tpu.wait_dma2 semaphore(%run_scoped3A : memref<!tpu.dma_semaphore, #tpu.memory_space<semaphore_mem>>) src(%arg3 : memref<10000xi32, #tpu.memory_space<hbm>>) dst(%arg9 : memref<10000xi32, #tpu.memory_space<vmem>>)
        tpu.yield
      }) : () -> ()
      "tpu.region"() ({
        %run_scoped3A = tpu.sem_alloc : memref<!tpu.dma_semaphore, #tpu.memory_space<semaphore_mem>>
        tpu.enqueue_dma source(%arg9 : memref<10000xi32, #tpu.memory_space<vmem>>) target(%arg15 : memref<10000xi32, #tpu.memory_space<vmem_shared>>) target_semaphore(%run_scoped3A : memref<!tpu.dma_semaphore, #tpu.memory_space<semaphore_mem>>)
        tpu.wait_dma2 semaphore(%run_scoped3A : memref<!tpu.dma_semaphore, #tpu.memory_space<semaphore_mem>>) src(%arg9 : memref<10000xi32, #tpu.memory_space<vmem>>) dst(%arg15 : memref<10000xi32, #tpu.memory_space<vmem_shared>>)
        tpu.yield
      }) : () -> ()
    } else {
    }
    %barrier3A = arith.constant 0 : index
    tpu.barrier barrier_id(%barrier3A)
    %dma_wait3A = tpu.memref_slice %arg2[%mul3A_2] : memref<640000xi32, #tpu.memory_space<hbm>> -> memref<10000xi32, #tpu.memory_space<hbm>>
    %dma_wait3A_10 = tpu.memref_slice %arg2[%mul3A_2] : memref<640000xi32, #tpu.memory_space<hbm>> -> memref<10000xi32, #tpu.memory_space<hbm>>
    tpu.wait_dma2 semaphore(%arg17 : memref<!tpu.dma_semaphore, #tpu.memory_space<semaphore_mem>>) src(%dma_wait3A_10 : memref<10000xi32, #tpu.memory_space<hbm>>) dst(%arg7 : memref<10000xi32, #tpu.memory_space<vmem>>)
    %dma_start3A_11 = arith.constant 0 : i32
    %dma_start3A_12 = tpu.memref_slice %arg9[%dma_start3A_11] : memref<10000xi32, #tpu.memory_space<vmem>> -> memref<4992xi32, #tpu.memory_space<vmem>>
    %dma_start3A_13 = arith.constant 0 : i32
    %dma_start3A_14 = tpu.memref_slice %arg7[%dma_start3A_13] : memref<10000xi32, #tpu.memory_space<vmem>> -> memref<4992xi32, #tpu.memory_space<vmem>>
    %dma_start3A_15 = arith.constant 0 : i32
    %dma_start3A_16 = tpu.memref_slice %arg15[%dma_start3A_15] : memref<10000xi32, #tpu.memory_space<vmem_shared>> -> memref<10000xi32, #tpu.memory_space<vmem_shared>>
    tpu.enqueue_indirect_dma source(%dma_start3A_16 : memref<10000xi32, #tpu.memory_space<vmem_shared>>) target(%dma_start3A_12 : memref<4992xi32, #tpu.memory_space<vmem>>) offsets(%dma_start3A_14 : memref<4992xi32, #tpu.memory_space<vmem>>) semaphore(%arg22 : memref<!tpu.dma_semaphore, #tpu.memory_space<semaphore_mem>>)
    %dma_start3A_17 = arith.constant 4992 : i32
    %dma_start3A_18 = tpu.memref_slice %arg9[%dma_start3A_17] : memref<10000xi32, #tpu.memory_space<vmem>> -> memref<5008xi32, #tpu.memory_space<vmem>>
    %dma_start3A_19 = arith.constant 4992 : i32
    %dma_start3A_20 = tpu.memref_slice %arg7[%dma_start3A_19] : memref<10000xi32, #tpu.memory_space<vmem>> -> memref<5008xi32, #tpu.memory_space<vmem>>
    %dma_start3A_21 = arith.constant 0 : i32
    %dma_start3A_22 = tpu.memref_slice %arg15[%dma_start3A_21] : memref<10000xi32, #tpu.memory_space<vmem_shared>> -> memref<10000xi32, #tpu.memory_space<vmem_shared>>
    tpu.enqueue_indirect_dma source(%dma_start3A_22 : memref<10000xi32, #tpu.memory_space<vmem_shared>>) target(%dma_start3A_18 : memref<5008xi32, #tpu.memory_space<vmem>>) offsets(%dma_start3A_20 : memref<5008xi32, #tpu.memory_space<vmem>>) semaphore(%arg23 : memref<!tpu.dma_semaphore, #tpu.memory_space<semaphore_mem>>)
    tpu.wait_dma2 semaphore(%arg20 : memref<!tpu.dma_semaphore, #tpu.memory_space<semaphore_mem>>) src(%arg5 : memref<20544xf32, #tpu.memory_space<hbm>>) dst(%arg13 : memref<20544xf32, #tpu.memory_space<vmem>>)
    %mul3A_23 = arith.constant 41088 : i32
    %mul3A_24 = arith.muli %arg1, %mul3A_23 : i32
    %dma_start3A_25 = tpu.memref_slice %arg14[%mul3A_24] : memref<657408xf32, #tpu.memory_space<vmem_shared>> -> memref<20544xf32, #tpu.memory_space<vmem_shared>>
    %dma_start3A_26 = tpu.memref_slice %arg14[%mul3A_24] : memref<657408xf32, #tpu.memory_space<vmem_shared>> -> memref<20544xf32, #tpu.memory_space<vmem_shared>>
    tpu.enqueue_dma source(%arg13 : memref<20544xf32, #tpu.memory_space<vmem>>) target(%dma_start3A_26 : memref<20544xf32, #tpu.memory_space<vmem_shared>>) target_semaphore(%arg21 : memref<!tpu.dma_semaphore, #tpu.memory_space<semaphore_mem>>)
    %mul3A_27 = arith.constant 41088 : i32
    %mul3A_28 = arith.muli %arg1, %mul3A_27 : i32
    %add3A_29 = arith.constant 20544 : i32
    %add3A_30 = arith.addi %mul3A_28, %add3A_29 : i32
    %dma_start3A_31 = tpu.memref_slice %arg14[%add3A_30] : memref<657408xf32, #tpu.memory_space<vmem_shared>> -> memref<20544xf32, #tpu.memory_space<vmem_shared>>
    %dma_start3A_32 = tpu.memref_slice %arg14[%add3A_30] : memref<657408xf32, #tpu.memory_space<vmem_shared>> -> memref<20544xf32, #tpu.memory_space<vmem_shared>>
    tpu.enqueue_dma source(%arg13 : memref<20544xf32, #tpu.memory_space<vmem>>) target(%dma_start3A_32 : memref<20544xf32, #tpu.memory_space<vmem_shared>>) target_semaphore(%arg21 : memref<!tpu.dma_semaphore, #tpu.memory_space<semaphore_mem>>)
    tpu.wait_dma2 semaphore(%arg19 : memref<!tpu.dma_semaphore, #tpu.memory_space<semaphore_mem>>) src(%arg4 : memref<10000xf32, #tpu.memory_space<hbm>>) dst(%arg12 : memref<10000xf32, #tpu.memory_space<vmem>>)
    %dma_wait3A_33 = tpu.memref_slice %arg14[%mul3A_24] : memref<657408xf32, #tpu.memory_space<vmem_shared>> -> memref<20544xf32, #tpu.memory_space<vmem_shared>>
    %dma_wait3A_34 = tpu.memref_slice %arg14[%mul3A_24] : memref<657408xf32, #tpu.memory_space<vmem_shared>> -> memref<20544xf32, #tpu.memory_space<vmem_shared>>
    tpu.wait_dma2 semaphore(%arg21 : memref<!tpu.dma_semaphore, #tpu.memory_space<semaphore_mem>>) src(%arg13 : memref<20544xf32, #tpu.memory_space<vmem>>) dst(%dma_wait3A_34 : memref<20544xf32, #tpu.memory_space<vmem_shared>>)
    %dma_wait3A_35 = tpu.memref_slice %arg14[%add3A_30] : memref<657408xf32, #tpu.memory_space<vmem_shared>> -> memref<20544xf32, #tpu.memory_space<vmem_shared>>
    %dma_wait3A_36 = tpu.memref_slice %arg14[%add3A_30] : memref<657408xf32, #tpu.memory_space<vmem_shared>> -> memref<20544xf32, #tpu.memory_space<vmem_shared>>
    tpu.wait_dma2 semaphore(%arg21 : memref<!tpu.dma_semaphore, #tpu.memory_space<semaphore_mem>>) src(%arg13 : memref<20544xf32, #tpu.memory_space<vmem>>) dst(%dma_wait3A_36 : memref<20544xf32, #tpu.memory_space<vmem_shared>>)
    %barrier3A_37 = arith.constant 0 : index
    tpu.barrier barrier_id(%barrier3A_37)
    %dma_start3A_38 = arith.constant 0 : i32
    %dma_start3A_39 = tpu.memref_slice %arg14[%dma_start3A_38] : memref<657408xf32, #tpu.memory_space<vmem_shared>> -> memref<657408xf32, #tpu.memory_space<vmem_shared>>
    tpu.enqueue_indirect_dma source(%arg12 : memref<10000xf32, #tpu.memory_space<vmem>>) target(%dma_start3A_39 : memref<657408xf32, #tpu.memory_space<vmem_shared>>) offsets(%arg7 : memref<10000xi32, #tpu.memory_space<vmem>>) semaphore(%arg24 : memref<!tpu.dma_semaphore, #tpu.memory_space<semaphore_mem>>) {add = true}
    %dma_wait3A_40 = tpu.memref_slice %arg2[%add3A_5] : memref<640000xi32, #tpu.memory_space<hbm>> -> memref<10000xi32, #tpu.memory_space<hbm>>
    %dma_wait3A_41 = tpu.memref_slice %arg2[%add3A_5] : memref<640000xi32, #tpu.memory_space<hbm>> -> memref<10000xi32, #tpu.memory_space<hbm>>
    tpu.wait_dma2 semaphore(%arg18 : memref<!tpu.dma_semaphore, #tpu.memory_space<semaphore_mem>>) src(%dma_wait3A_41 : memref<10000xi32, #tpu.memory_space<hbm>>) dst(%arg8 : memref<10000xi32, #tpu.memory_space<vmem>>)
    %dma_wait3A_42 = arith.constant 0 : i32
    %dma_wait3A_43 = tpu.memref_slice %arg9[%dma_wait3A_42] : memref<10000xi32, #tpu.memory_space<vmem>> -> memref<4992xi32, #tpu.memory_space<vmem>>
    %dma_wait3A_44 = arith.constant 0 : i32
    %dma_wait3A_45 = tpu.memref_slice %arg7[%dma_wait3A_44] : memref<10000xi32, #tpu.memory_space<vmem>> -> memref<4992xi32, #tpu.memory_space<vmem>>
    %dma_wait3A_46 = arith.constant 0 : i32
    %dma_wait3A_47 = tpu.memref_slice %arg15[%dma_wait3A_46] : memref<10000xi32, #tpu.memory_space<vmem_shared>> -> memref<10000xi32, #tpu.memory_space<vmem_shared>>
    tpu.wait_indirect_dma semaphore(%arg22 : memref<!tpu.dma_semaphore, #tpu.memory_space<semaphore_mem>>) src(%dma_wait3A_47 : memref<10000xi32, #tpu.memory_space<vmem_shared>>) dst(%dma_wait3A_43 : memref<4992xi32, #tpu.memory_space<vmem>>)
    %scan3A = arith.constant 0 : i32
    %scan3A_48 = arith.constant 0 : i32
    %scan3A_49 = arith.constant 312 : i32
    %scan3A_50 = arith.addi %scan3A_48, %scan3A_49 : i32
    %scan3A_51 = arith.constant 1 : i32
    scf.for %scan3A_209 = %scan3A_48 to %scan3A_50 step %scan3A_51  : i32 {
      %mul3A_210 = arith.constant 16 : i32
      %mul3A_211 = arith.muli %scan3A_209, %mul3A_210 : i32
      %get3A = arith.index_cast %mul3A_211 : i32 to index
      %get3A_212 = tpu.vector_load %arg8[%get3A] {strides = array<i32>} : memref<10000xi32, #tpu.memory_space<vmem>>, vector<16xi32>,
      %get3A_213 = vector.shape_cast %get3A_212 : vector<16xi32> to vector<16xi32>
      %get3A_214 = arith.index_cast %mul3A_211 : i32 to index
      %get3A_215 = tpu.vector_load %arg9[%get3A_214] {strides = array<i32>} : memref<10000xi32, #tpu.memory_space<vmem>>, vector<16xi32>,
      %get3A_216 = vector.shape_cast %get3A_215 : vector<16xi32> to vector<16xi32>
      %mul3A_217 = arith.constant 10112 : i32
      %mul3A_218 = vector.broadcast %mul3A_217 : i32 to vector<16xi32>
      %mul3A_219 = arith.muli %get3A_216, %mul3A_218 : vector<16xi32>
      %add3A_220 = arith.addi %mul3A_219, %get3A_213 : vector<16xi32>
      %add3A_221 = arith.constant 10112 : i32
      %add3A_222 = vector.broadcast %add3A_221 : i32 to vector<16xi32>
      %add3A_223 = arith.addi %add3A_220, %add3A_222 : vector<16xi32>
      %swap3A = arith.index_cast %mul3A_211 : i32 to index
      %swap3A_224 = tpu.vector_load %arg10[%swap3A] {strides = array<i32>} : memref<4992xi32, #tpu.memory_space<vmem>>, vector<16xi32>,
      %swap3A_225 = vector.shape_cast %swap3A_224 : vector<16xi32> to vector<16xi32>
      %swap3A_226 = vector.shape_cast %add3A_223 : vector<16xi32> to vector<16xi32>
      tpu.vector_store %arg10[%swap3A], %swap3A_226 {strides = array<i32>} : memref<4992xi32, #tpu.memory_space<vmem>>, vector<16xi32>,
    }
    %scan3A_52 = arith.constant 312 : i32
    %dma_start3A_53 = arith.constant 0 : i32
    %dma_start3A_54 = tpu.memref_slice %arg12[%dma_start3A_53] : memref<10000xf32, #tpu.memory_space<vmem>> -> memref<4992xf32, #tpu.memory_space<vmem>>
    %dma_start3A_55 = arith.constant 0 : i32
    %dma_start3A_56 = tpu.memref_slice %arg14[%dma_start3A_55] : memref<657408xf32, #tpu.memory_space<vmem_shared>> -> memref<657408xf32, #tpu.memory_space<vmem_shared>>
    tpu.enqueue_indirect_dma source(%dma_start3A_54 : memref<4992xf32, #tpu.memory_space<vmem>>) target(%dma_start3A_56 : memref<657408xf32, #tpu.memory_space<vmem_shared>>) offsets(%arg10 : memref<4992xi32, #tpu.memory_space<vmem>>) semaphore(%arg24 : memref<!tpu.dma_semaphore, #tpu.memory_space<semaphore_mem>>) {add = true}
    %dma_wait3A_57 = arith.constant 4992 : i32
    %dma_wait3A_58 = tpu.memref_slice %arg9[%dma_wait3A_57] : memref<10000xi32, #tpu.memory_space<vmem>> -> memref<5008xi32, #tpu.memory_space<vmem>>
    %dma_wait3A_59 = arith.constant 4992 : i32
    %dma_wait3A_60 = tpu.memref_slice %arg7[%dma_wait3A_59] : memref<10000xi32, #tpu.memory_space<vmem>> -> memref<5008xi32, #tpu.memory_space<vmem>>
    %dma_wait3A_61 = arith.constant 0 : i32
    %dma_wait3A_62 = tpu.memref_slice %arg15[%dma_wait3A_61] : memref<10000xi32, #tpu.memory_space<vmem_shared>> -> memref<10000xi32, #tpu.memory_space<vmem_shared>>
    tpu.wait_indirect_dma semaphore(%arg23 : memref<!tpu.dma_semaphore, #tpu.memory_space<semaphore_mem>>) src(%dma_wait3A_62 : memref<10000xi32, #tpu.memory_space<vmem_shared>>) dst(%dma_wait3A_58 : memref<5008xi32, #tpu.memory_space<vmem>>)
    %scan3A_63 = arith.constant 0 : i32
    %scan3A_64 = arith.constant 0 : i32
    %scan3A_65 = arith.constant 313 : i32
    %scan3A_66 = arith.addi %scan3A_64, %scan3A_65 : i32
    %scan3A_67 = arith.constant 1 : i32
    scf.for %scan3A_209 = %scan3A_64 to %scan3A_66 step %scan3A_67  : i32 {
      %mul3A_210 = arith.constant 16 : i32
      %mul3A_211 = arith.muli %scan3A_209, %mul3A_210 : i32
      %add3A_212 = arith.constant 4992 : i32
      %add3A_213 = arith.addi %add3A_212, %mul3A_211 : i32
      %get3A = arith.index_cast %add3A_213 : i32 to index
      %get3A_214 = tpu.vector_load %arg8[%get3A] {strides = array<i32>} : memref<10000xi32, #tpu.memory_space<vmem>>, vector<16xi32>,
      %get3A_215 = vector.shape_cast %get3A_214 : vector<16xi32> to vector<16xi32>
      %add3A_216 = arith.constant 4992 : i32
      %add3A_217 = arith.addi %add3A_216, %mul3A_211 : i32
      %get3A_218 = arith.index_cast %add3A_217 : i32 to index
      %get3A_219 = tpu.vector_load %arg9[%get3A_218] {strides = array<i32>} : memref<10000xi32, #tpu.memory_space<vmem>>, vector<16xi32>,
      %get3A_220 = vector.shape_cast %get3A_219 : vector<16xi32> to vector<16xi32>
      %mul3A_221 = arith.constant 10112 : i32
      %mul3A_222 = vector.broadcast %mul3A_221 : i32 to vector<16xi32>
      %mul3A_223 = arith.muli %get3A_220, %mul3A_222 : vector<16xi32>
      %add3A_224 = arith.addi %mul3A_223, %get3A_215 : vector<16xi32>
      %add3A_225 = arith.constant 10112 : i32
      %add3A_226 = vector.broadcast %add3A_225 : i32 to vector<16xi32>
      %add3A_227 = arith.addi %add3A_224, %add3A_226 : vector<16xi32>
      %swap3A = arith.index_cast %mul3A_211 : i32 to index
      %swap3A_228 = tpu.vector_load %arg11[%swap3A] {strides = array<i32>} : memref<5008xi32, #tpu.memory_space<vmem>>, vector<16xi32>,
      %swap3A_229 = vector.shape_cast %swap3A_228 : vector<16xi32> to vector<16xi32>
      %swap3A_230 = vector.shape_cast %add3A_227 : vector<16xi32> to vector<16xi32>
      tpu.vector_store %arg11[%swap3A], %swap3A_230 {strides = array<i32>} : memref<5008xi32, #tpu.memory_space<vmem>>, vector<16xi32>,
    }
    %scan3A_68 = arith.constant 313 : i32
    %dma_start3A_69 = arith.constant 0 : i32
    %dma_start3A_70 = tpu.memref_slice %arg12[%dma_start3A_69] : memref<10000xf32, #tpu.memory_space<vmem>> -> memref<5008xf32, #tpu.memory_space<vmem>>
    %dma_start3A_71 = arith.constant 0 : i32
    %dma_start3A_72 = tpu.memref_slice %arg14[%dma_start3A_71] : memref<657408xf32, #tpu.memory_space<vmem_shared>> -> memref<657408xf32, #tpu.memory_space<vmem_shared>>
    tpu.enqueue_indirect_dma source(%dma_start3A_70 : memref<5008xf32, #tpu.memory_space<vmem>>) target(%dma_start3A_72 : memref<657408xf32, #tpu.memory_space<vmem_shared>>) offsets(%arg11 : memref<5008xi32, #tpu.memory_space<vmem>>) semaphore(%arg24 : memref<!tpu.dma_semaphore, #tpu.memory_space<semaphore_mem>>) {add = true}
    %dma_wait3A_73 = arith.constant 0 : i32
    %dma_wait3A_74 = tpu.memref_slice %arg14[%dma_wait3A_73] : memref<657408xf32, #tpu.memory_space<vmem_shared>> -> memref<657408xf32, #tpu.memory_space<vmem_shared>>
    tpu.wait_indirect_dma semaphore(%arg24 : memref<!tpu.dma_semaphore, #tpu.memory_space<semaphore_mem>>) src(%arg12 : memref<10000xf32, #tpu.memory_space<vmem>>) dst(%dma_wait3A_74 : memref<657408xf32, #tpu.memory_space<vmem_shared>>)
    %dma_wait3A_75 = arith.constant 0 : i32
    %dma_wait3A_76 = tpu.memref_slice %arg12[%dma_wait3A_75] : memref<10000xf32, #tpu.memory_space<vmem>> -> memref<4992xf32, #tpu.memory_space<vmem>>
    %dma_wait3A_77 = arith.constant 0 : i32
    %dma_wait3A_78 = tpu.memref_slice %arg14[%dma_wait3A_77] : memref<657408xf32, #tpu.memory_space<vmem_shared>> -> memref<657408xf32, #tpu.memory_space<vmem_shared>>
    tpu.wait_indirect_dma semaphore(%arg24 : memref<!tpu.dma_semaphore, #tpu.memory_space<semaphore_mem>>) src(%dma_wait3A_76 : memref<4992xf32, #tpu.memory_space<vmem>>) dst(%dma_wait3A_78 : memref<657408xf32, #tpu.memory_space<vmem_shared>>)
    %dma_wait3A_79 = arith.constant 0 : i32
    %dma_wait3A_80 = tpu.memref_slice %arg12[%dma_wait3A_79] : memref<10000xf32, #tpu.memory_space<vmem>> -> memref<5008xf32, #tpu.memory_space<vmem>>
    %dma_wait3A_81 = arith.constant 0 : i32
    %dma_wait3A_82 = tpu.memref_slice %arg14[%dma_wait3A_81] : memref<657408xf32, #tpu.memory_space<vmem_shared>> -> memref<657408xf32, #tpu.memory_space<vmem_shared>>
    tpu.wait_indirect_dma semaphore(%arg24 : memref<!tpu.dma_semaphore, #tpu.memory_space<semaphore_mem>>) src(%dma_wait3A_80 : memref<5008xf32, #tpu.memory_space<vmem>>) dst(%dma_wait3A_82 : memref<657408xf32, #tpu.memory_space<vmem_shared>>)
    %barrier3A_83 = arith.constant 0 : index
    tpu.barrier barrier_id(%barrier3A_83)
    %mul3A_84 = arith.constant 657408 : i32
    %mul3A_85 = arith.muli %arg0, %mul3A_84 : i32
    %mul3A_86 = arith.constant 41088 : i32
    %mul3A_87 = arith.muli %arg1, %mul3A_86 : i32
    %add3A_88 = arith.addi %mul3A_85, %mul3A_87 : i32
    %mul3A_89 = arith.constant 41088 : i32
    %mul3A_90 = arith.muli %arg1, %mul3A_89 : i32
    %add3A_91 = arith.constant 0 : i32
    %add3A_92 = arith.addi %mul3A_90, %add3A_91 : i32
    %dma_start3A_93 = arith.constant 0 : i32
    %dma_start3A_94 = tpu.memref_slice %arg13[%dma_start3A_93] : memref<20544xf32, #tpu.memory_space<vmem>> -> memref<10272xf32, #tpu.memory_space<vmem>>
    %dma_start3A_95 = tpu.memref_slice %arg14[%add3A_92] : memref<657408xf32, #tpu.memory_space<vmem_shared>> -> memref<10272xf32, #tpu.memory_space<vmem_shared>>
    %dma_start3A_96 = arith.constant 0 : i32
    %dma_start3A_97 = tpu.memref_slice %arg13[%dma_start3A_96] : memref<20544xf32, #tpu.memory_space<vmem>> -> memref<10272xf32, #tpu.memory_space<vmem>>
    %dma_start3A_98 = tpu.memref_slice %arg14[%add3A_92] : memref<657408xf32, #tpu.memory_space<vmem_shared>> -> memref<10272xf32, #tpu.memory_space<vmem_shared>>
    tpu.enqueue_dma source(%dma_start3A_98 : memref<10272xf32, #tpu.memory_space<vmem_shared>>) target(%dma_start3A_97 : memref<10272xf32, #tpu.memory_space<vmem>>) target_semaphore(%arg25 : memref<!tpu.dma_semaphore, #tpu.memory_space<semaphore_mem>>)
    %mul3A_99 = arith.constant 41088 : i32
    %mul3A_100 = arith.muli %arg1, %mul3A_99 : i32
    %add3A_101 = arith.constant 10272 : i32
    %add3A_102 = arith.addi %mul3A_100, %add3A_101 : i32
    %dma_start3A_103 = arith.constant 10272 : i32
    %dma_start3A_104 = tpu.memref_slice %arg13[%dma_start3A_103] : memref<20544xf32, #tpu.memory_space<vmem>> -> memref<10272xf32, #tpu.memory_space<vmem>>
    %dma_start3A_105 = tpu.memref_slice %arg14[%add3A_102] : memref<657408xf32, #tpu.memory_space<vmem_shared>> -> memref<10272xf32, #tpu.memory_space<vmem_shared>>
    %dma_start3A_106 = arith.constant 10272 : i32
    %dma_start3A_107 = tpu.memref_slice %arg13[%dma_start3A_106] : memref<20544xf32, #tpu.memory_space<vmem>> -> memref<10272xf32, #tpu.memory_space<vmem>>
    %dma_start3A_108 = tpu.memref_slice %arg14[%add3A_102] : memref<657408xf32, #tpu.memory_space<vmem_shared>> -> memref<10272xf32, #tpu.memory_space<vmem_shared>>
    tpu.enqueue_dma source(%dma_start3A_108 : memref<10272xf32, #tpu.memory_space<vmem_shared>>) target(%dma_start3A_107 : memref<10272xf32, #tpu.memory_space<vmem>>) target_semaphore(%arg25 : memref<!tpu.dma_semaphore, #tpu.memory_space<semaphore_mem>>)
    %dma_wait3A_109 = arith.constant 0 : i32
    %dma_wait3A_110 = tpu.memref_slice %arg13[%dma_wait3A_109] : memref<20544xf32, #tpu.memory_space<vmem>> -> memref<10272xf32, #tpu.memory_space<vmem>>
    %dma_wait3A_111 = tpu.memref_slice %arg14[%add3A_92] : memref<657408xf32, #tpu.memory_space<vmem_shared>> -> memref<10272xf32, #tpu.memory_space<vmem_shared>>
    %dma_wait3A_112 = arith.constant 0 : i32
    %dma_wait3A_113 = tpu.memref_slice %arg13[%dma_wait3A_112] : memref<20544xf32, #tpu.memory_space<vmem>> -> memref<10272xf32, #tpu.memory_space<vmem>>
    %dma_wait3A_114 = tpu.memref_slice %arg14[%add3A_92] : memref<657408xf32, #tpu.memory_space<vmem_shared>> -> memref<10272xf32, #tpu.memory_space<vmem_shared>>
    tpu.wait_dma2 semaphore(%arg25 : memref<!tpu.dma_semaphore, #tpu.memory_space<semaphore_mem>>) src(%dma_wait3A_114 : memref<10272xf32, #tpu.memory_space<vmem_shared>>) dst(%dma_wait3A_113 : memref<10272xf32, #tpu.memory_space<vmem>>)
    %add3A_115 = arith.constant 0 : i32
    %add3A_116 = arith.addi %add3A_88, %add3A_115 : i32
    %dma_start3A_117 = arith.constant 0 : i32
    %dma_start3A_118 = tpu.memref_slice %arg13[%dma_start3A_117] : memref<20544xf32, #tpu.memory_space<vmem>> -> memref<10272xf32, #tpu.memory_space<vmem>>
    %dma_start3A_119 = tpu.memref_slice %arg6[%add3A_116] : memref<1314816xf32, #tpu.memory_space<hbm>> -> memref<10272xf32, #tpu.memory_space<hbm>>
    %dma_start3A_120 = tpu.memref_slice %arg6[%add3A_116] : memref<1314816xf32, #tpu.memory_space<hbm>> -> memref<10272xf32, #tpu.memory_space<hbm>>
    %dma_start3A_121 = arith.constant 0 : i32
    %dma_start3A_122 = tpu.memref_slice %arg13[%dma_start3A_121] : memref<20544xf32, #tpu.memory_space<vmem>> -> memref<10272xf32, #tpu.memory_space<vmem>>
    tpu.enqueue_dma source(%dma_start3A_122 : memref<10272xf32, #tpu.memory_space<vmem>>) target(%dma_start3A_120 : memref<10272xf32, #tpu.memory_space<hbm>>) target_semaphore(%arg26 : memref<!tpu.dma_semaphore, #tpu.memory_space<semaphore_mem>>)
    %dma_wait3A_123 = arith.constant 10272 : i32
    %dma_wait3A_124 = tpu.memref_slice %arg13[%dma_wait3A_123] : memref<20544xf32, #tpu.memory_space<vmem>> -> memref<10272xf32, #tpu.memory_space<vmem>>
    %dma_wait3A_125 = tpu.memref_slice %arg14[%add3A_102] : memref<657408xf32, #tpu.memory_space<vmem_shared>> -> memref<10272xf32, #tpu.memory_space<vmem_shared>>
    %dma_wait3A_126 = arith.constant 10272 : i32
    %dma_wait3A_127 = tpu.memref_slice %arg13[%dma_wait3A_126] : memref<20544xf32, #tpu.memory_space<vmem>> -> memref<10272xf32, #tpu.memory_space<vmem>>
    %dma_wait3A_128 = tpu.memref_slice %arg14[%add3A_102] : memref<657408xf32, #tpu.memory_space<vmem_shared>> -> memref<10272xf32, #tpu.memory_space<vmem_shared>>
    tpu.wait_dma2 semaphore(%arg25 : memref<!tpu.dma_semaphore, #tpu.memory_space<semaphore_mem>>) src(%dma_wait3A_128 : memref<10272xf32, #tpu.memory_space<vmem_shared>>) dst(%dma_wait3A_127 : memref<10272xf32, #tpu.memory_space<vmem>>)
    %add3A_129 = arith.constant 10272 : i32
    %add3A_130 = arith.addi %add3A_88, %add3A_129 : i32
    %dma_start3A_131 = arith.constant 10272 : i32
    %dma_start3A_132 = tpu.memref_slice %arg13[%dma_start3A_131] : memref<20544xf32, #tpu.memory_space<vmem>> -> memref<10272xf32, #tpu.memory_space<vmem>>
    %dma_start3A_133 = tpu.memref_slice %arg6[%add3A_130] : memref<1314816xf32, #tpu.memory_space<hbm>> -> memref<10272xf32, #tpu.memory_space<hbm>>
    %dma_start3A_134 = tpu.memref_slice %arg6[%add3A_130] : memref<1314816xf32, #tpu.memory_space<hbm>> -> memref<10272xf32, #tpu.memory_space<hbm>>
    %dma_start3A_135 = arith.constant 10272 : i32
    %dma_start3A_136 = tpu.memref_slice %arg13[%dma_start3A_135] : memref<20544xf32, #tpu.memory_space<vmem>> -> memref<10272xf32, #tpu.memory_space<vmem>>
    tpu.enqueue_dma source(%dma_start3A_136 : memref<10272xf32, #tpu.memory_space<vmem>>) target(%dma_start3A_134 : memref<10272xf32, #tpu.memory_space<hbm>>) target_semaphore(%arg26 : memref<!tpu.dma_semaphore, #tpu.memory_space<semaphore_mem>>)
    %dma_wait3A_137 = arith.constant 0 : i32
    %dma_wait3A_138 = tpu.memref_slice %arg13[%dma_wait3A_137] : memref<20544xf32, #tpu.memory_space<vmem>> -> memref<10272xf32, #tpu.memory_space<vmem>>
    %dma_wait3A_139 = tpu.memref_slice %arg6[%add3A_116] : memref<1314816xf32, #tpu.memory_space<hbm>> -> memref<10272xf32, #tpu.memory_space<hbm>>
    %dma_wait3A_140 = tpu.memref_slice %arg6[%add3A_116] : memref<1314816xf32, #tpu.memory_space<hbm>> -> memref<10272xf32, #tpu.memory_space<hbm>>
    %dma_wait3A_141 = arith.constant 0 : i32
    %dma_wait3A_142 = tpu.memref_slice %arg13[%dma_wait3A_141] : memref<20544xf32, #tpu.memory_space<vmem>> -> memref<10272xf32, #tpu.memory_space<vmem>>
    tpu.wait_dma2 semaphore(%arg26 : memref<!tpu.dma_semaphore, #tpu.memory_space<semaphore_mem>>) src(%dma_wait3A_142 : memref<10272xf32, #tpu.memory_space<vmem>>) dst(%dma_wait3A_140 : memref<10272xf32, #tpu.memory_space<hbm>>)
    %mul3A_143 = arith.constant 41088 : i32
    %mul3A_144 = arith.muli %arg1, %mul3A_143 : i32
    %add3A_145 = arith.constant 20544 : i32
    %add3A_146 = arith.addi %mul3A_144, %add3A_145 : i32
    %dma_start3A_147 = arith.constant 0 : i32
    %dma_start3A_148 = tpu.memref_slice %arg13[%dma_start3A_147] : memref<20544xf32, #tpu.memory_space<vmem>> -> memref<10272xf32, #tpu.memory_space<vmem>>
    %dma_start3A_149 = tpu.memref_slice %arg14[%add3A_146] : memref<657408xf32, #tpu.memory_space<vmem_shared>> -> memref<10272xf32, #tpu.memory_space<vmem_shared>>
    %dma_start3A_150 = arith.constant 0 : i32
    %dma_start3A_151 = tpu.memref_slice %arg13[%dma_start3A_150] : memref<20544xf32, #tpu.memory_space<vmem>> -> memref<10272xf32, #tpu.memory_space<vmem>>
    %dma_start3A_152 = tpu.memref_slice %arg14[%add3A_146] : memref<657408xf32, #tpu.memory_space<vmem_shared>> -> memref<10272xf32, #tpu.memory_space<vmem_shared>>
    tpu.enqueue_dma source(%dma_start3A_152 : memref<10272xf32, #tpu.memory_space<vmem_shared>>) target(%dma_start3A_151 : memref<10272xf32, #tpu.memory_space<vmem>>) target_semaphore(%arg25 : memref<!tpu.dma_semaphore, #tpu.memory_space<semaphore_mem>>)
    %dma_wait3A_153 = arith.constant 10272 : i32
    %dma_wait3A_154 = tpu.memref_slice %arg13[%dma_wait3A_153] : memref<20544xf32, #tpu.memory_space<vmem>> -> memref<10272xf32, #tpu.memory_space<vmem>>
    %dma_wait3A_155 = tpu.memref_slice %arg6[%add3A_130] : memref<1314816xf32, #tpu.memory_space<hbm>> -> memref<10272xf32, #tpu.memory_space<hbm>>
    %dma_wait3A_156 = tpu.memref_slice %arg6[%add3A_130] : memref<1314816xf32, #tpu.memory_space<hbm>> -> memref<10272xf32, #tpu.memory_space<hbm>>
    %dma_wait3A_157 = arith.constant 10272 : i32
    %dma_wait3A_158 = tpu.memref_slice %arg13[%dma_wait3A_157] : memref<20544xf32, #tpu.memory_space<vmem>> -> memref<10272xf32, #tpu.memory_space<vmem>>
    tpu.wait_dma2 semaphore(%arg26 : memref<!tpu.dma_semaphore, #tpu.memory_space<semaphore_mem>>) src(%dma_wait3A_158 : memref<10272xf32, #tpu.memory_space<vmem>>) dst(%dma_wait3A_156 : memref<10272xf32, #tpu.memory_space<hbm>>)
    %mul3A_159 = arith.constant 41088 : i32
    %mul3A_160 = arith.muli %arg1, %mul3A_159 : i32
    %add3A_161 = arith.constant 30816 : i32
    %add3A_162 = arith.addi %mul3A_160, %add3A_161 : i32
    %dma_start3A_163 = arith.constant 10272 : i32
    %dma_start3A_164 = tpu.memref_slice %arg13[%dma_start3A_163] : memref<20544xf32, #tpu.memory_space<vmem>> -> memref<10272xf32, #tpu.memory_space<vmem>>
    %dma_start3A_165 = tpu.memref_slice %arg14[%add3A_162] : memref<657408xf32, #tpu.memory_space<vmem_shared>> -> memref<10272xf32, #tpu.memory_space<vmem_shared>>
    %dma_start3A_166 = arith.constant 10272 : i32
    %dma_start3A_167 = tpu.memref_slice %arg13[%dma_start3A_166] : memref<20544xf32, #tpu.memory_space<vmem>> -> memref<10272xf32, #tpu.memory_space<vmem>>
    %dma_start3A_168 = tpu.memref_slice %arg14[%add3A_162] : memref<657408xf32, #tpu.memory_space<vmem_shared>> -> memref<10272xf32, #tpu.memory_space<vmem_shared>>
    tpu.enqueue_dma source(%dma_start3A_168 : memref<10272xf32, #tpu.memory_space<vmem_shared>>) target(%dma_start3A_167 : memref<10272xf32, #tpu.memory_space<vmem>>) target_semaphore(%arg25 : memref<!tpu.dma_semaphore, #tpu.memory_space<semaphore_mem>>)
    %dma_wait3A_169 = arith.constant 0 : i32
    %dma_wait3A_170 = tpu.memref_slice %arg13[%dma_wait3A_169] : memref<20544xf32, #tpu.memory_space<vmem>> -> memref<10272xf32, #tpu.memory_space<vmem>>
    %dma_wait3A_171 = tpu.memref_slice %arg14[%add3A_146] : memref<657408xf32, #tpu.memory_space<vmem_shared>> -> memref<10272xf32, #tpu.memory_space<vmem_shared>>
    %dma_wait3A_172 = arith.constant 0 : i32
    %dma_wait3A_173 = tpu.memref_slice %arg13[%dma_wait3A_172] : memref<20544xf32, #tpu.memory_space<vmem>> -> memref<10272xf32, #tpu.memory_space<vmem>>
    %dma_wait3A_174 = tpu.memref_slice %arg14[%add3A_146] : memref<657408xf32, #tpu.memory_space<vmem_shared>> -> memref<10272xf32, #tpu.memory_space<vmem_shared>>
    tpu.wait_dma2 semaphore(%arg25 : memref<!tpu.dma_semaphore, #tpu.memory_space<semaphore_mem>>) src(%dma_wait3A_174 : memref<10272xf32, #tpu.memory_space<vmem_shared>>) dst(%dma_wait3A_173 : memref<10272xf32, #tpu.memory_space<vmem>>)
    %add3A_175 = arith.constant 20544 : i32
    %add3A_176 = arith.addi %add3A_88, %add3A_175 : i32
    %dma_start3A_177 = arith.constant 0 : i32
    %dma_start3A_178 = tpu.memref_slice %arg13[%dma_start3A_177] : memref<20544xf32, #tpu.memory_space<vmem>> -> memref<10272xf32, #tpu.memory_space<vmem>>
    %dma_start3A_179 = tpu.memref_slice %arg6[%add3A_176] : memref<1314816xf32, #tpu.memory_space<hbm>> -> memref<10272xf32, #tpu.memory_space<hbm>>
    %dma_start3A_180 = tpu.memref_slice %arg6[%add3A_176] : memref<1314816xf32, #tpu.memory_space<hbm>> -> memref<10272xf32, #tpu.memory_space<hbm>>
    %dma_start3A_181 = arith.constant 0 : i32
    %dma_start3A_182 = tpu.memref_slice %arg13[%dma_start3A_181] : memref<20544xf32, #tpu.memory_space<vmem>> -> memref<10272xf32, #tpu.memory_space<vmem>>
    tpu.enqueue_dma source(%dma_start3A_182 : memref<10272xf32, #tpu.memory_space<vmem>>) target(%dma_start3A_180 : memref<10272xf32, #tpu.memory_space<hbm>>) target_semaphore(%arg26 : memref<!tpu.dma_semaphore, #tpu.memory_space<semaphore_mem>>)
    %dma_wait3A_183 = arith.constant 10272 : i32
    %dma_wait3A_184 = tpu.memref_slice %arg13[%dma_wait3A_183] : memref<20544xf32, #tpu.memory_space<vmem>> -> memref<10272xf32, #tpu.memory_space<vmem>>
    %dma_wait3A_185 = tpu.memref_slice %arg14[%add3A_162] : memref<657408xf32, #tpu.memory_space<vmem_shared>> -> memref<10272xf32, #tpu.memory_space<vmem_shared>>
    %dma_wait3A_186 = arith.constant 10272 : i32
    %dma_wait3A_187 = tpu.memref_slice %arg13[%dma_wait3A_186] : memref<20544xf32, #tpu.memory_space<vmem>> -> memref<10272xf32, #tpu.memory_space<vmem>>
    %dma_wait3A_188 = tpu.memref_slice %arg14[%add3A_162] : memref<657408xf32, #tpu.memory_space<vmem_shared>> -> memref<10272xf32, #tpu.memory_space<vmem_shared>>
    tpu.wait_dma2 semaphore(%arg25 : memref<!tpu.dma_semaphore, #tpu.memory_space<semaphore_mem>>) src(%dma_wait3A_188 : memref<10272xf32, #tpu.memory_space<vmem_shared>>) dst(%dma_wait3A_187 : memref<10272xf32, #tpu.memory_space<vmem>>)
    %add3A_189 = arith.constant 30816 : i32
    %add3A_190 = arith.addi %add3A_88, %add3A_189 : i32
    %dma_start3A_191 = arith.constant 10272 : i32
    %dma_start3A_192 = tpu.memref_slice %arg13[%dma_start3A_191] : memref<20544xf32, #tpu.memory_space<vmem>> -> memref<10272xf32, #tpu.memory_space<vmem>>
    %dma_start3A_193 = tpu.memref_slice %arg6[%add3A_190] : memref<1314816xf32, #tpu.memory_space<hbm>> -> memref<10272xf32, #tpu.memory_space<hbm>>
    %dma_start3A_194 = tpu.memref_slice %arg6[%add3A_190] : memref<1314816xf32, #tpu.memory_space<hbm>> -> memref<10272xf32, #tpu.memory_space<hbm>>
    %dma_start3A_195 = arith.constant 10272 : i32
    %dma_start3A_196 = tpu.memref_slice %arg13[%dma_start3A_195] : memref<20544xf32, #tpu.memory_space<vmem>> -> memref<10272xf32, #tpu.memory_space<vmem>>
    tpu.enqueue_dma source(%dma_start3A_196 : memref<10272xf32, #tpu.memory_space<vmem>>) target(%dma_start3A_194 : memref<10272xf32, #tpu.memory_space<hbm>>) target_semaphore(%arg26 : memref<!tpu.dma_semaphore, #tpu.memory_space<semaphore_mem>>)
    %dma_wait3A_197 = arith.constant 0 : i32
    %dma_wait3A_198 = tpu.memref_slice %arg13[%dma_wait3A_197] : memref<20544xf32, #tpu.memory_space<vmem>> -> memref<10272xf32, #tpu.memory_space<vmem>>
    %dma_wait3A_199 = tpu.memref_slice %arg6[%add3A_176] : memref<1314816xf32, #tpu.memory_space<hbm>> -> memref<10272xf32, #tpu.memory_space<hbm>>
    %dma_wait3A_200 = tpu.memref_slice %arg6[%add3A_176] : memref<1314816xf32, #tpu.memory_space<hbm>> -> memref<10272xf32, #tpu.memory_space<hbm>>
    %dma_wait3A_201 = arith.constant 0 : i32
    %dma_wait3A_202 = tpu.memref_slice %arg13[%dma_wait3A_201] : memref<20544xf32, #tpu.memory_space<vmem>> -> memref<10272xf32, #tpu.memory_space<vmem>>
    tpu.wait_dma2 semaphore(%arg26 : memref<!tpu.dma_semaphore, #tpu.memory_space<semaphore_mem>>) src(%dma_wait3A_202 : memref<10272xf32, #tpu.memory_space<vmem>>) dst(%dma_wait3A_200 : memref<10272xf32, #tpu.memory_space<hbm>>)
    %dma_wait3A_203 = arith.constant 10272 : i32
    %dma_wait3A_204 = tpu.memref_slice %arg13[%dma_wait3A_203] : memref<20544xf32, #tpu.memory_space<vmem>> -> memref<10272xf32, #tpu.memory_space<vmem>>
    %dma_wait3A_205 = tpu.memref_slice %arg6[%add3A_190] : memref<1314816xf32, #tpu.memory_space<hbm>> -> memref<10272xf32, #tpu.memory_space<hbm>>
    %dma_wait3A_206 = tpu.memref_slice %arg6[%add3A_190] : memref<1314816xf32, #tpu.memory_space<hbm>> -> memref<10272xf32, #tpu.memory_space<hbm>>
    %dma_wait3A_207 = arith.constant 10272 : i32
    %dma_wait3A_208 = tpu.memref_slice %arg13[%dma_wait3A_207] : memref<20544xf32, #tpu.memory_space<vmem>> -> memref<10272xf32, #tpu.memory_space<vmem>>
    tpu.wait_dma2 semaphore(%arg26 : memref<!tpu.dma_semaphore, #tpu.memory_space<semaphore_mem>>) src(%dma_wait3A_208 : memref<10272xf32, #tpu.memory_space<vmem>>) dst(%dma_wait3A_206 : memref<10272xf32, #tpu.memory_space<hbm>>)
    return
  }
}

module attributes {stable_mosaic.version = 14 : i64} {
  func.func @_tc_body(%arg0: memref<1314816xf32, #tpu.memory_space<any>>, %arg1: memref<1x10000xi32, #tpu.memory_space<vmem>>, %arg2: memref<10000x128xf32, #tpu.memory_space<vmem>>, %arg3: memref<256x128xf32, #tpu.memory_space<vmem>>, %arg4: memref<1x128xf32, #tpu.memory_space<vmem>>, %arg5: memref<128x128xf32, #tpu.memory_space<vmem>>, %arg6: memref<1x128xf32, #tpu.memory_space<vmem>>, %arg7: memref<128x10xf32, #tpu.memory_space<vmem>>, %arg8: memref<1x10xf32, #tpu.memory_space<vmem>>, %arg9: memref<64x10xf32, #tpu.memory_space<vmem>>, %arg10: memref<2x10112xf32, #tpu.memory_space<vmem>>, %arg11: memref<64x10112xf32, #tpu.memory_space<vmem>>, %arg12: memref<64x10112xf32, #tpu.memory_space<vmem>>, %arg13: memref<!tpu.dma_semaphore, #tpu.memory_space<semaphore_mem>>) attributes {dimension_semantics = [], scalar_prefetch = 0 : i64, scratch_operands = 4 : i64, tpu.core_type = #tpu.core_type<tc>} {
    %dma_start3A = arith.constant 0 : i32
    %dma_start3A_0 = arith.constant 0 : i32
    %dma_start3A_1 = tpu.memref_slice %arg10[%dma_start3A, %dma_start3A_0] : memref<2x10112xf32, #tpu.memory_space<vmem>> -> memref<1x10112xf32, #tpu.memory_space<vmem>>
    %dma_start3A_2 = tpu.memref_squeeze %dma_start3A_1 : memref<1x10112xf32, #tpu.memory_space<vmem>> -> memref<10112xf32, #tpu.memory_space<vmem>>
    %dma_start3A_3 = arith.constant 0 : i32
    %dma_start3A_4 = tpu.memref_slice %arg0[%dma_start3A_3] : memref<1314816xf32, #tpu.memory_space<any>> -> memref<10112xf32, #tpu.memory_space<any>>
    tpu.enqueue_dma source(%dma_start3A_4 : memref<10112xf32, #tpu.memory_space<any>>) target(%dma_start3A_2 : memref<10112xf32, #tpu.memory_space<vmem>>) target_semaphore(%arg13 : memref<!tpu.dma_semaphore, #tpu.memory_space<semaphore_mem>>)
    %dma_start3A_5 = arith.constant 1 : i32
    %dma_start3A_6 = arith.constant 0 : i32
    %dma_start3A_7 = tpu.memref_slice %arg10[%dma_start3A_5, %dma_start3A_6] : memref<2x10112xf32, #tpu.memory_space<vmem>> -> memref<1x10112xf32, #tpu.memory_space<vmem>>
    %dma_start3A_8 = tpu.memref_squeeze %dma_start3A_7 : memref<1x10112xf32, #tpu.memory_space<vmem>> -> memref<10112xf32, #tpu.memory_space<vmem>>
    %dma_start3A_9 = arith.constant 657408 : i32
    %dma_start3A_10 = tpu.memref_slice %arg0[%dma_start3A_9] : memref<1314816xf32, #tpu.memory_space<any>> -> memref<10112xf32, #tpu.memory_space<any>>
    tpu.enqueue_dma source(%dma_start3A_10 : memref<10112xf32, #tpu.memory_space<any>>) target(%dma_start3A_8 : memref<10112xf32, #tpu.memory_space<vmem>>) target_semaphore(%arg13 : memref<!tpu.dma_semaphore, #tpu.memory_space<semaphore_mem>>)
    %dma_start3A_11 = arith.constant 0 : i32
    %dma_start3A_12 = arith.constant 0 : i32
    %dma_start3A_13 = tpu.memref_slice %arg11[%dma_start3A_11, %dma_start3A_12] : memref<64x10112xf32, #tpu.memory_space<vmem>> -> memref<1x10112xf32, #tpu.memory_space<vmem>>
    %dma_start3A_14 = tpu.memref_squeeze %dma_start3A_13 : memref<1x10112xf32, #tpu.memory_space<vmem>> -> memref<10112xf32, #tpu.memory_space<vmem>>
    %dma_start3A_15 = arith.constant 10112 : i32
    %dma_start3A_16 = tpu.memref_slice %arg0[%dma_start3A_15] : memref<1314816xf32, #tpu.memory_space<any>> -> memref<10112xf32, #tpu.memory_space<any>>
    tpu.enqueue_dma source(%dma_start3A_16 : memref<10112xf32, #tpu.memory_space<any>>) target(%dma_start3A_14 : memref<10112xf32, #tpu.memory_space<vmem>>) target_semaphore(%arg13 : memref<!tpu.dma_semaphore, #tpu.memory_space<semaphore_mem>>)
    %dma_start3A_17 = arith.constant 0 : i32
    %dma_start3A_18 = arith.constant 0 : i32
    %dma_start3A_19 = tpu.memref_slice %arg12[%dma_start3A_17, %dma_start3A_18] : memref<64x10112xf32, #tpu.memory_space<vmem>> -> memref<1x10112xf32, #tpu.memory_space<vmem>>
    %dma_start3A_20 = tpu.memref_squeeze %dma_start3A_19 : memref<1x10112xf32, #tpu.memory_space<vmem>> -> memref<10112xf32, #tpu.memory_space<vmem>>
    %dma_start3A_21 = arith.constant 667520 : i32
    %dma_start3A_22 = tpu.memref_slice %arg0[%dma_start3A_21] : memref<1314816xf32, #tpu.memory_space<any>> -> memref<10112xf32, #tpu.memory_space<any>>
    tpu.enqueue_dma source(%dma_start3A_22 : memref<10112xf32, #tpu.memory_space<any>>) target(%dma_start3A_20 : memref<10112xf32, #tpu.memory_space<vmem>>) target_semaphore(%arg13 : memref<!tpu.dma_semaphore, #tpu.memory_space<semaphore_mem>>)
    %dma_start3A_23 = arith.constant 1 : i32
    %dma_start3A_24 = arith.constant 0 : i32
    %dma_start3A_25 = tpu.memref_slice %arg11[%dma_start3A_23, %dma_start3A_24] : memref<64x10112xf32, #tpu.memory_space<vmem>> -> memref<1x10112xf32, #tpu.memory_space<vmem>>
    %dma_start3A_26 = tpu.memref_squeeze %dma_start3A_25 : memref<1x10112xf32, #tpu.memory_space<vmem>> -> memref<10112xf32, #tpu.memory_space<vmem>>
    %dma_start3A_27 = arith.constant 20224 : i32
    %dma_start3A_28 = tpu.memref_slice %arg0[%dma_start3A_27] : memref<1314816xf32, #tpu.memory_space<any>> -> memref<10112xf32, #tpu.memory_space<any>>
    tpu.enqueue_dma source(%dma_start3A_28 : memref<10112xf32, #tpu.memory_space<any>>) target(%dma_start3A_26 : memref<10112xf32, #tpu.memory_space<vmem>>) target_semaphore(%arg13 : memref<!tpu.dma_semaphore, #tpu.memory_space<semaphore_mem>>)
    %dma_start3A_29 = arith.constant 1 : i32
    %dma_start3A_30 = arith.constant 0 : i32
    %dma_start3A_31 = tpu.memref_slice %arg12[%dma_start3A_29, %dma_start3A_30] : memref<64x10112xf32, #tpu.memory_space<vmem>> -> memref<1x10112xf32, #tpu.memory_space<vmem>>
    %dma_start3A_32 = tpu.memref_squeeze %dma_start3A_31 : memref<1x10112xf32, #tpu.memory_space<vmem>> -> memref<10112xf32, #tpu.memory_space<vmem>>
    %dma_start3A_33 = arith.constant 677632 : i32
    %dma_start3A_34 = tpu.memref_slice %arg0[%dma_start3A_33] : memref<1314816xf32, #tpu.memory_space<any>> -> memref<10112xf32, #tpu.memory_space<any>>
    tpu.enqueue_dma source(%dma_start3A_34 : memref<10112xf32, #tpu.memory_space<any>>) target(%dma_start3A_32 : memref<10112xf32, #tpu.memory_space<vmem>>) target_semaphore(%arg13 : memref<!tpu.dma_semaphore, #tpu.memory_space<semaphore_mem>>)
    %dma_start3A_35 = arith.constant 2 : i32
    %dma_start3A_36 = arith.constant 0 : i32
    %dma_start3A_37 = tpu.memref_slice %arg11[%dma_start3A_35, %dma_start3A_36] : memref<64x10112xf32, #tpu.memory_space<vmem>> -> memref<1x10112xf32, #tpu.memory_space<vmem>>
    %dma_start3A_38 = tpu.memref_squeeze %dma_start3A_37 : memref<1x10112xf32, #tpu.memory_space<vmem>> -> memref<10112xf32, #tpu.memory_space<vmem>>
    %dma_start3A_39 = arith.constant 30336 : i32
    %dma_start3A_40 = tpu.memref_slice %arg0[%dma_start3A_39] : memref<1314816xf32, #tpu.memory_space<any>> -> memref<10112xf32, #tpu.memory_space<any>>
    tpu.enqueue_dma source(%dma_start3A_40 : memref<10112xf32, #tpu.memory_space<any>>) target(%dma_start3A_38 : memref<10112xf32, #tpu.memory_space<vmem>>) target_semaphore(%arg13 : memref<!tpu.dma_semaphore, #tpu.memory_space<semaphore_mem>>)
    %dma_start3A_41 = arith.constant 2 : i32
    %dma_start3A_42 = arith.constant 0 : i32
    %dma_start3A_43 = tpu.memref_slice %arg12[%dma_start3A_41, %dma_start3A_42] : memref<64x10112xf32, #tpu.memory_space<vmem>> -> memref<1x10112xf32, #tpu.memory_space<vmem>>
    %dma_start3A_44 = tpu.memref_squeeze %dma_start3A_43 : memref<1x10112xf32, #tpu.memory_space<vmem>> -> memref<10112xf32, #tpu.memory_space<vmem>>
    %dma_start3A_45 = arith.constant 687744 : i32
    %dma_start3A_46 = tpu.memref_slice %arg0[%dma_start3A_45] : memref<1314816xf32, #tpu.memory_space<any>> -> memref<10112xf32, #tpu.memory_space<any>>
    tpu.enqueue_dma source(%dma_start3A_46 : memref<10112xf32, #tpu.memory_space<any>>) target(%dma_start3A_44 : memref<10112xf32, #tpu.memory_space<vmem>>) target_semaphore(%arg13 : memref<!tpu.dma_semaphore, #tpu.memory_space<semaphore_mem>>)
    %dma_start3A_47 = arith.constant 3 : i32
    %dma_start3A_48 = arith.constant 0 : i32
    %dma_start3A_49 = tpu.memref_slice %arg11[%dma_start3A_47, %dma_start3A_48] : memref<64x10112xf32, #tpu.memory_space<vmem>> -> memref<1x10112xf32, #tpu.memory_space<vmem>>
    %dma_start3A_50 = tpu.memref_squeeze %dma_start3A_49 : memref<1x10112xf32, #tpu.memory_space<vmem>> -> memref<10112xf32, #tpu.memory_space<vmem>>
    %dma_start3A_51 = arith.constant 40448 : i32
    %dma_start3A_52 = tpu.memref_slice %arg0[%dma_start3A_51] : memref<1314816xf32, #tpu.memory_space<any>> -> memref<10112xf32, #tpu.memory_space<any>>
    tpu.enqueue_dma source(%dma_start3A_52 : memref<10112xf32, #tpu.memory_space<any>>) target(%dma_start3A_50 : memref<10112xf32, #tpu.memory_space<vmem>>) target_semaphore(%arg13 : memref<!tpu.dma_semaphore, #tpu.memory_space<semaphore_mem>>)
    %dma_start3A_53 = arith.constant 3 : i32
    %dma_start3A_54 = arith.constant 0 : i32
    %dma_start3A_55 = tpu.memref_slice %arg12[%dma_start3A_53, %dma_start3A_54] : memref<64x10112xf32, #tpu.memory_space<vmem>> -> memref<1x10112xf32, #tpu.memory_space<vmem>>
    %dma_start3A_56 = tpu.memref_squeeze %dma_start3A_55 : memref<1x10112xf32, #tpu.memory_space<vmem>> -> memref<10112xf32, #tpu.memory_space<vmem>>
    %dma_start3A_57 = arith.constant 697856 : i32
    %dma_start3A_58 = tpu.memref_slice %arg0[%dma_start3A_57] : memref<1314816xf32, #tpu.memory_space<any>> -> memref<10112xf32, #tpu.memory_space<any>>
    tpu.enqueue_dma source(%dma_start3A_58 : memref<10112xf32, #tpu.memory_space<any>>) target(%dma_start3A_56 : memref<10112xf32, #tpu.memory_space<vmem>>) target_semaphore(%arg13 : memref<!tpu.dma_semaphore, #tpu.memory_space<semaphore_mem>>)
    %dma_start3A_59 = arith.constant 4 : i32
    %dma_start3A_60 = arith.constant 0 : i32
    %dma_start3A_61 = tpu.memref_slice %arg11[%dma_start3A_59, %dma_start3A_60] : memref<64x10112xf32, #tpu.memory_space<vmem>> -> memref<1x10112xf32, #tpu.memory_space<vmem>>
    %dma_start3A_62 = tpu.memref_squeeze %dma_start3A_61 : memref<1x10112xf32, #tpu.memory_space<vmem>> -> memref<10112xf32, #tpu.memory_space<vmem>>
    %dma_start3A_63 = arith.constant 50560 : i32
    %dma_start3A_64 = tpu.memref_slice %arg0[%dma_start3A_63] : memref<1314816xf32, #tpu.memory_space<any>> -> memref<10112xf32, #tpu.memory_space<any>>
    tpu.enqueue_dma source(%dma_start3A_64 : memref<10112xf32, #tpu.memory_space<any>>) target(%dma_start3A_62 : memref<10112xf32, #tpu.memory_space<vmem>>) target_semaphore(%arg13 : memref<!tpu.dma_semaphore, #tpu.memory_space<semaphore_mem>>)
    %dma_start3A_65 = arith.constant 4 : i32
    %dma_start3A_66 = arith.constant 0 : i32
    %dma_start3A_67 = tpu.memref_slice %arg12[%dma_start3A_65, %dma_start3A_66] : memref<64x10112xf32, #tpu.memory_space<vmem>> -> memref<1x10112xf32, #tpu.memory_space<vmem>>
    %dma_start3A_68 = tpu.memref_squeeze %dma_start3A_67 : memref<1x10112xf32, #tpu.memory_space<vmem>> -> memref<10112xf32, #tpu.memory_space<vmem>>
    %dma_start3A_69 = arith.constant 707968 : i32
    %dma_start3A_70 = tpu.memref_slice %arg0[%dma_start3A_69] : memref<1314816xf32, #tpu.memory_space<any>> -> memref<10112xf32, #tpu.memory_space<any>>
    tpu.enqueue_dma source(%dma_start3A_70 : memref<10112xf32, #tpu.memory_space<any>>) target(%dma_start3A_68 : memref<10112xf32, #tpu.memory_space<vmem>>) target_semaphore(%arg13 : memref<!tpu.dma_semaphore, #tpu.memory_space<semaphore_mem>>)
    %dma_start3A_71 = arith.constant 5 : i32
    %dma_start3A_72 = arith.constant 0 : i32
    %dma_start3A_73 = tpu.memref_slice %arg11[%dma_start3A_71, %dma_start3A_72] : memref<64x10112xf32, #tpu.memory_space<vmem>> -> memref<1x10112xf32, #tpu.memory_space<vmem>>
    %dma_start3A_74 = tpu.memref_squeeze %dma_start3A_73 : memref<1x10112xf32, #tpu.memory_space<vmem>> -> memref<10112xf32, #tpu.memory_space<vmem>>
    %dma_start3A_75 = arith.constant 60672 : i32
    %dma_start3A_76 = tpu.memref_slice %arg0[%dma_start3A_75] : memref<1314816xf32, #tpu.memory_space<any>> -> memref<10112xf32, #tpu.memory_space<any>>
    tpu.enqueue_dma source(%dma_start3A_76 : memref<10112xf32, #tpu.memory_space<any>>) target(%dma_start3A_74 : memref<10112xf32, #tpu.memory_space<vmem>>) target_semaphore(%arg13 : memref<!tpu.dma_semaphore, #tpu.memory_space<semaphore_mem>>)
    %dma_start3A_77 = arith.constant 5 : i32
    %dma_start3A_78 = arith.constant 0 : i32
    %dma_start3A_79 = tpu.memref_slice %arg12[%dma_start3A_77, %dma_start3A_78] : memref<64x10112xf32, #tpu.memory_space<vmem>> -> memref<1x10112xf32, #tpu.memory_space<vmem>>
    %dma_start3A_80 = tpu.memref_squeeze %dma_start3A_79 : memref<1x10112xf32, #tpu.memory_space<vmem>> -> memref<10112xf32, #tpu.memory_space<vmem>>
    %dma_start3A_81 = arith.constant 718080 : i32
    %dma_start3A_82 = tpu.memref_slice %arg0[%dma_start3A_81] : memref<1314816xf32, #tpu.memory_space<any>> -> memref<10112xf32, #tpu.memory_space<any>>
    tpu.enqueue_dma source(%dma_start3A_82 : memref<10112xf32, #tpu.memory_space<any>>) target(%dma_start3A_80 : memref<10112xf32, #tpu.memory_space<vmem>>) target_semaphore(%arg13 : memref<!tpu.dma_semaphore, #tpu.memory_space<semaphore_mem>>)
    %dma_start3A_83 = arith.constant 6 : i32
    %dma_start3A_84 = arith.constant 0 : i32
    %dma_start3A_85 = tpu.memref_slice %arg11[%dma_start3A_83, %dma_start3A_84] : memref<64x10112xf32, #tpu.memory_space<vmem>> -> memref<1x10112xf32, #tpu.memory_space<vmem>>
    %dma_start3A_86 = tpu.memref_squeeze %dma_start3A_85 : memref<1x10112xf32, #tpu.memory_space<vmem>> -> memref<10112xf32, #tpu.memory_space<vmem>>
    %dma_start3A_87 = arith.constant 70784 : i32
    %dma_start3A_88 = tpu.memref_slice %arg0[%dma_start3A_87] : memref<1314816xf32, #tpu.memory_space<any>> -> memref<10112xf32, #tpu.memory_space<any>>
    tpu.enqueue_dma source(%dma_start3A_88 : memref<10112xf32, #tpu.memory_space<any>>) target(%dma_start3A_86 : memref<10112xf32, #tpu.memory_space<vmem>>) target_semaphore(%arg13 : memref<!tpu.dma_semaphore, #tpu.memory_space<semaphore_mem>>)
    %dma_start3A_89 = arith.constant 6 : i32
    %dma_start3A_90 = arith.constant 0 : i32
    %dma_start3A_91 = tpu.memref_slice %arg12[%dma_start3A_89, %dma_start3A_90] : memref<64x10112xf32, #tpu.memory_space<vmem>> -> memref<1x10112xf32, #tpu.memory_space<vmem>>
    %dma_start3A_92 = tpu.memref_squeeze %dma_start3A_91 : memref<1x10112xf32, #tpu.memory_space<vmem>> -> memref<10112xf32, #tpu.memory_space<vmem>>
    %dma_start3A_93 = arith.constant 728192 : i32
    %dma_start3A_94 = tpu.memref_slice %arg0[%dma_start3A_93] : memref<1314816xf32, #tpu.memory_space<any>> -> memref<10112xf32, #tpu.memory_space<any>>
    tpu.enqueue_dma source(%dma_start3A_94 : memref<10112xf32, #tpu.memory_space<any>>) target(%dma_start3A_92 : memref<10112xf32, #tpu.memory_space<vmem>>) target_semaphore(%arg13 : memref<!tpu.dma_semaphore, #tpu.memory_space<semaphore_mem>>)
    %dma_start3A_95 = arith.constant 7 : i32
    %dma_start3A_96 = arith.constant 0 : i32
    %dma_start3A_97 = tpu.memref_slice %arg11[%dma_start3A_95, %dma_start3A_96] : memref<64x10112xf32, #tpu.memory_space<vmem>> -> memref<1x10112xf32, #tpu.memory_space<vmem>>
    %dma_start3A_98 = tpu.memref_squeeze %dma_start3A_97 : memref<1x10112xf32, #tpu.memory_space<vmem>> -> memref<10112xf32, #tpu.memory_space<vmem>>
    %dma_start3A_99 = arith.constant 80896 : i32
    %dma_start3A_100 = tpu.memref_slice %arg0[%dma_start3A_99] : memref<1314816xf32, #tpu.memory_space<any>> -> memref<10112xf32, #tpu.memory_space<any>>
    tpu.enqueue_dma source(%dma_start3A_100 : memref<10112xf32, #tpu.memory_space<any>>) target(%dma_start3A_98 : memref<10112xf32, #tpu.memory_space<vmem>>) target_semaphore(%arg13 : memref<!tpu.dma_semaphore, #tpu.memory_space<semaphore_mem>>)
    %dma_start3A_101 = arith.constant 7 : i32
    %dma_start3A_102 = arith.constant 0 : i32
    %dma_start3A_103 = tpu.memref_slice %arg12[%dma_start3A_101, %dma_start3A_102] : memref<64x10112xf32, #tpu.memory_space<vmem>> -> memref<1x10112xf32, #tpu.memory_space<vmem>>
    %dma_start3A_104 = tpu.memref_squeeze %dma_start3A_103 : memref<1x10112xf32, #tpu.memory_space<vmem>> -> memref<10112xf32, #tpu.memory_space<vmem>>
    %dma_start3A_105 = arith.constant 738304 : i32
    %dma_start3A_106 = tpu.memref_slice %arg0[%dma_start3A_105] : memref<1314816xf32, #tpu.memory_space<any>> -> memref<10112xf32, #tpu.memory_space<any>>
    tpu.enqueue_dma source(%dma_start3A_106 : memref<10112xf32, #tpu.memory_space<any>>) target(%dma_start3A_104 : memref<10112xf32, #tpu.memory_space<vmem>>) target_semaphore(%arg13 : memref<!tpu.dma_semaphore, #tpu.memory_space<semaphore_mem>>)
    %dma_start3A_107 = arith.constant 8 : i32
    %dma_start3A_108 = arith.constant 0 : i32
    %dma_start3A_109 = tpu.memref_slice %arg11[%dma_start3A_107, %dma_start3A_108] : memref<64x10112xf32, #tpu.memory_space<vmem>> -> memref<1x10112xf32, #tpu.memory_space<vmem>>
    %dma_start3A_110 = tpu.memref_squeeze %dma_start3A_109 : memref<1x10112xf32, #tpu.memory_space<vmem>> -> memref<10112xf32, #tpu.memory_space<vmem>>
    %dma_start3A_111 = arith.constant 91008 : i32
    %dma_start3A_112 = tpu.memref_slice %arg0[%dma_start3A_111] : memref<1314816xf32, #tpu.memory_space<any>> -> memref<10112xf32, #tpu.memory_space<any>>
    tpu.enqueue_dma source(%dma_start3A_112 : memref<10112xf32, #tpu.memory_space<any>>) target(%dma_start3A_110 : memref<10112xf32, #tpu.memory_space<vmem>>) target_semaphore(%arg13 : memref<!tpu.dma_semaphore, #tpu.memory_space<semaphore_mem>>)
    %dma_start3A_113 = arith.constant 8 : i32
    %dma_start3A_114 = arith.constant 0 : i32
    %dma_start3A_115 = tpu.memref_slice %arg12[%dma_start3A_113, %dma_start3A_114] : memref<64x10112xf32, #tpu.memory_space<vmem>> -> memref<1x10112xf32, #tpu.memory_space<vmem>>
    %dma_start3A_116 = tpu.memref_squeeze %dma_start3A_115 : memref<1x10112xf32, #tpu.memory_space<vmem>> -> memref<10112xf32, #tpu.memory_space<vmem>>
    %dma_start3A_117 = arith.constant 748416 : i32
    %dma_start3A_118 = tpu.memref_slice %arg0[%dma_start3A_117] : memref<1314816xf32, #tpu.memory_space<any>> -> memref<10112xf32, #tpu.memory_space<any>>
    tpu.enqueue_dma source(%dma_start3A_118 : memref<10112xf32, #tpu.memory_space<any>>) target(%dma_start3A_116 : memref<10112xf32, #tpu.memory_space<vmem>>) target_semaphore(%arg13 : memref<!tpu.dma_semaphore, #tpu.memory_space<semaphore_mem>>)
    %dma_start3A_119 = arith.constant 9 : i32
    %dma_start3A_120 = arith.constant 0 : i32
    %dma_start3A_121 = tpu.memref_slice %arg11[%dma_start3A_119, %dma_start3A_120] : memref<64x10112xf32, #tpu.memory_space<vmem>> -> memref<1x10112xf32, #tpu.memory_space<vmem>>
    %dma_start3A_122 = tpu.memref_squeeze %dma_start3A_121 : memref<1x10112xf32, #tpu.memory_space<vmem>> -> memref<10112xf32, #tpu.memory_space<vmem>>
    %dma_start3A_123 = arith.constant 101120 : i32
    %dma_start3A_124 = tpu.memref_slice %arg0[%dma_start3A_123] : memref<1314816xf32, #tpu.memory_space<any>> -> memref<10112xf32, #tpu.memory_space<any>>
    tpu.enqueue_dma source(%dma_start3A_124 : memref<10112xf32, #tpu.memory_space<any>>) target(%dma_start3A_122 : memref<10112xf32, #tpu.memory_space<vmem>>) target_semaphore(%arg13 : memref<!tpu.dma_semaphore, #tpu.memory_space<semaphore_mem>>)
    %dma_start3A_125 = arith.constant 9 : i32
    %dma_start3A_126 = arith.constant 0 : i32
    %dma_start3A_127 = tpu.memref_slice %arg12[%dma_start3A_125, %dma_start3A_126] : memref<64x10112xf32, #tpu.memory_space<vmem>> -> memref<1x10112xf32, #tpu.memory_space<vmem>>
    %dma_start3A_128 = tpu.memref_squeeze %dma_start3A_127 : memref<1x10112xf32, #tpu.memory_space<vmem>> -> memref<10112xf32, #tpu.memory_space<vmem>>
    %dma_start3A_129 = arith.constant 758528 : i32
    %dma_start3A_130 = tpu.memref_slice %arg0[%dma_start3A_129] : memref<1314816xf32, #tpu.memory_space<any>> -> memref<10112xf32, #tpu.memory_space<any>>
    tpu.enqueue_dma source(%dma_start3A_130 : memref<10112xf32, #tpu.memory_space<any>>) target(%dma_start3A_128 : memref<10112xf32, #tpu.memory_space<vmem>>) target_semaphore(%arg13 : memref<!tpu.dma_semaphore, #tpu.memory_space<semaphore_mem>>)
    %dma_start3A_131 = arith.constant 10 : i32
    %dma_start3A_132 = arith.constant 0 : i32
    %dma_start3A_133 = tpu.memref_slice %arg11[%dma_start3A_131, %dma_start3A_132] : memref<64x10112xf32, #tpu.memory_space<vmem>> -> memref<1x10112xf32, #tpu.memory_space<vmem>>
    %dma_start3A_134 = tpu.memref_squeeze %dma_start3A_133 : memref<1x10112xf32, #tpu.memory_space<vmem>> -> memref<10112xf32, #tpu.memory_space<vmem>>
    %dma_start3A_135 = arith.constant 111232 : i32
    %dma_start3A_136 = tpu.memref_slice %arg0[%dma_start3A_135] : memref<1314816xf32, #tpu.memory_space<any>> -> memref<10112xf32, #tpu.memory_space<any>>
    tpu.enqueue_dma source(%dma_start3A_136 : memref<10112xf32, #tpu.memory_space<any>>) target(%dma_start3A_134 : memref<10112xf32, #tpu.memory_space<vmem>>) target_semaphore(%arg13 : memref<!tpu.dma_semaphore, #tpu.memory_space<semaphore_mem>>)
    %dma_start3A_137 = arith.constant 10 : i32
    %dma_start3A_138 = arith.constant 0 : i32
    %dma_start3A_139 = tpu.memref_slice %arg12[%dma_start3A_137, %dma_start3A_138] : memref<64x10112xf32, #tpu.memory_space<vmem>> -> memref<1x10112xf32, #tpu.memory_space<vmem>>
    %dma_start3A_140 = tpu.memref_squeeze %dma_start3A_139 : memref<1x10112xf32, #tpu.memory_space<vmem>> -> memref<10112xf32, #tpu.memory_space<vmem>>
    %dma_start3A_141 = arith.constant 768640 : i32
    %dma_start3A_142 = tpu.memref_slice %arg0[%dma_start3A_141] : memref<1314816xf32, #tpu.memory_space<any>> -> memref<10112xf32, #tpu.memory_space<any>>
    tpu.enqueue_dma source(%dma_start3A_142 : memref<10112xf32, #tpu.memory_space<any>>) target(%dma_start3A_140 : memref<10112xf32, #tpu.memory_space<vmem>>) target_semaphore(%arg13 : memref<!tpu.dma_semaphore, #tpu.memory_space<semaphore_mem>>)
    %dma_start3A_143 = arith.constant 11 : i32
    %dma_start3A_144 = arith.constant 0 : i32
    %dma_start3A_145 = tpu.memref_slice %arg11[%dma_start3A_143, %dma_start3A_144] : memref<64x10112xf32, #tpu.memory_space<vmem>> -> memref<1x10112xf32, #tpu.memory_space<vmem>>
    %dma_start3A_146 = tpu.memref_squeeze %dma_start3A_145 : memref<1x10112xf32, #tpu.memory_space<vmem>> -> memref<10112xf32, #tpu.memory_space<vmem>>
    %dma_start3A_147 = arith.constant 121344 : i32
    %dma_start3A_148 = tpu.memref_slice %arg0[%dma_start3A_147] : memref<1314816xf32, #tpu.memory_space<any>> -> memref<10112xf32, #tpu.memory_space<any>>
    tpu.enqueue_dma source(%dma_start3A_148 : memref<10112xf32, #tpu.memory_space<any>>) target(%dma_start3A_146 : memref<10112xf32, #tpu.memory_space<vmem>>) target_semaphore(%arg13 : memref<!tpu.dma_semaphore, #tpu.memory_space<semaphore_mem>>)
    %dma_start3A_149 = arith.constant 11 : i32
    %dma_start3A_150 = arith.constant 0 : i32
    %dma_start3A_151 = tpu.memref_slice %arg12[%dma_start3A_149, %dma_start3A_150] : memref<64x10112xf32, #tpu.memory_space<vmem>> -> memref<1x10112xf32, #tpu.memory_space<vmem>>
    %dma_start3A_152 = tpu.memref_squeeze %dma_start3A_151 : memref<1x10112xf32, #tpu.memory_space<vmem>> -> memref<10112xf32, #tpu.memory_space<vmem>>
    %dma_start3A_153 = arith.constant 778752 : i32
    %dma_start3A_154 = tpu.memref_slice %arg0[%dma_start3A_153] : memref<1314816xf32, #tpu.memory_space<any>> -> memref<10112xf32, #tpu.memory_space<any>>
    tpu.enqueue_dma source(%dma_start3A_154 : memref<10112xf32, #tpu.memory_space<any>>) target(%dma_start3A_152 : memref<10112xf32, #tpu.memory_space<vmem>>) target_semaphore(%arg13 : memref<!tpu.dma_semaphore, #tpu.memory_space<semaphore_mem>>)
    %dma_start3A_155 = arith.constant 12 : i32
    %dma_start3A_156 = arith.constant 0 : i32
    %dma_start3A_157 = tpu.memref_slice %arg11[%dma_start3A_155, %dma_start3A_156] : memref<64x10112xf32, #tpu.memory_space<vmem>> -> memref<1x10112xf32, #tpu.memory_space<vmem>>
    %dma_start3A_158 = tpu.memref_squeeze %dma_start3A_157 : memref<1x10112xf32, #tpu.memory_space<vmem>> -> memref<10112xf32, #tpu.memory_space<vmem>>
    %dma_start3A_159 = arith.constant 131456 : i32
    %dma_start3A_160 = tpu.memref_slice %arg0[%dma_start3A_159] : memref<1314816xf32, #tpu.memory_space<any>> -> memref<10112xf32, #tpu.memory_space<any>>
    tpu.enqueue_dma source(%dma_start3A_160 : memref<10112xf32, #tpu.memory_space<any>>) target(%dma_start3A_158 : memref<10112xf32, #tpu.memory_space<vmem>>) target_semaphore(%arg13 : memref<!tpu.dma_semaphore, #tpu.memory_space<semaphore_mem>>)
    %dma_start3A_161 = arith.constant 12 : i32
    %dma_start3A_162 = arith.constant 0 : i32
    %dma_start3A_163 = tpu.memref_slice %arg12[%dma_start3A_161, %dma_start3A_162] : memref<64x10112xf32, #tpu.memory_space<vmem>> -> memref<1x10112xf32, #tpu.memory_space<vmem>>
    %dma_start3A_164 = tpu.memref_squeeze %dma_start3A_163 : memref<1x10112xf32, #tpu.memory_space<vmem>> -> memref<10112xf32, #tpu.memory_space<vmem>>
    %dma_start3A_165 = arith.constant 788864 : i32
    %dma_start3A_166 = tpu.memref_slice %arg0[%dma_start3A_165] : memref<1314816xf32, #tpu.memory_space<any>> -> memref<10112xf32, #tpu.memory_space<any>>
    tpu.enqueue_dma source(%dma_start3A_166 : memref<10112xf32, #tpu.memory_space<any>>) target(%dma_start3A_164 : memref<10112xf32, #tpu.memory_space<vmem>>) target_semaphore(%arg13 : memref<!tpu.dma_semaphore, #tpu.memory_space<semaphore_mem>>)
    %dma_start3A_167 = arith.constant 13 : i32
    %dma_start3A_168 = arith.constant 0 : i32
    %dma_start3A_169 = tpu.memref_slice %arg11[%dma_start3A_167, %dma_start3A_168] : memref<64x10112xf32, #tpu.memory_space<vmem>> -> memref<1x10112xf32, #tpu.memory_space<vmem>>
    %dma_start3A_170 = tpu.memref_squeeze %dma_start3A_169 : memref<1x10112xf32, #tpu.memory_space<vmem>> -> memref<10112xf32, #tpu.memory_space<vmem>>
    %dma_start3A_171 = arith.constant 141568 : i32
    %dma_start3A_172 = tpu.memref_slice %arg0[%dma_start3A_171] : memref<1314816xf32, #tpu.memory_space<any>> -> memref<10112xf32, #tpu.memory_space<any>>
    tpu.enqueue_dma source(%dma_start3A_172 : memref<10112xf32, #tpu.memory_space<any>>) target(%dma_start3A_170 : memref<10112xf32, #tpu.memory_space<vmem>>) target_semaphore(%arg13 : memref<!tpu.dma_semaphore, #tpu.memory_space<semaphore_mem>>)
    %dma_start3A_173 = arith.constant 13 : i32
    %dma_start3A_174 = arith.constant 0 : i32
    %dma_start3A_175 = tpu.memref_slice %arg12[%dma_start3A_173, %dma_start3A_174] : memref<64x10112xf32, #tpu.memory_space<vmem>> -> memref<1x10112xf32, #tpu.memory_space<vmem>>
    %dma_start3A_176 = tpu.memref_squeeze %dma_start3A_175 : memref<1x10112xf32, #tpu.memory_space<vmem>> -> memref<10112xf32, #tpu.memory_space<vmem>>
    %dma_start3A_177 = arith.constant 798976 : i32
    %dma_start3A_178 = tpu.memref_slice %arg0[%dma_start3A_177] : memref<1314816xf32, #tpu.memory_space<any>> -> memref<10112xf32, #tpu.memory_space<any>>
    tpu.enqueue_dma source(%dma_start3A_178 : memref<10112xf32, #tpu.memory_space<any>>) target(%dma_start3A_176 : memref<10112xf32, #tpu.memory_space<vmem>>) target_semaphore(%arg13 : memref<!tpu.dma_semaphore, #tpu.memory_space<semaphore_mem>>)
    %dma_start3A_179 = arith.constant 14 : i32
    %dma_start3A_180 = arith.constant 0 : i32
    %dma_start3A_181 = tpu.memref_slice %arg11[%dma_start3A_179, %dma_start3A_180] : memref<64x10112xf32, #tpu.memory_space<vmem>> -> memref<1x10112xf32, #tpu.memory_space<vmem>>
    %dma_start3A_182 = tpu.memref_squeeze %dma_start3A_181 : memref<1x10112xf32, #tpu.memory_space<vmem>> -> memref<10112xf32, #tpu.memory_space<vmem>>
    %dma_start3A_183 = arith.constant 151680 : i32
    %dma_start3A_184 = tpu.memref_slice %arg0[%dma_start3A_183] : memref<1314816xf32, #tpu.memory_space<any>> -> memref<10112xf32, #tpu.memory_space<any>>
    tpu.enqueue_dma source(%dma_start3A_184 : memref<10112xf32, #tpu.memory_space<any>>) target(%dma_start3A_182 : memref<10112xf32, #tpu.memory_space<vmem>>) target_semaphore(%arg13 : memref<!tpu.dma_semaphore, #tpu.memory_space<semaphore_mem>>)
    %dma_start3A_185 = arith.constant 14 : i32
    %dma_start3A_186 = arith.constant 0 : i32
    %dma_start3A_187 = tpu.memref_slice %arg12[%dma_start3A_185, %dma_start3A_186] : memref<64x10112xf32, #tpu.memory_space<vmem>> -> memref<1x10112xf32, #tpu.memory_space<vmem>>
    %dma_start3A_188 = tpu.memref_squeeze %dma_start3A_187 : memref<1x10112xf32, #tpu.memory_space<vmem>> -> memref<10112xf32, #tpu.memory_space<vmem>>
    %dma_start3A_189 = arith.constant 809088 : i32
    %dma_start3A_190 = tpu.memref_slice %arg0[%dma_start3A_189] : memref<1314816xf32, #tpu.memory_space<any>> -> memref<10112xf32, #tpu.memory_space<any>>
    tpu.enqueue_dma source(%dma_start3A_190 : memref<10112xf32, #tpu.memory_space<any>>) target(%dma_start3A_188 : memref<10112xf32, #tpu.memory_space<vmem>>) target_semaphore(%arg13 : memref<!tpu.dma_semaphore, #tpu.memory_space<semaphore_mem>>)
    %dma_start3A_191 = arith.constant 15 : i32
    %dma_start3A_192 = arith.constant 0 : i32
    %dma_start3A_193 = tpu.memref_slice %arg11[%dma_start3A_191, %dma_start3A_192] : memref<64x10112xf32, #tpu.memory_space<vmem>> -> memref<1x10112xf32, #tpu.memory_space<vmem>>
    %dma_start3A_194 = tpu.memref_squeeze %dma_start3A_193 : memref<1x10112xf32, #tpu.memory_space<vmem>> -> memref<10112xf32, #tpu.memory_space<vmem>>
    %dma_start3A_195 = arith.constant 161792 : i32
    %dma_start3A_196 = tpu.memref_slice %arg0[%dma_start3A_195] : memref<1314816xf32, #tpu.memory_space<any>> -> memref<10112xf32, #tpu.memory_space<any>>
    tpu.enqueue_dma source(%dma_start3A_196 : memref<10112xf32, #tpu.memory_space<any>>) target(%dma_start3A_194 : memref<10112xf32, #tpu.memory_space<vmem>>) target_semaphore(%arg13 : memref<!tpu.dma_semaphore, #tpu.memory_space<semaphore_mem>>)
    %dma_start3A_197 = arith.constant 15 : i32
    %dma_start3A_198 = arith.constant 0 : i32
    %dma_start3A_199 = tpu.memref_slice %arg12[%dma_start3A_197, %dma_start3A_198] : memref<64x10112xf32, #tpu.memory_space<vmem>> -> memref<1x10112xf32, #tpu.memory_space<vmem>>
    %dma_start3A_200 = tpu.memref_squeeze %dma_start3A_199 : memref<1x10112xf32, #tpu.memory_space<vmem>> -> memref<10112xf32, #tpu.memory_space<vmem>>
    %dma_start3A_201 = arith.constant 819200 : i32
    %dma_start3A_202 = tpu.memref_slice %arg0[%dma_start3A_201] : memref<1314816xf32, #tpu.memory_space<any>> -> memref<10112xf32, #tpu.memory_space<any>>
    tpu.enqueue_dma source(%dma_start3A_202 : memref<10112xf32, #tpu.memory_space<any>>) target(%dma_start3A_200 : memref<10112xf32, #tpu.memory_space<vmem>>) target_semaphore(%arg13 : memref<!tpu.dma_semaphore, #tpu.memory_space<semaphore_mem>>)
    %dma_start3A_203 = arith.constant 16 : i32
    %dma_start3A_204 = arith.constant 0 : i32
    %dma_start3A_205 = tpu.memref_slice %arg11[%dma_start3A_203, %dma_start3A_204] : memref<64x10112xf32, #tpu.memory_space<vmem>> -> memref<1x10112xf32, #tpu.memory_space<vmem>>
    %dma_start3A_206 = tpu.memref_squeeze %dma_start3A_205 : memref<1x10112xf32, #tpu.memory_space<vmem>> -> memref<10112xf32, #tpu.memory_space<vmem>>
    %dma_start3A_207 = arith.constant 171904 : i32
    %dma_start3A_208 = tpu.memref_slice %arg0[%dma_start3A_207] : memref<1314816xf32, #tpu.memory_space<any>> -> memref<10112xf32, #tpu.memory_space<any>>
    tpu.enqueue_dma source(%dma_start3A_208 : memref<10112xf32, #tpu.memory_space<any>>) target(%dma_start3A_206 : memref<10112xf32, #tpu.memory_space<vmem>>) target_semaphore(%arg13 : memref<!tpu.dma_semaphore, #tpu.memory_space<semaphore_mem>>)
    %dma_start3A_209 = arith.constant 16 : i32
    %dma_start3A_210 = arith.constant 0 : i32
    %dma_start3A_211 = tpu.memref_slice %arg12[%dma_start3A_209, %dma_start3A_210] : memref<64x10112xf32, #tpu.memory_space<vmem>> -> memref<1x10112xf32, #tpu.memory_space<vmem>>
    %dma_start3A_212 = tpu.memref_squeeze %dma_start3A_211 : memref<1x10112xf32, #tpu.memory_space<vmem>> -> memref<10112xf32, #tpu.memory_space<vmem>>
    %dma_start3A_213 = arith.constant 829312 : i32
    %dma_start3A_214 = tpu.memref_slice %arg0[%dma_start3A_213] : memref<1314816xf32, #tpu.memory_space<any>> -> memref<10112xf32, #tpu.memory_space<any>>
    tpu.enqueue_dma source(%dma_start3A_214 : memref<10112xf32, #tpu.memory_space<any>>) target(%dma_start3A_212 : memref<10112xf32, #tpu.memory_space<vmem>>) target_semaphore(%arg13 : memref<!tpu.dma_semaphore, #tpu.memory_space<semaphore_mem>>)
    %dma_start3A_215 = arith.constant 17 : i32
    %dma_start3A_216 = arith.constant 0 : i32
    %dma_start3A_217 = tpu.memref_slice %arg11[%dma_start3A_215, %dma_start3A_216] : memref<64x10112xf32, #tpu.memory_space<vmem>> -> memref<1x10112xf32, #tpu.memory_space<vmem>>
    %dma_start3A_218 = tpu.memref_squeeze %dma_start3A_217 : memref<1x10112xf32, #tpu.memory_space<vmem>> -> memref<10112xf32, #tpu.memory_space<vmem>>
    %dma_start3A_219 = arith.constant 182016 : i32
    %dma_start3A_220 = tpu.memref_slice %arg0[%dma_start3A_219] : memref<1314816xf32, #tpu.memory_space<any>> -> memref<10112xf32, #tpu.memory_space<any>>
    tpu.enqueue_dma source(%dma_start3A_220 : memref<10112xf32, #tpu.memory_space<any>>) target(%dma_start3A_218 : memref<10112xf32, #tpu.memory_space<vmem>>) target_semaphore(%arg13 : memref<!tpu.dma_semaphore, #tpu.memory_space<semaphore_mem>>)
    %dma_start3A_221 = arith.constant 17 : i32
    %dma_start3A_222 = arith.constant 0 : i32
    %dma_start3A_223 = tpu.memref_slice %arg12[%dma_start3A_221, %dma_start3A_222] : memref<64x10112xf32, #tpu.memory_space<vmem>> -> memref<1x10112xf32, #tpu.memory_space<vmem>>
    %dma_start3A_224 = tpu.memref_squeeze %dma_start3A_223 : memref<1x10112xf32, #tpu.memory_space<vmem>> -> memref<10112xf32, #tpu.memory_space<vmem>>
    %dma_start3A_225 = arith.constant 839424 : i32
    %dma_start3A_226 = tpu.memref_slice %arg0[%dma_start3A_225] : memref<1314816xf32, #tpu.memory_space<any>> -> memref<10112xf32, #tpu.memory_space<any>>
    tpu.enqueue_dma source(%dma_start3A_226 : memref<10112xf32, #tpu.memory_space<any>>) target(%dma_start3A_224 : memref<10112xf32, #tpu.memory_space<vmem>>) target_semaphore(%arg13 : memref<!tpu.dma_semaphore, #tpu.memory_space<semaphore_mem>>)
    %dma_start3A_227 = arith.constant 18 : i32
    %dma_start3A_228 = arith.constant 0 : i32
    %dma_start3A_229 = tpu.memref_slice %arg11[%dma_start3A_227, %dma_start3A_228] : memref<64x10112xf32, #tpu.memory_space<vmem>> -> memref<1x10112xf32, #tpu.memory_space<vmem>>
    %dma_start3A_230 = tpu.memref_squeeze %dma_start3A_229 : memref<1x10112xf32, #tpu.memory_space<vmem>> -> memref<10112xf32, #tpu.memory_space<vmem>>
    %dma_start3A_231 = arith.constant 192128 : i32
    %dma_start3A_232 = tpu.memref_slice %arg0[%dma_start3A_231] : memref<1314816xf32, #tpu.memory_space<any>> -> memref<10112xf32, #tpu.memory_space<any>>
    tpu.enqueue_dma source(%dma_start3A_232 : memref<10112xf32, #tpu.memory_space<any>>) target(%dma_start3A_230 : memref<10112xf32, #tpu.memory_space<vmem>>) target_semaphore(%arg13 : memref<!tpu.dma_semaphore, #tpu.memory_space<semaphore_mem>>)
    %dma_start3A_233 = arith.constant 18 : i32
    %dma_start3A_234 = arith.constant 0 : i32
    %dma_start3A_235 = tpu.memref_slice %arg12[%dma_start3A_233, %dma_start3A_234] : memref<64x10112xf32, #tpu.memory_space<vmem>> -> memref<1x10112xf32, #tpu.memory_space<vmem>>
    %dma_start3A_236 = tpu.memref_squeeze %dma_start3A_235 : memref<1x10112xf32, #tpu.memory_space<vmem>> -> memref<10112xf32, #tpu.memory_space<vmem>>
    %dma_start3A_237 = arith.constant 849536 : i32
    %dma_start3A_238 = tpu.memref_slice %arg0[%dma_start3A_237] : memref<1314816xf32, #tpu.memory_space<any>> -> memref<10112xf32, #tpu.memory_space<any>>
    tpu.enqueue_dma source(%dma_start3A_238 : memref<10112xf32, #tpu.memory_space<any>>) target(%dma_start3A_236 : memref<10112xf32, #tpu.memory_space<vmem>>) target_semaphore(%arg13 : memref<!tpu.dma_semaphore, #tpu.memory_space<semaphore_mem>>)
    %dma_start3A_239 = arith.constant 19 : i32
    %dma_start3A_240 = arith.constant 0 : i32
    %dma_start3A_241 = tpu.memref_slice %arg11[%dma_start3A_239, %dma_start3A_240] : memref<64x10112xf32, #tpu.memory_space<vmem>> -> memref<1x10112xf32, #tpu.memory_space<vmem>>
    %dma_start3A_242 = tpu.memref_squeeze %dma_start3A_241 : memref<1x10112xf32, #tpu.memory_space<vmem>> -> memref<10112xf32, #tpu.memory_space<vmem>>
    %dma_start3A_243 = arith.constant 202240 : i32
    %dma_start3A_244 = tpu.memref_slice %arg0[%dma_start3A_243] : memref<1314816xf32, #tpu.memory_space<any>> -> memref<10112xf32, #tpu.memory_space<any>>
    tpu.enqueue_dma source(%dma_start3A_244 : memref<10112xf32, #tpu.memory_space<any>>) target(%dma_start3A_242 : memref<10112xf32, #tpu.memory_space<vmem>>) target_semaphore(%arg13 : memref<!tpu.dma_semaphore, #tpu.memory_space<semaphore_mem>>)
    %dma_start3A_245 = arith.constant 19 : i32
    %dma_start3A_246 = arith.constant 0 : i32
    %dma_start3A_247 = tpu.memref_slice %arg12[%dma_start3A_245, %dma_start3A_246] : memref<64x10112xf32, #tpu.memory_space<vmem>> -> memref<1x10112xf32, #tpu.memory_space<vmem>>
    %dma_start3A_248 = tpu.memref_squeeze %dma_start3A_247 : memref<1x10112xf32, #tpu.memory_space<vmem>> -> memref<10112xf32, #tpu.memory_space<vmem>>
    %dma_start3A_249 = arith.constant 859648 : i32
    %dma_start3A_250 = tpu.memref_slice %arg0[%dma_start3A_249] : memref<1314816xf32, #tpu.memory_space<any>> -> memref<10112xf32, #tpu.memory_space<any>>
    tpu.enqueue_dma source(%dma_start3A_250 : memref<10112xf32, #tpu.memory_space<any>>) target(%dma_start3A_248 : memref<10112xf32, #tpu.memory_space<vmem>>) target_semaphore(%arg13 : memref<!tpu.dma_semaphore, #tpu.memory_space<semaphore_mem>>)
    %dma_start3A_251 = arith.constant 20 : i32
    %dma_start3A_252 = arith.constant 0 : i32
    %dma_start3A_253 = tpu.memref_slice %arg11[%dma_start3A_251, %dma_start3A_252] : memref<64x10112xf32, #tpu.memory_space<vmem>> -> memref<1x10112xf32, #tpu.memory_space<vmem>>
    %dma_start3A_254 = tpu.memref_squeeze %dma_start3A_253 : memref<1x10112xf32, #tpu.memory_space<vmem>> -> memref<10112xf32, #tpu.memory_space<vmem>>
    %dma_start3A_255 = arith.constant 212352 : i32
    %dma_start3A_256 = tpu.memref_slice %arg0[%dma_start3A_255] : memref<1314816xf32, #tpu.memory_space<any>> -> memref<10112xf32, #tpu.memory_space<any>>
    tpu.enqueue_dma source(%dma_start3A_256 : memref<10112xf32, #tpu.memory_space<any>>) target(%dma_start3A_254 : memref<10112xf32, #tpu.memory_space<vmem>>) target_semaphore(%arg13 : memref<!tpu.dma_semaphore, #tpu.memory_space<semaphore_mem>>)
    %dma_start3A_257 = arith.constant 20 : i32
    %dma_start3A_258 = arith.constant 0 : i32
    %dma_start3A_259 = tpu.memref_slice %arg12[%dma_start3A_257, %dma_start3A_258] : memref<64x10112xf32, #tpu.memory_space<vmem>> -> memref<1x10112xf32, #tpu.memory_space<vmem>>
    %dma_start3A_260 = tpu.memref_squeeze %dma_start3A_259 : memref<1x10112xf32, #tpu.memory_space<vmem>> -> memref<10112xf32, #tpu.memory_space<vmem>>
    %dma_start3A_261 = arith.constant 869760 : i32
    %dma_start3A_262 = tpu.memref_slice %arg0[%dma_start3A_261] : memref<1314816xf32, #tpu.memory_space<any>> -> memref<10112xf32, #tpu.memory_space<any>>
    tpu.enqueue_dma source(%dma_start3A_262 : memref<10112xf32, #tpu.memory_space<any>>) target(%dma_start3A_260 : memref<10112xf32, #tpu.memory_space<vmem>>) target_semaphore(%arg13 : memref<!tpu.dma_semaphore, #tpu.memory_space<semaphore_mem>>)
    %dma_start3A_263 = arith.constant 21 : i32
    %dma_start3A_264 = arith.constant 0 : i32
    %dma_start3A_265 = tpu.memref_slice %arg11[%dma_start3A_263, %dma_start3A_264] : memref<64x10112xf32, #tpu.memory_space<vmem>> -> memref<1x10112xf32, #tpu.memory_space<vmem>>
    %dma_start3A_266 = tpu.memref_squeeze %dma_start3A_265 : memref<1x10112xf32, #tpu.memory_space<vmem>> -> memref<10112xf32, #tpu.memory_space<vmem>>
    %dma_start3A_267 = arith.constant 222464 : i32
    %dma_start3A_268 = tpu.memref_slice %arg0[%dma_start3A_267] : memref<1314816xf32, #tpu.memory_space<any>> -> memref<10112xf32, #tpu.memory_space<any>>
    tpu.enqueue_dma source(%dma_start3A_268 : memref<10112xf32, #tpu.memory_space<any>>) target(%dma_start3A_266 : memref<10112xf32, #tpu.memory_space<vmem>>) target_semaphore(%arg13 : memref<!tpu.dma_semaphore, #tpu.memory_space<semaphore_mem>>)
    %dma_start3A_269 = arith.constant 21 : i32
    %dma_start3A_270 = arith.constant 0 : i32
    %dma_start3A_271 = tpu.memref_slice %arg12[%dma_start3A_269, %dma_start3A_270] : memref<64x10112xf32, #tpu.memory_space<vmem>> -> memref<1x10112xf32, #tpu.memory_space<vmem>>
    %dma_start3A_272 = tpu.memref_squeeze %dma_start3A_271 : memref<1x10112xf32, #tpu.memory_space<vmem>> -> memref<10112xf32, #tpu.memory_space<vmem>>
    %dma_start3A_273 = arith.constant 879872 : i32
    %dma_start3A_274 = tpu.memref_slice %arg0[%dma_start3A_273] : memref<1314816xf32, #tpu.memory_space<any>> -> memref<10112xf32, #tpu.memory_space<any>>
    tpu.enqueue_dma source(%dma_start3A_274 : memref<10112xf32, #tpu.memory_space<any>>) target(%dma_start3A_272 : memref<10112xf32, #tpu.memory_space<vmem>>) target_semaphore(%arg13 : memref<!tpu.dma_semaphore, #tpu.memory_space<semaphore_mem>>)
    %dma_start3A_275 = arith.constant 22 : i32
    %dma_start3A_276 = arith.constant 0 : i32
    %dma_start3A_277 = tpu.memref_slice %arg11[%dma_start3A_275, %dma_start3A_276] : memref<64x10112xf32, #tpu.memory_space<vmem>> -> memref<1x10112xf32, #tpu.memory_space<vmem>>
    %dma_start3A_278 = tpu.memref_squeeze %dma_start3A_277 : memref<1x10112xf32, #tpu.memory_space<vmem>> -> memref<10112xf32, #tpu.memory_space<vmem>>
    %dma_start3A_279 = arith.constant 232576 : i32
    %dma_start3A_280 = tpu.memref_slice %arg0[%dma_start3A_279] : memref<1314816xf32, #tpu.memory_space<any>> -> memref<10112xf32, #tpu.memory_space<any>>
    tpu.enqueue_dma source(%dma_start3A_280 : memref<10112xf32, #tpu.memory_space<any>>) target(%dma_start3A_278 : memref<10112xf32, #tpu.memory_space<vmem>>) target_semaphore(%arg13 : memref<!tpu.dma_semaphore, #tpu.memory_space<semaphore_mem>>)
    %dma_start3A_281 = arith.constant 22 : i32
    %dma_start3A_282 = arith.constant 0 : i32
    %dma_start3A_283 = tpu.memref_slice %arg12[%dma_start3A_281, %dma_start3A_282] : memref<64x10112xf32, #tpu.memory_space<vmem>> -> memref<1x10112xf32, #tpu.memory_space<vmem>>
    %dma_start3A_284 = tpu.memref_squeeze %dma_start3A_283 : memref<1x10112xf32, #tpu.memory_space<vmem>> -> memref<10112xf32, #tpu.memory_space<vmem>>
    %dma_start3A_285 = arith.constant 889984 : i32
    %dma_start3A_286 = tpu.memref_slice %arg0[%dma_start3A_285] : memref<1314816xf32, #tpu.memory_space<any>> -> memref<10112xf32, #tpu.memory_space<any>>
    tpu.enqueue_dma source(%dma_start3A_286 : memref<10112xf32, #tpu.memory_space<any>>) target(%dma_start3A_284 : memref<10112xf32, #tpu.memory_space<vmem>>) target_semaphore(%arg13 : memref<!tpu.dma_semaphore, #tpu.memory_space<semaphore_mem>>)
    %dma_start3A_287 = arith.constant 23 : i32
    %dma_start3A_288 = arith.constant 0 : i32
    %dma_start3A_289 = tpu.memref_slice %arg11[%dma_start3A_287, %dma_start3A_288] : memref<64x10112xf32, #tpu.memory_space<vmem>> -> memref<1x10112xf32, #tpu.memory_space<vmem>>
    %dma_start3A_290 = tpu.memref_squeeze %dma_start3A_289 : memref<1x10112xf32, #tpu.memory_space<vmem>> -> memref<10112xf32, #tpu.memory_space<vmem>>
    %dma_start3A_291 = arith.constant 242688 : i32
    %dma_start3A_292 = tpu.memref_slice %arg0[%dma_start3A_291] : memref<1314816xf32, #tpu.memory_space<any>> -> memref<10112xf32, #tpu.memory_space<any>>
    tpu.enqueue_dma source(%dma_start3A_292 : memref<10112xf32, #tpu.memory_space<any>>) target(%dma_start3A_290 : memref<10112xf32, #tpu.memory_space<vmem>>) target_semaphore(%arg13 : memref<!tpu.dma_semaphore, #tpu.memory_space<semaphore_mem>>)
    %dma_start3A_293 = arith.constant 23 : i32
    %dma_start3A_294 = arith.constant 0 : i32
    %dma_start3A_295 = tpu.memref_slice %arg12[%dma_start3A_293, %dma_start3A_294] : memref<64x10112xf32, #tpu.memory_space<vmem>> -> memref<1x10112xf32, #tpu.memory_space<vmem>>
    %dma_start3A_296 = tpu.memref_squeeze %dma_start3A_295 : memref<1x10112xf32, #tpu.memory_space<vmem>> -> memref<10112xf32, #tpu.memory_space<vmem>>
    %dma_start3A_297 = arith.constant 900096 : i32
    %dma_start3A_298 = tpu.memref_slice %arg0[%dma_start3A_297] : memref<1314816xf32, #tpu.memory_space<any>> -> memref<10112xf32, #tpu.memory_space<any>>
    tpu.enqueue_dma source(%dma_start3A_298 : memref<10112xf32, #tpu.memory_space<any>>) target(%dma_start3A_296 : memref<10112xf32, #tpu.memory_space<vmem>>) target_semaphore(%arg13 : memref<!tpu.dma_semaphore, #tpu.memory_space<semaphore_mem>>)
    %dma_start3A_299 = arith.constant 24 : i32
    %dma_start3A_300 = arith.constant 0 : i32
    %dma_start3A_301 = tpu.memref_slice %arg11[%dma_start3A_299, %dma_start3A_300] : memref<64x10112xf32, #tpu.memory_space<vmem>> -> memref<1x10112xf32, #tpu.memory_space<vmem>>
    %dma_start3A_302 = tpu.memref_squeeze %dma_start3A_301 : memref<1x10112xf32, #tpu.memory_space<vmem>> -> memref<10112xf32, #tpu.memory_space<vmem>>
    %dma_start3A_303 = arith.constant 252800 : i32
    %dma_start3A_304 = tpu.memref_slice %arg0[%dma_start3A_303] : memref<1314816xf32, #tpu.memory_space<any>> -> memref<10112xf32, #tpu.memory_space<any>>
    tpu.enqueue_dma source(%dma_start3A_304 : memref<10112xf32, #tpu.memory_space<any>>) target(%dma_start3A_302 : memref<10112xf32, #tpu.memory_space<vmem>>) target_semaphore(%arg13 : memref<!tpu.dma_semaphore, #tpu.memory_space<semaphore_mem>>)
    %dma_start3A_305 = arith.constant 24 : i32
    %dma_start3A_306 = arith.constant 0 : i32
    %dma_start3A_307 = tpu.memref_slice %arg12[%dma_start3A_305, %dma_start3A_306] : memref<64x10112xf32, #tpu.memory_space<vmem>> -> memref<1x10112xf32, #tpu.memory_space<vmem>>
    %dma_start3A_308 = tpu.memref_squeeze %dma_start3A_307 : memref<1x10112xf32, #tpu.memory_space<vmem>> -> memref<10112xf32, #tpu.memory_space<vmem>>
    %dma_start3A_309 = arith.constant 910208 : i32
    %dma_start3A_310 = tpu.memref_slice %arg0[%dma_start3A_309] : memref<1314816xf32, #tpu.memory_space<any>> -> memref<10112xf32, #tpu.memory_space<any>>
    tpu.enqueue_dma source(%dma_start3A_310 : memref<10112xf32, #tpu.memory_space<any>>) target(%dma_start3A_308 : memref<10112xf32, #tpu.memory_space<vmem>>) target_semaphore(%arg13 : memref<!tpu.dma_semaphore, #tpu.memory_space<semaphore_mem>>)
    %dma_start3A_311 = arith.constant 25 : i32
    %dma_start3A_312 = arith.constant 0 : i32
    %dma_start3A_313 = tpu.memref_slice %arg11[%dma_start3A_311, %dma_start3A_312] : memref<64x10112xf32, #tpu.memory_space<vmem>> -> memref<1x10112xf32, #tpu.memory_space<vmem>>
    %dma_start3A_314 = tpu.memref_squeeze %dma_start3A_313 : memref<1x10112xf32, #tpu.memory_space<vmem>> -> memref<10112xf32, #tpu.memory_space<vmem>>
    %dma_start3A_315 = arith.constant 262912 : i32
    %dma_start3A_316 = tpu.memref_slice %arg0[%dma_start3A_315] : memref<1314816xf32, #tpu.memory_space<any>> -> memref<10112xf32, #tpu.memory_space<any>>
    tpu.enqueue_dma source(%dma_start3A_316 : memref<10112xf32, #tpu.memory_space<any>>) target(%dma_start3A_314 : memref<10112xf32, #tpu.memory_space<vmem>>) target_semaphore(%arg13 : memref<!tpu.dma_semaphore, #tpu.memory_space<semaphore_mem>>)
    %dma_start3A_317 = arith.constant 25 : i32
    %dma_start3A_318 = arith.constant 0 : i32
    %dma_start3A_319 = tpu.memref_slice %arg12[%dma_start3A_317, %dma_start3A_318] : memref<64x10112xf32, #tpu.memory_space<vmem>> -> memref<1x10112xf32, #tpu.memory_space<vmem>>
    %dma_start3A_320 = tpu.memref_squeeze %dma_start3A_319 : memref<1x10112xf32, #tpu.memory_space<vmem>> -> memref<10112xf32, #tpu.memory_space<vmem>>
    %dma_start3A_321 = arith.constant 920320 : i32
    %dma_start3A_322 = tpu.memref_slice %arg0[%dma_start3A_321] : memref<1314816xf32, #tpu.memory_space<any>> -> memref<10112xf32, #tpu.memory_space<any>>
    tpu.enqueue_dma source(%dma_start3A_322 : memref<10112xf32, #tpu.memory_space<any>>) target(%dma_start3A_320 : memref<10112xf32, #tpu.memory_space<vmem>>) target_semaphore(%arg13 : memref<!tpu.dma_semaphore, #tpu.memory_space<semaphore_mem>>)
    %dma_start3A_323 = arith.constant 26 : i32
    %dma_start3A_324 = arith.constant 0 : i32
    %dma_start3A_325 = tpu.memref_slice %arg11[%dma_start3A_323, %dma_start3A_324] : memref<64x10112xf32, #tpu.memory_space<vmem>> -> memref<1x10112xf32, #tpu.memory_space<vmem>>
    %dma_start3A_326 = tpu.memref_squeeze %dma_start3A_325 : memref<1x10112xf32, #tpu.memory_space<vmem>> -> memref<10112xf32, #tpu.memory_space<vmem>>
    %dma_start3A_327 = arith.constant 273024 : i32
    %dma_start3A_328 = tpu.memref_slice %arg0[%dma_start3A_327] : memref<1314816xf32, #tpu.memory_space<any>> -> memref<10112xf32, #tpu.memory_space<any>>
    tpu.enqueue_dma source(%dma_start3A_328 : memref<10112xf32, #tpu.memory_space<any>>) target(%dma_start3A_326 : memref<10112xf32, #tpu.memory_space<vmem>>) target_semaphore(%arg13 : memref<!tpu.dma_semaphore, #tpu.memory_space<semaphore_mem>>)
    %dma_start3A_329 = arith.constant 26 : i32
    %dma_start3A_330 = arith.constant 0 : i32
    %dma_start3A_331 = tpu.memref_slice %arg12[%dma_start3A_329, %dma_start3A_330] : memref<64x10112xf32, #tpu.memory_space<vmem>> -> memref<1x10112xf32, #tpu.memory_space<vmem>>
    %dma_start3A_332 = tpu.memref_squeeze %dma_start3A_331 : memref<1x10112xf32, #tpu.memory_space<vmem>> -> memref<10112xf32, #tpu.memory_space<vmem>>
    %dma_start3A_333 = arith.constant 930432 : i32
    %dma_start3A_334 = tpu.memref_slice %arg0[%dma_start3A_333] : memref<1314816xf32, #tpu.memory_space<any>> -> memref<10112xf32, #tpu.memory_space<any>>
    tpu.enqueue_dma source(%dma_start3A_334 : memref<10112xf32, #tpu.memory_space<any>>) target(%dma_start3A_332 : memref<10112xf32, #tpu.memory_space<vmem>>) target_semaphore(%arg13 : memref<!tpu.dma_semaphore, #tpu.memory_space<semaphore_mem>>)
    %dma_start3A_335 = arith.constant 27 : i32
    %dma_start3A_336 = arith.constant 0 : i32
    %dma_start3A_337 = tpu.memref_slice %arg11[%dma_start3A_335, %dma_start3A_336] : memref<64x10112xf32, #tpu.memory_space<vmem>> -> memref<1x10112xf32, #tpu.memory_space<vmem>>
    %dma_start3A_338 = tpu.memref_squeeze %dma_start3A_337 : memref<1x10112xf32, #tpu.memory_space<vmem>> -> memref<10112xf32, #tpu.memory_space<vmem>>
    %dma_start3A_339 = arith.constant 283136 : i32
    %dma_start3A_340 = tpu.memref_slice %arg0[%dma_start3A_339] : memref<1314816xf32, #tpu.memory_space<any>> -> memref<10112xf32, #tpu.memory_space<any>>
    tpu.enqueue_dma source(%dma_start3A_340 : memref<10112xf32, #tpu.memory_space<any>>) target(%dma_start3A_338 : memref<10112xf32, #tpu.memory_space<vmem>>) target_semaphore(%arg13 : memref<!tpu.dma_semaphore, #tpu.memory_space<semaphore_mem>>)
    %dma_start3A_341 = arith.constant 27 : i32
    %dma_start3A_342 = arith.constant 0 : i32
    %dma_start3A_343 = tpu.memref_slice %arg12[%dma_start3A_341, %dma_start3A_342] : memref<64x10112xf32, #tpu.memory_space<vmem>> -> memref<1x10112xf32, #tpu.memory_space<vmem>>
    %dma_start3A_344 = tpu.memref_squeeze %dma_start3A_343 : memref<1x10112xf32, #tpu.memory_space<vmem>> -> memref<10112xf32, #tpu.memory_space<vmem>>
    %dma_start3A_345 = arith.constant 940544 : i32
    %dma_start3A_346 = tpu.memref_slice %arg0[%dma_start3A_345] : memref<1314816xf32, #tpu.memory_space<any>> -> memref<10112xf32, #tpu.memory_space<any>>
    tpu.enqueue_dma source(%dma_start3A_346 : memref<10112xf32, #tpu.memory_space<any>>) target(%dma_start3A_344 : memref<10112xf32, #tpu.memory_space<vmem>>) target_semaphore(%arg13 : memref<!tpu.dma_semaphore, #tpu.memory_space<semaphore_mem>>)
    %dma_start3A_347 = arith.constant 28 : i32
    %dma_start3A_348 = arith.constant 0 : i32
    %dma_start3A_349 = tpu.memref_slice %arg11[%dma_start3A_347, %dma_start3A_348] : memref<64x10112xf32, #tpu.memory_space<vmem>> -> memref<1x10112xf32, #tpu.memory_space<vmem>>
    %dma_start3A_350 = tpu.memref_squeeze %dma_start3A_349 : memref<1x10112xf32, #tpu.memory_space<vmem>> -> memref<10112xf32, #tpu.memory_space<vmem>>
    %dma_start3A_351 = arith.constant 293248 : i32
    %dma_start3A_352 = tpu.memref_slice %arg0[%dma_start3A_351] : memref<1314816xf32, #tpu.memory_space<any>> -> memref<10112xf32, #tpu.memory_space<any>>
    tpu.enqueue_dma source(%dma_start3A_352 : memref<10112xf32, #tpu.memory_space<any>>) target(%dma_start3A_350 : memref<10112xf32, #tpu.memory_space<vmem>>) target_semaphore(%arg13 : memref<!tpu.dma_semaphore, #tpu.memory_space<semaphore_mem>>)
    %dma_start3A_353 = arith.constant 28 : i32
    %dma_start3A_354 = arith.constant 0 : i32
    %dma_start3A_355 = tpu.memref_slice %arg12[%dma_start3A_353, %dma_start3A_354] : memref<64x10112xf32, #tpu.memory_space<vmem>> -> memref<1x10112xf32, #tpu.memory_space<vmem>>
    %dma_start3A_356 = tpu.memref_squeeze %dma_start3A_355 : memref<1x10112xf32, #tpu.memory_space<vmem>> -> memref<10112xf32, #tpu.memory_space<vmem>>
    %dma_start3A_357 = arith.constant 950656 : i32
    %dma_start3A_358 = tpu.memref_slice %arg0[%dma_start3A_357] : memref<1314816xf32, #tpu.memory_space<any>> -> memref<10112xf32, #tpu.memory_space<any>>
    tpu.enqueue_dma source(%dma_start3A_358 : memref<10112xf32, #tpu.memory_space<any>>) target(%dma_start3A_356 : memref<10112xf32, #tpu.memory_space<vmem>>) target_semaphore(%arg13 : memref<!tpu.dma_semaphore, #tpu.memory_space<semaphore_mem>>)
    %dma_start3A_359 = arith.constant 29 : i32
    %dma_start3A_360 = arith.constant 0 : i32
    %dma_start3A_361 = tpu.memref_slice %arg11[%dma_start3A_359, %dma_start3A_360] : memref<64x10112xf32, #tpu.memory_space<vmem>> -> memref<1x10112xf32, #tpu.memory_space<vmem>>
    %dma_start3A_362 = tpu.memref_squeeze %dma_start3A_361 : memref<1x10112xf32, #tpu.memory_space<vmem>> -> memref<10112xf32, #tpu.memory_space<vmem>>
    %dma_start3A_363 = arith.constant 303360 : i32
    %dma_start3A_364 = tpu.memref_slice %arg0[%dma_start3A_363] : memref<1314816xf32, #tpu.memory_space<any>> -> memref<10112xf32, #tpu.memory_space<any>>
    tpu.enqueue_dma source(%dma_start3A_364 : memref<10112xf32, #tpu.memory_space<any>>) target(%dma_start3A_362 : memref<10112xf32, #tpu.memory_space<vmem>>) target_semaphore(%arg13 : memref<!tpu.dma_semaphore, #tpu.memory_space<semaphore_mem>>)
    %dma_start3A_365 = arith.constant 29 : i32
    %dma_start3A_366 = arith.constant 0 : i32
    %dma_start3A_367 = tpu.memref_slice %arg12[%dma_start3A_365, %dma_start3A_366] : memref<64x10112xf32, #tpu.memory_space<vmem>> -> memref<1x10112xf32, #tpu.memory_space<vmem>>
    %dma_start3A_368 = tpu.memref_squeeze %dma_start3A_367 : memref<1x10112xf32, #tpu.memory_space<vmem>> -> memref<10112xf32, #tpu.memory_space<vmem>>
    %dma_start3A_369 = arith.constant 960768 : i32
    %dma_start3A_370 = tpu.memref_slice %arg0[%dma_start3A_369] : memref<1314816xf32, #tpu.memory_space<any>> -> memref<10112xf32, #tpu.memory_space<any>>
    tpu.enqueue_dma source(%dma_start3A_370 : memref<10112xf32, #tpu.memory_space<any>>) target(%dma_start3A_368 : memref<10112xf32, #tpu.memory_space<vmem>>) target_semaphore(%arg13 : memref<!tpu.dma_semaphore, #tpu.memory_space<semaphore_mem>>)
    %dma_start3A_371 = arith.constant 30 : i32
    %dma_start3A_372 = arith.constant 0 : i32
    %dma_start3A_373 = tpu.memref_slice %arg11[%dma_start3A_371, %dma_start3A_372] : memref<64x10112xf32, #tpu.memory_space<vmem>> -> memref<1x10112xf32, #tpu.memory_space<vmem>>
    %dma_start3A_374 = tpu.memref_squeeze %dma_start3A_373 : memref<1x10112xf32, #tpu.memory_space<vmem>> -> memref<10112xf32, #tpu.memory_space<vmem>>
    %dma_start3A_375 = arith.constant 313472 : i32
    %dma_start3A_376 = tpu.memref_slice %arg0[%dma_start3A_375] : memref<1314816xf32, #tpu.memory_space<any>> -> memref<10112xf32, #tpu.memory_space<any>>
    tpu.enqueue_dma source(%dma_start3A_376 : memref<10112xf32, #tpu.memory_space<any>>) target(%dma_start3A_374 : memref<10112xf32, #tpu.memory_space<vmem>>) target_semaphore(%arg13 : memref<!tpu.dma_semaphore, #tpu.memory_space<semaphore_mem>>)
    %dma_start3A_377 = arith.constant 30 : i32
    %dma_start3A_378 = arith.constant 0 : i32
    %dma_start3A_379 = tpu.memref_slice %arg12[%dma_start3A_377, %dma_start3A_378] : memref<64x10112xf32, #tpu.memory_space<vmem>> -> memref<1x10112xf32, #tpu.memory_space<vmem>>
    %dma_start3A_380 = tpu.memref_squeeze %dma_start3A_379 : memref<1x10112xf32, #tpu.memory_space<vmem>> -> memref<10112xf32, #tpu.memory_space<vmem>>
    %dma_start3A_381 = arith.constant 970880 : i32
    %dma_start3A_382 = tpu.memref_slice %arg0[%dma_start3A_381] : memref<1314816xf32, #tpu.memory_space<any>> -> memref<10112xf32, #tpu.memory_space<any>>
    tpu.enqueue_dma source(%dma_start3A_382 : memref<10112xf32, #tpu.memory_space<any>>) target(%dma_start3A_380 : memref<10112xf32, #tpu.memory_space<vmem>>) target_semaphore(%arg13 : memref<!tpu.dma_semaphore, #tpu.memory_space<semaphore_mem>>)
    %dma_start3A_383 = arith.constant 31 : i32
    %dma_start3A_384 = arith.constant 0 : i32
    %dma_start3A_385 = tpu.memref_slice %arg11[%dma_start3A_383, %dma_start3A_384] : memref<64x10112xf32, #tpu.memory_space<vmem>> -> memref<1x10112xf32, #tpu.memory_space<vmem>>
    %dma_start3A_386 = tpu.memref_squeeze %dma_start3A_385 : memref<1x10112xf32, #tpu.memory_space<vmem>> -> memref<10112xf32, #tpu.memory_space<vmem>>
    %dma_start3A_387 = arith.constant 323584 : i32
    %dma_start3A_388 = tpu.memref_slice %arg0[%dma_start3A_387] : memref<1314816xf32, #tpu.memory_space<any>> -> memref<10112xf32, #tpu.memory_space<any>>
    tpu.enqueue_dma source(%dma_start3A_388 : memref<10112xf32, #tpu.memory_space<any>>) target(%dma_start3A_386 : memref<10112xf32, #tpu.memory_space<vmem>>) target_semaphore(%arg13 : memref<!tpu.dma_semaphore, #tpu.memory_space<semaphore_mem>>)
    %dma_start3A_389 = arith.constant 31 : i32
    %dma_start3A_390 = arith.constant 0 : i32
    %dma_start3A_391 = tpu.memref_slice %arg12[%dma_start3A_389, %dma_start3A_390] : memref<64x10112xf32, #tpu.memory_space<vmem>> -> memref<1x10112xf32, #tpu.memory_space<vmem>>
    %dma_start3A_392 = tpu.memref_squeeze %dma_start3A_391 : memref<1x10112xf32, #tpu.memory_space<vmem>> -> memref<10112xf32, #tpu.memory_space<vmem>>
    %dma_start3A_393 = arith.constant 980992 : i32
    %dma_start3A_394 = tpu.memref_slice %arg0[%dma_start3A_393] : memref<1314816xf32, #tpu.memory_space<any>> -> memref<10112xf32, #tpu.memory_space<any>>
    tpu.enqueue_dma source(%dma_start3A_394 : memref<10112xf32, #tpu.memory_space<any>>) target(%dma_start3A_392 : memref<10112xf32, #tpu.memory_space<vmem>>) target_semaphore(%arg13 : memref<!tpu.dma_semaphore, #tpu.memory_space<semaphore_mem>>)
    %dma_start3A_395 = arith.constant 32 : i32
    %dma_start3A_396 = arith.constant 0 : i32
    %dma_start3A_397 = tpu.memref_slice %arg11[%dma_start3A_395, %dma_start3A_396] : memref<64x10112xf32, #tpu.memory_space<vmem>> -> memref<1x10112xf32, #tpu.memory_space<vmem>>
    %dma_start3A_398 = tpu.memref_squeeze %dma_start3A_397 : memref<1x10112xf32, #tpu.memory_space<vmem>> -> memref<10112xf32, #tpu.memory_space<vmem>>
    %dma_start3A_399 = arith.constant 333696 : i32
    %dma_start3A_400 = tpu.memref_slice %arg0[%dma_start3A_399] : memref<1314816xf32, #tpu.memory_space<any>> -> memref<10112xf32, #tpu.memory_space<any>>
    tpu.enqueue_dma source(%dma_start3A_400 : memref<10112xf32, #tpu.memory_space<any>>) target(%dma_start3A_398 : memref<10112xf32, #tpu.memory_space<vmem>>) target_semaphore(%arg13 : memref<!tpu.dma_semaphore, #tpu.memory_space<semaphore_mem>>)
    %dma_start3A_401 = arith.constant 32 : i32
    %dma_start3A_402 = arith.constant 0 : i32
    %dma_start3A_403 = tpu.memref_slice %arg12[%dma_start3A_401, %dma_start3A_402] : memref<64x10112xf32, #tpu.memory_space<vmem>> -> memref<1x10112xf32, #tpu.memory_space<vmem>>
    %dma_start3A_404 = tpu.memref_squeeze %dma_start3A_403 : memref<1x10112xf32, #tpu.memory_space<vmem>> -> memref<10112xf32, #tpu.memory_space<vmem>>
    %dma_start3A_405 = arith.constant 991104 : i32
    %dma_start3A_406 = tpu.memref_slice %arg0[%dma_start3A_405] : memref<1314816xf32, #tpu.memory_space<any>> -> memref<10112xf32, #tpu.memory_space<any>>
    tpu.enqueue_dma source(%dma_start3A_406 : memref<10112xf32, #tpu.memory_space<any>>) target(%dma_start3A_404 : memref<10112xf32, #tpu.memory_space<vmem>>) target_semaphore(%arg13 : memref<!tpu.dma_semaphore, #tpu.memory_space<semaphore_mem>>)
    %dma_start3A_407 = arith.constant 33 : i32
    %dma_start3A_408 = arith.constant 0 : i32
    %dma_start3A_409 = tpu.memref_slice %arg11[%dma_start3A_407, %dma_start3A_408] : memref<64x10112xf32, #tpu.memory_space<vmem>> -> memref<1x10112xf32, #tpu.memory_space<vmem>>
    %dma_start3A_410 = tpu.memref_squeeze %dma_start3A_409 : memref<1x10112xf32, #tpu.memory_space<vmem>> -> memref<10112xf32, #tpu.memory_space<vmem>>
    %dma_start3A_411 = arith.constant 343808 : i32
    %dma_start3A_412 = tpu.memref_slice %arg0[%dma_start3A_411] : memref<1314816xf32, #tpu.memory_space<any>> -> memref<10112xf32, #tpu.memory_space<any>>
    tpu.enqueue_dma source(%dma_start3A_412 : memref<10112xf32, #tpu.memory_space<any>>) target(%dma_start3A_410 : memref<10112xf32, #tpu.memory_space<vmem>>) target_semaphore(%arg13 : memref<!tpu.dma_semaphore, #tpu.memory_space<semaphore_mem>>)
    %dma_start3A_413 = arith.constant 33 : i32
    %dma_start3A_414 = arith.constant 0 : i32
    %dma_start3A_415 = tpu.memref_slice %arg12[%dma_start3A_413, %dma_start3A_414] : memref<64x10112xf32, #tpu.memory_space<vmem>> -> memref<1x10112xf32, #tpu.memory_space<vmem>>
    %dma_start3A_416 = tpu.memref_squeeze %dma_start3A_415 : memref<1x10112xf32, #tpu.memory_space<vmem>> -> memref<10112xf32, #tpu.memory_space<vmem>>
    %dma_start3A_417 = arith.constant 1001216 : i32
    %dma_start3A_418 = tpu.memref_slice %arg0[%dma_start3A_417] : memref<1314816xf32, #tpu.memory_space<any>> -> memref<10112xf32, #tpu.memory_space<any>>
    tpu.enqueue_dma source(%dma_start3A_418 : memref<10112xf32, #tpu.memory_space<any>>) target(%dma_start3A_416 : memref<10112xf32, #tpu.memory_space<vmem>>) target_semaphore(%arg13 : memref<!tpu.dma_semaphore, #tpu.memory_space<semaphore_mem>>)
    %dma_start3A_419 = arith.constant 34 : i32
    %dma_start3A_420 = arith.constant 0 : i32
    %dma_start3A_421 = tpu.memref_slice %arg11[%dma_start3A_419, %dma_start3A_420] : memref<64x10112xf32, #tpu.memory_space<vmem>> -> memref<1x10112xf32, #tpu.memory_space<vmem>>
    %dma_start3A_422 = tpu.memref_squeeze %dma_start3A_421 : memref<1x10112xf32, #tpu.memory_space<vmem>> -> memref<10112xf32, #tpu.memory_space<vmem>>
    %dma_start3A_423 = arith.constant 353920 : i32
    %dma_start3A_424 = tpu.memref_slice %arg0[%dma_start3A_423] : memref<1314816xf32, #tpu.memory_space<any>> -> memref<10112xf32, #tpu.memory_space<any>>
    tpu.enqueue_dma source(%dma_start3A_424 : memref<10112xf32, #tpu.memory_space<any>>) target(%dma_start3A_422 : memref<10112xf32, #tpu.memory_space<vmem>>) target_semaphore(%arg13 : memref<!tpu.dma_semaphore, #tpu.memory_space<semaphore_mem>>)
    %dma_start3A_425 = arith.constant 34 : i32
    %dma_start3A_426 = arith.constant 0 : i32
    %dma_start3A_427 = tpu.memref_slice %arg12[%dma_start3A_425, %dma_start3A_426] : memref<64x10112xf32, #tpu.memory_space<vmem>> -> memref<1x10112xf32, #tpu.memory_space<vmem>>
    %dma_start3A_428 = tpu.memref_squeeze %dma_start3A_427 : memref<1x10112xf32, #tpu.memory_space<vmem>> -> memref<10112xf32, #tpu.memory_space<vmem>>
    %dma_start3A_429 = arith.constant 1011328 : i32
    %dma_start3A_430 = tpu.memref_slice %arg0[%dma_start3A_429] : memref<1314816xf32, #tpu.memory_space<any>> -> memref<10112xf32, #tpu.memory_space<any>>
    tpu.enqueue_dma source(%dma_start3A_430 : memref<10112xf32, #tpu.memory_space<any>>) target(%dma_start3A_428 : memref<10112xf32, #tpu.memory_space<vmem>>) target_semaphore(%arg13 : memref<!tpu.dma_semaphore, #tpu.memory_space<semaphore_mem>>)
    %dma_start3A_431 = arith.constant 35 : i32
    %dma_start3A_432 = arith.constant 0 : i32
    %dma_start3A_433 = tpu.memref_slice %arg11[%dma_start3A_431, %dma_start3A_432] : memref<64x10112xf32, #tpu.memory_space<vmem>> -> memref<1x10112xf32, #tpu.memory_space<vmem>>
    %dma_start3A_434 = tpu.memref_squeeze %dma_start3A_433 : memref<1x10112xf32, #tpu.memory_space<vmem>> -> memref<10112xf32, #tpu.memory_space<vmem>>
    %dma_start3A_435 = arith.constant 364032 : i32
    %dma_start3A_436 = tpu.memref_slice %arg0[%dma_start3A_435] : memref<1314816xf32, #tpu.memory_space<any>> -> memref<10112xf32, #tpu.memory_space<any>>
    tpu.enqueue_dma source(%dma_start3A_436 : memref<10112xf32, #tpu.memory_space<any>>) target(%dma_start3A_434 : memref<10112xf32, #tpu.memory_space<vmem>>) target_semaphore(%arg13 : memref<!tpu.dma_semaphore, #tpu.memory_space<semaphore_mem>>)
    %dma_start3A_437 = arith.constant 35 : i32
    %dma_start3A_438 = arith.constant 0 : i32
    %dma_start3A_439 = tpu.memref_slice %arg12[%dma_start3A_437, %dma_start3A_438] : memref<64x10112xf32, #tpu.memory_space<vmem>> -> memref<1x10112xf32, #tpu.memory_space<vmem>>
    %dma_start3A_440 = tpu.memref_squeeze %dma_start3A_439 : memref<1x10112xf32, #tpu.memory_space<vmem>> -> memref<10112xf32, #tpu.memory_space<vmem>>
    %dma_start3A_441 = arith.constant 1021440 : i32
    %dma_start3A_442 = tpu.memref_slice %arg0[%dma_start3A_441] : memref<1314816xf32, #tpu.memory_space<any>> -> memref<10112xf32, #tpu.memory_space<any>>
    tpu.enqueue_dma source(%dma_start3A_442 : memref<10112xf32, #tpu.memory_space<any>>) target(%dma_start3A_440 : memref<10112xf32, #tpu.memory_space<vmem>>) target_semaphore(%arg13 : memref<!tpu.dma_semaphore, #tpu.memory_space<semaphore_mem>>)
    %dma_start3A_443 = arith.constant 36 : i32
    %dma_start3A_444 = arith.constant 0 : i32
    %dma_start3A_445 = tpu.memref_slice %arg11[%dma_start3A_443, %dma_start3A_444] : memref<64x10112xf32, #tpu.memory_space<vmem>> -> memref<1x10112xf32, #tpu.memory_space<vmem>>
    %dma_start3A_446 = tpu.memref_squeeze %dma_start3A_445 : memref<1x10112xf32, #tpu.memory_space<vmem>> -> memref<10112xf32, #tpu.memory_space<vmem>>
    %dma_start3A_447 = arith.constant 374144 : i32
    %dma_start3A_448 = tpu.memref_slice %arg0[%dma_start3A_447] : memref<1314816xf32, #tpu.memory_space<any>> -> memref<10112xf32, #tpu.memory_space<any>>
    tpu.enqueue_dma source(%dma_start3A_448 : memref<10112xf32, #tpu.memory_space<any>>) target(%dma_start3A_446 : memref<10112xf32, #tpu.memory_space<vmem>>) target_semaphore(%arg13 : memref<!tpu.dma_semaphore, #tpu.memory_space<semaphore_mem>>)
    %dma_start3A_449 = arith.constant 36 : i32
    %dma_start3A_450 = arith.constant 0 : i32
    %dma_start3A_451 = tpu.memref_slice %arg12[%dma_start3A_449, %dma_start3A_450] : memref<64x10112xf32, #tpu.memory_space<vmem>> -> memref<1x10112xf32, #tpu.memory_space<vmem>>
    %dma_start3A_452 = tpu.memref_squeeze %dma_start3A_451 : memref<1x10112xf32, #tpu.memory_space<vmem>> -> memref<10112xf32, #tpu.memory_space<vmem>>
    %dma_start3A_453 = arith.constant 1031552 : i32
    %dma_start3A_454 = tpu.memref_slice %arg0[%dma_start3A_453] : memref<1314816xf32, #tpu.memory_space<any>> -> memref<10112xf32, #tpu.memory_space<any>>
    tpu.enqueue_dma source(%dma_start3A_454 : memref<10112xf32, #tpu.memory_space<any>>) target(%dma_start3A_452 : memref<10112xf32, #tpu.memory_space<vmem>>) target_semaphore(%arg13 : memref<!tpu.dma_semaphore, #tpu.memory_space<semaphore_mem>>)
    %dma_start3A_455 = arith.constant 37 : i32
    %dma_start3A_456 = arith.constant 0 : i32
    %dma_start3A_457 = tpu.memref_slice %arg11[%dma_start3A_455, %dma_start3A_456] : memref<64x10112xf32, #tpu.memory_space<vmem>> -> memref<1x10112xf32, #tpu.memory_space<vmem>>
    %dma_start3A_458 = tpu.memref_squeeze %dma_start3A_457 : memref<1x10112xf32, #tpu.memory_space<vmem>> -> memref<10112xf32, #tpu.memory_space<vmem>>
    %dma_start3A_459 = arith.constant 384256 : i32
    %dma_start3A_460 = tpu.memref_slice %arg0[%dma_start3A_459] : memref<1314816xf32, #tpu.memory_space<any>> -> memref<10112xf32, #tpu.memory_space<any>>
    tpu.enqueue_dma source(%dma_start3A_460 : memref<10112xf32, #tpu.memory_space<any>>) target(%dma_start3A_458 : memref<10112xf32, #tpu.memory_space<vmem>>) target_semaphore(%arg13 : memref<!tpu.dma_semaphore, #tpu.memory_space<semaphore_mem>>)
    %dma_start3A_461 = arith.constant 37 : i32
    %dma_start3A_462 = arith.constant 0 : i32
    %dma_start3A_463 = tpu.memref_slice %arg12[%dma_start3A_461, %dma_start3A_462] : memref<64x10112xf32, #tpu.memory_space<vmem>> -> memref<1x10112xf32, #tpu.memory_space<vmem>>
    %dma_start3A_464 = tpu.memref_squeeze %dma_start3A_463 : memref<1x10112xf32, #tpu.memory_space<vmem>> -> memref<10112xf32, #tpu.memory_space<vmem>>
    %dma_start3A_465 = arith.constant 1041664 : i32
    %dma_start3A_466 = tpu.memref_slice %arg0[%dma_start3A_465] : memref<1314816xf32, #tpu.memory_space<any>> -> memref<10112xf32, #tpu.memory_space<any>>
    tpu.enqueue_dma source(%dma_start3A_466 : memref<10112xf32, #tpu.memory_space<any>>) target(%dma_start3A_464 : memref<10112xf32, #tpu.memory_space<vmem>>) target_semaphore(%arg13 : memref<!tpu.dma_semaphore, #tpu.memory_space<semaphore_mem>>)
    %dma_start3A_467 = arith.constant 38 : i32
    %dma_start3A_468 = arith.constant 0 : i32
    %dma_start3A_469 = tpu.memref_slice %arg11[%dma_start3A_467, %dma_start3A_468] : memref<64x10112xf32, #tpu.memory_space<vmem>> -> memref<1x10112xf32, #tpu.memory_space<vmem>>
    %dma_start3A_470 = tpu.memref_squeeze %dma_start3A_469 : memref<1x10112xf32, #tpu.memory_space<vmem>> -> memref<10112xf32, #tpu.memory_space<vmem>>
    %dma_start3A_471 = arith.constant 394368 : i32
    %dma_start3A_472 = tpu.memref_slice %arg0[%dma_start3A_471] : memref<1314816xf32, #tpu.memory_space<any>> -> memref<10112xf32, #tpu.memory_space<any>>
    tpu.enqueue_dma source(%dma_start3A_472 : memref<10112xf32, #tpu.memory_space<any>>) target(%dma_start3A_470 : memref<10112xf32, #tpu.memory_space<vmem>>) target_semaphore(%arg13 : memref<!tpu.dma_semaphore, #tpu.memory_space<semaphore_mem>>)
    %dma_start3A_473 = arith.constant 38 : i32
    %dma_start3A_474 = arith.constant 0 : i32
    %dma_start3A_475 = tpu.memref_slice %arg12[%dma_start3A_473, %dma_start3A_474] : memref<64x10112xf32, #tpu.memory_space<vmem>> -> memref<1x10112xf32, #tpu.memory_space<vmem>>
    %dma_start3A_476 = tpu.memref_squeeze %dma_start3A_475 : memref<1x10112xf32, #tpu.memory_space<vmem>> -> memref<10112xf32, #tpu.memory_space<vmem>>
    %dma_start3A_477 = arith.constant 1051776 : i32
    %dma_start3A_478 = tpu.memref_slice %arg0[%dma_start3A_477] : memref<1314816xf32, #tpu.memory_space<any>> -> memref<10112xf32, #tpu.memory_space<any>>
    tpu.enqueue_dma source(%dma_start3A_478 : memref<10112xf32, #tpu.memory_space<any>>) target(%dma_start3A_476 : memref<10112xf32, #tpu.memory_space<vmem>>) target_semaphore(%arg13 : memref<!tpu.dma_semaphore, #tpu.memory_space<semaphore_mem>>)
    %dma_start3A_479 = arith.constant 39 : i32
    %dma_start3A_480 = arith.constant 0 : i32
    %dma_start3A_481 = tpu.memref_slice %arg11[%dma_start3A_479, %dma_start3A_480] : memref<64x10112xf32, #tpu.memory_space<vmem>> -> memref<1x10112xf32, #tpu.memory_space<vmem>>
    %dma_start3A_482 = tpu.memref_squeeze %dma_start3A_481 : memref<1x10112xf32, #tpu.memory_space<vmem>> -> memref<10112xf32, #tpu.memory_space<vmem>>
    %dma_start3A_483 = arith.constant 404480 : i32
    %dma_start3A_484 = tpu.memref_slice %arg0[%dma_start3A_483] : memref<1314816xf32, #tpu.memory_space<any>> -> memref<10112xf32, #tpu.memory_space<any>>
    tpu.enqueue_dma source(%dma_start3A_484 : memref<10112xf32, #tpu.memory_space<any>>) target(%dma_start3A_482 : memref<10112xf32, #tpu.memory_space<vmem>>) target_semaphore(%arg13 : memref<!tpu.dma_semaphore, #tpu.memory_space<semaphore_mem>>)
    %dma_start3A_485 = arith.constant 39 : i32
    %dma_start3A_486 = arith.constant 0 : i32
    %dma_start3A_487 = tpu.memref_slice %arg12[%dma_start3A_485, %dma_start3A_486] : memref<64x10112xf32, #tpu.memory_space<vmem>> -> memref<1x10112xf32, #tpu.memory_space<vmem>>
    %dma_start3A_488 = tpu.memref_squeeze %dma_start3A_487 : memref<1x10112xf32, #tpu.memory_space<vmem>> -> memref<10112xf32, #tpu.memory_space<vmem>>
    %dma_start3A_489 = arith.constant 1061888 : i32
    %dma_start3A_490 = tpu.memref_slice %arg0[%dma_start3A_489] : memref<1314816xf32, #tpu.memory_space<any>> -> memref<10112xf32, #tpu.memory_space<any>>
    tpu.enqueue_dma source(%dma_start3A_490 : memref<10112xf32, #tpu.memory_space<any>>) target(%dma_start3A_488 : memref<10112xf32, #tpu.memory_space<vmem>>) target_semaphore(%arg13 : memref<!tpu.dma_semaphore, #tpu.memory_space<semaphore_mem>>)
    %dma_start3A_491 = arith.constant 40 : i32
    %dma_start3A_492 = arith.constant 0 : i32
    %dma_start3A_493 = tpu.memref_slice %arg11[%dma_start3A_491, %dma_start3A_492] : memref<64x10112xf32, #tpu.memory_space<vmem>> -> memref<1x10112xf32, #tpu.memory_space<vmem>>
    %dma_start3A_494 = tpu.memref_squeeze %dma_start3A_493 : memref<1x10112xf32, #tpu.memory_space<vmem>> -> memref<10112xf32, #tpu.memory_space<vmem>>
    %dma_start3A_495 = arith.constant 414592 : i32
    %dma_start3A_496 = tpu.memref_slice %arg0[%dma_start3A_495] : memref<1314816xf32, #tpu.memory_space<any>> -> memref<10112xf32, #tpu.memory_space<any>>
    tpu.enqueue_dma source(%dma_start3A_496 : memref<10112xf32, #tpu.memory_space<any>>) target(%dma_start3A_494 : memref<10112xf32, #tpu.memory_space<vmem>>) target_semaphore(%arg13 : memref<!tpu.dma_semaphore, #tpu.memory_space<semaphore_mem>>)
    %dma_start3A_497 = arith.constant 40 : i32
    %dma_start3A_498 = arith.constant 0 : i32
    %dma_start3A_499 = tpu.memref_slice %arg12[%dma_start3A_497, %dma_start3A_498] : memref<64x10112xf32, #tpu.memory_space<vmem>> -> memref<1x10112xf32, #tpu.memory_space<vmem>>
    %dma_start3A_500 = tpu.memref_squeeze %dma_start3A_499 : memref<1x10112xf32, #tpu.memory_space<vmem>> -> memref<10112xf32, #tpu.memory_space<vmem>>
    %dma_start3A_501 = arith.constant 1072000 : i32
    %dma_start3A_502 = tpu.memref_slice %arg0[%dma_start3A_501] : memref<1314816xf32, #tpu.memory_space<any>> -> memref<10112xf32, #tpu.memory_space<any>>
    tpu.enqueue_dma source(%dma_start3A_502 : memref<10112xf32, #tpu.memory_space<any>>) target(%dma_start3A_500 : memref<10112xf32, #tpu.memory_space<vmem>>) target_semaphore(%arg13 : memref<!tpu.dma_semaphore, #tpu.memory_space<semaphore_mem>>)
    %dma_start3A_503 = arith.constant 41 : i32
    %dma_start3A_504 = arith.constant 0 : i32
    %dma_start3A_505 = tpu.memref_slice %arg11[%dma_start3A_503, %dma_start3A_504] : memref<64x10112xf32, #tpu.memory_space<vmem>> -> memref<1x10112xf32, #tpu.memory_space<vmem>>
    %dma_start3A_506 = tpu.memref_squeeze %dma_start3A_505 : memref<1x10112xf32, #tpu.memory_space<vmem>> -> memref<10112xf32, #tpu.memory_space<vmem>>
    %dma_start3A_507 = arith.constant 424704 : i32
    %dma_start3A_508 = tpu.memref_slice %arg0[%dma_start3A_507] : memref<1314816xf32, #tpu.memory_space<any>> -> memref<10112xf32, #tpu.memory_space<any>>
    tpu.enqueue_dma source(%dma_start3A_508 : memref<10112xf32, #tpu.memory_space<any>>) target(%dma_start3A_506 : memref<10112xf32, #tpu.memory_space<vmem>>) target_semaphore(%arg13 : memref<!tpu.dma_semaphore, #tpu.memory_space<semaphore_mem>>)
    %dma_start3A_509 = arith.constant 41 : i32
    %dma_start3A_510 = arith.constant 0 : i32
    %dma_start3A_511 = tpu.memref_slice %arg12[%dma_start3A_509, %dma_start3A_510] : memref<64x10112xf32, #tpu.memory_space<vmem>> -> memref<1x10112xf32, #tpu.memory_space<vmem>>
    %dma_start3A_512 = tpu.memref_squeeze %dma_start3A_511 : memref<1x10112xf32, #tpu.memory_space<vmem>> -> memref<10112xf32, #tpu.memory_space<vmem>>
    %dma_start3A_513 = arith.constant 1082112 : i32
    %dma_start3A_514 = tpu.memref_slice %arg0[%dma_start3A_513] : memref<1314816xf32, #tpu.memory_space<any>> -> memref<10112xf32, #tpu.memory_space<any>>
    tpu.enqueue_dma source(%dma_start3A_514 : memref<10112xf32, #tpu.memory_space<any>>) target(%dma_start3A_512 : memref<10112xf32, #tpu.memory_space<vmem>>) target_semaphore(%arg13 : memref<!tpu.dma_semaphore, #tpu.memory_space<semaphore_mem>>)
    %dma_start3A_515 = arith.constant 42 : i32
    %dma_start3A_516 = arith.constant 0 : i32
    %dma_start3A_517 = tpu.memref_slice %arg11[%dma_start3A_515, %dma_start3A_516] : memref<64x10112xf32, #tpu.memory_space<vmem>> -> memref<1x10112xf32, #tpu.memory_space<vmem>>
    %dma_start3A_518 = tpu.memref_squeeze %dma_start3A_517 : memref<1x10112xf32, #tpu.memory_space<vmem>> -> memref<10112xf32, #tpu.memory_space<vmem>>
    %dma_start3A_519 = arith.constant 434816 : i32
    %dma_start3A_520 = tpu.memref_slice %arg0[%dma_start3A_519] : memref<1314816xf32, #tpu.memory_space<any>> -> memref<10112xf32, #tpu.memory_space<any>>
    tpu.enqueue_dma source(%dma_start3A_520 : memref<10112xf32, #tpu.memory_space<any>>) target(%dma_start3A_518 : memref<10112xf32, #tpu.memory_space<vmem>>) target_semaphore(%arg13 : memref<!tpu.dma_semaphore, #tpu.memory_space<semaphore_mem>>)
    %dma_start3A_521 = arith.constant 42 : i32
    %dma_start3A_522 = arith.constant 0 : i32
    %dma_start3A_523 = tpu.memref_slice %arg12[%dma_start3A_521, %dma_start3A_522] : memref<64x10112xf32, #tpu.memory_space<vmem>> -> memref<1x10112xf32, #tpu.memory_space<vmem>>
    %dma_start3A_524 = tpu.memref_squeeze %dma_start3A_523 : memref<1x10112xf32, #tpu.memory_space<vmem>> -> memref<10112xf32, #tpu.memory_space<vmem>>
    %dma_start3A_525 = arith.constant 1092224 : i32
    %dma_start3A_526 = tpu.memref_slice %arg0[%dma_start3A_525] : memref<1314816xf32, #tpu.memory_space<any>> -> memref<10112xf32, #tpu.memory_space<any>>
    tpu.enqueue_dma source(%dma_start3A_526 : memref<10112xf32, #tpu.memory_space<any>>) target(%dma_start3A_524 : memref<10112xf32, #tpu.memory_space<vmem>>) target_semaphore(%arg13 : memref<!tpu.dma_semaphore, #tpu.memory_space<semaphore_mem>>)
    %dma_start3A_527 = arith.constant 43 : i32
    %dma_start3A_528 = arith.constant 0 : i32
    %dma_start3A_529 = tpu.memref_slice %arg11[%dma_start3A_527, %dma_start3A_528] : memref<64x10112xf32, #tpu.memory_space<vmem>> -> memref<1x10112xf32, #tpu.memory_space<vmem>>
    %dma_start3A_530 = tpu.memref_squeeze %dma_start3A_529 : memref<1x10112xf32, #tpu.memory_space<vmem>> -> memref<10112xf32, #tpu.memory_space<vmem>>
    %dma_start3A_531 = arith.constant 444928 : i32
    %dma_start3A_532 = tpu.memref_slice %arg0[%dma_start3A_531] : memref<1314816xf32, #tpu.memory_space<any>> -> memref<10112xf32, #tpu.memory_space<any>>
    tpu.enqueue_dma source(%dma_start3A_532 : memref<10112xf32, #tpu.memory_space<any>>) target(%dma_start3A_530 : memref<10112xf32, #tpu.memory_space<vmem>>) target_semaphore(%arg13 : memref<!tpu.dma_semaphore, #tpu.memory_space<semaphore_mem>>)
    %dma_start3A_533 = arith.constant 43 : i32
    %dma_start3A_534 = arith.constant 0 : i32
    %dma_start3A_535 = tpu.memref_slice %arg12[%dma_start3A_533, %dma_start3A_534] : memref<64x10112xf32, #tpu.memory_space<vmem>> -> memref<1x10112xf32, #tpu.memory_space<vmem>>
    %dma_start3A_536 = tpu.memref_squeeze %dma_start3A_535 : memref<1x10112xf32, #tpu.memory_space<vmem>> -> memref<10112xf32, #tpu.memory_space<vmem>>
    %dma_start3A_537 = arith.constant 1102336 : i32
    %dma_start3A_538 = tpu.memref_slice %arg0[%dma_start3A_537] : memref<1314816xf32, #tpu.memory_space<any>> -> memref<10112xf32, #tpu.memory_space<any>>
    tpu.enqueue_dma source(%dma_start3A_538 : memref<10112xf32, #tpu.memory_space<any>>) target(%dma_start3A_536 : memref<10112xf32, #tpu.memory_space<vmem>>) target_semaphore(%arg13 : memref<!tpu.dma_semaphore, #tpu.memory_space<semaphore_mem>>)
    %dma_start3A_539 = arith.constant 44 : i32
    %dma_start3A_540 = arith.constant 0 : i32
    %dma_start3A_541 = tpu.memref_slice %arg11[%dma_start3A_539, %dma_start3A_540] : memref<64x10112xf32, #tpu.memory_space<vmem>> -> memref<1x10112xf32, #tpu.memory_space<vmem>>
    %dma_start3A_542 = tpu.memref_squeeze %dma_start3A_541 : memref<1x10112xf32, #tpu.memory_space<vmem>> -> memref<10112xf32, #tpu.memory_space<vmem>>
    %dma_start3A_543 = arith.constant 455040 : i32
    %dma_start3A_544 = tpu.memref_slice %arg0[%dma_start3A_543] : memref<1314816xf32, #tpu.memory_space<any>> -> memref<10112xf32, #tpu.memory_space<any>>
    tpu.enqueue_dma source(%dma_start3A_544 : memref<10112xf32, #tpu.memory_space<any>>) target(%dma_start3A_542 : memref<10112xf32, #tpu.memory_space<vmem>>) target_semaphore(%arg13 : memref<!tpu.dma_semaphore, #tpu.memory_space<semaphore_mem>>)
    %dma_start3A_545 = arith.constant 44 : i32
    %dma_start3A_546 = arith.constant 0 : i32
    %dma_start3A_547 = tpu.memref_slice %arg12[%dma_start3A_545, %dma_start3A_546] : memref<64x10112xf32, #tpu.memory_space<vmem>> -> memref<1x10112xf32, #tpu.memory_space<vmem>>
    %dma_start3A_548 = tpu.memref_squeeze %dma_start3A_547 : memref<1x10112xf32, #tpu.memory_space<vmem>> -> memref<10112xf32, #tpu.memory_space<vmem>>
    %dma_start3A_549 = arith.constant 1112448 : i32
    %dma_start3A_550 = tpu.memref_slice %arg0[%dma_start3A_549] : memref<1314816xf32, #tpu.memory_space<any>> -> memref<10112xf32, #tpu.memory_space<any>>
    tpu.enqueue_dma source(%dma_start3A_550 : memref<10112xf32, #tpu.memory_space<any>>) target(%dma_start3A_548 : memref<10112xf32, #tpu.memory_space<vmem>>) target_semaphore(%arg13 : memref<!tpu.dma_semaphore, #tpu.memory_space<semaphore_mem>>)
    %dma_start3A_551 = arith.constant 45 : i32
    %dma_start3A_552 = arith.constant 0 : i32
    %dma_start3A_553 = tpu.memref_slice %arg11[%dma_start3A_551, %dma_start3A_552] : memref<64x10112xf32, #tpu.memory_space<vmem>> -> memref<1x10112xf32, #tpu.memory_space<vmem>>
    %dma_start3A_554 = tpu.memref_squeeze %dma_start3A_553 : memref<1x10112xf32, #tpu.memory_space<vmem>> -> memref<10112xf32, #tpu.memory_space<vmem>>
    %dma_start3A_555 = arith.constant 465152 : i32
    %dma_start3A_556 = tpu.memref_slice %arg0[%dma_start3A_555] : memref<1314816xf32, #tpu.memory_space<any>> -> memref<10112xf32, #tpu.memory_space<any>>
    tpu.enqueue_dma source(%dma_start3A_556 : memref<10112xf32, #tpu.memory_space<any>>) target(%dma_start3A_554 : memref<10112xf32, #tpu.memory_space<vmem>>) target_semaphore(%arg13 : memref<!tpu.dma_semaphore, #tpu.memory_space<semaphore_mem>>)
    %dma_start3A_557 = arith.constant 45 : i32
    %dma_start3A_558 = arith.constant 0 : i32
    %dma_start3A_559 = tpu.memref_slice %arg12[%dma_start3A_557, %dma_start3A_558] : memref<64x10112xf32, #tpu.memory_space<vmem>> -> memref<1x10112xf32, #tpu.memory_space<vmem>>
    %dma_start3A_560 = tpu.memref_squeeze %dma_start3A_559 : memref<1x10112xf32, #tpu.memory_space<vmem>> -> memref<10112xf32, #tpu.memory_space<vmem>>
    %dma_start3A_561 = arith.constant 1122560 : i32
    %dma_start3A_562 = tpu.memref_slice %arg0[%dma_start3A_561] : memref<1314816xf32, #tpu.memory_space<any>> -> memref<10112xf32, #tpu.memory_space<any>>
    tpu.enqueue_dma source(%dma_start3A_562 : memref<10112xf32, #tpu.memory_space<any>>) target(%dma_start3A_560 : memref<10112xf32, #tpu.memory_space<vmem>>) target_semaphore(%arg13 : memref<!tpu.dma_semaphore, #tpu.memory_space<semaphore_mem>>)
    %dma_start3A_563 = arith.constant 46 : i32
    %dma_start3A_564 = arith.constant 0 : i32
    %dma_start3A_565 = tpu.memref_slice %arg11[%dma_start3A_563, %dma_start3A_564] : memref<64x10112xf32, #tpu.memory_space<vmem>> -> memref<1x10112xf32, #tpu.memory_space<vmem>>
    %dma_start3A_566 = tpu.memref_squeeze %dma_start3A_565 : memref<1x10112xf32, #tpu.memory_space<vmem>> -> memref<10112xf32, #tpu.memory_space<vmem>>
    %dma_start3A_567 = arith.constant 475264 : i32
    %dma_start3A_568 = tpu.memref_slice %arg0[%dma_start3A_567] : memref<1314816xf32, #tpu.memory_space<any>> -> memref<10112xf32, #tpu.memory_space<any>>
    tpu.enqueue_dma source(%dma_start3A_568 : memref<10112xf32, #tpu.memory_space<any>>) target(%dma_start3A_566 : memref<10112xf32, #tpu.memory_space<vmem>>) target_semaphore(%arg13 : memref<!tpu.dma_semaphore, #tpu.memory_space<semaphore_mem>>)
    %dma_start3A_569 = arith.constant 46 : i32
    %dma_start3A_570 = arith.constant 0 : i32
    %dma_start3A_571 = tpu.memref_slice %arg12[%dma_start3A_569, %dma_start3A_570] : memref<64x10112xf32, #tpu.memory_space<vmem>> -> memref<1x10112xf32, #tpu.memory_space<vmem>>
    %dma_start3A_572 = tpu.memref_squeeze %dma_start3A_571 : memref<1x10112xf32, #tpu.memory_space<vmem>> -> memref<10112xf32, #tpu.memory_space<vmem>>
    %dma_start3A_573 = arith.constant 1132672 : i32
    %dma_start3A_574 = tpu.memref_slice %arg0[%dma_start3A_573] : memref<1314816xf32, #tpu.memory_space<any>> -> memref<10112xf32, #tpu.memory_space<any>>
    tpu.enqueue_dma source(%dma_start3A_574 : memref<10112xf32, #tpu.memory_space<any>>) target(%dma_start3A_572 : memref<10112xf32, #tpu.memory_space<vmem>>) target_semaphore(%arg13 : memref<!tpu.dma_semaphore, #tpu.memory_space<semaphore_mem>>)
    %dma_start3A_575 = arith.constant 47 : i32
    %dma_start3A_576 = arith.constant 0 : i32
    %dma_start3A_577 = tpu.memref_slice %arg11[%dma_start3A_575, %dma_start3A_576] : memref<64x10112xf32, #tpu.memory_space<vmem>> -> memref<1x10112xf32, #tpu.memory_space<vmem>>
    %dma_start3A_578 = tpu.memref_squeeze %dma_start3A_577 : memref<1x10112xf32, #tpu.memory_space<vmem>> -> memref<10112xf32, #tpu.memory_space<vmem>>
    %dma_start3A_579 = arith.constant 485376 : i32
    %dma_start3A_580 = tpu.memref_slice %arg0[%dma_start3A_579] : memref<1314816xf32, #tpu.memory_space<any>> -> memref<10112xf32, #tpu.memory_space<any>>
    tpu.enqueue_dma source(%dma_start3A_580 : memref<10112xf32, #tpu.memory_space<any>>) target(%dma_start3A_578 : memref<10112xf32, #tpu.memory_space<vmem>>) target_semaphore(%arg13 : memref<!tpu.dma_semaphore, #tpu.memory_space<semaphore_mem>>)
    %dma_start3A_581 = arith.constant 47 : i32
    %dma_start3A_582 = arith.constant 0 : i32
    %dma_start3A_583 = tpu.memref_slice %arg12[%dma_start3A_581, %dma_start3A_582] : memref<64x10112xf32, #tpu.memory_space<vmem>> -> memref<1x10112xf32, #tpu.memory_space<vmem>>
    %dma_start3A_584 = tpu.memref_squeeze %dma_start3A_583 : memref<1x10112xf32, #tpu.memory_space<vmem>> -> memref<10112xf32, #tpu.memory_space<vmem>>
    %dma_start3A_585 = arith.constant 1142784 : i32
    %dma_start3A_586 = tpu.memref_slice %arg0[%dma_start3A_585] : memref<1314816xf32, #tpu.memory_space<any>> -> memref<10112xf32, #tpu.memory_space<any>>
    tpu.enqueue_dma source(%dma_start3A_586 : memref<10112xf32, #tpu.memory_space<any>>) target(%dma_start3A_584 : memref<10112xf32, #tpu.memory_space<vmem>>) target_semaphore(%arg13 : memref<!tpu.dma_semaphore, #tpu.memory_space<semaphore_mem>>)
    %dma_start3A_587 = arith.constant 48 : i32
    %dma_start3A_588 = arith.constant 0 : i32
    %dma_start3A_589 = tpu.memref_slice %arg11[%dma_start3A_587, %dma_start3A_588] : memref<64x10112xf32, #tpu.memory_space<vmem>> -> memref<1x10112xf32, #tpu.memory_space<vmem>>
    %dma_start3A_590 = tpu.memref_squeeze %dma_start3A_589 : memref<1x10112xf32, #tpu.memory_space<vmem>> -> memref<10112xf32, #tpu.memory_space<vmem>>
    %dma_start3A_591 = arith.constant 495488 : i32
    %dma_start3A_592 = tpu.memref_slice %arg0[%dma_start3A_591] : memref<1314816xf32, #tpu.memory_space<any>> -> memref<10112xf32, #tpu.memory_space<any>>
    tpu.enqueue_dma source(%dma_start3A_592 : memref<10112xf32, #tpu.memory_space<any>>) target(%dma_start3A_590 : memref<10112xf32, #tpu.memory_space<vmem>>) target_semaphore(%arg13 : memref<!tpu.dma_semaphore, #tpu.memory_space<semaphore_mem>>)
    %dma_start3A_593 = arith.constant 48 : i32
    %dma_start3A_594 = arith.constant 0 : i32
    %dma_start3A_595 = tpu.memref_slice %arg12[%dma_start3A_593, %dma_start3A_594] : memref<64x10112xf32, #tpu.memory_space<vmem>> -> memref<1x10112xf32, #tpu.memory_space<vmem>>
    %dma_start3A_596 = tpu.memref_squeeze %dma_start3A_595 : memref<1x10112xf32, #tpu.memory_space<vmem>> -> memref<10112xf32, #tpu.memory_space<vmem>>
    %dma_start3A_597 = arith.constant 1152896 : i32
    %dma_start3A_598 = tpu.memref_slice %arg0[%dma_start3A_597] : memref<1314816xf32, #tpu.memory_space<any>> -> memref<10112xf32, #tpu.memory_space<any>>
    tpu.enqueue_dma source(%dma_start3A_598 : memref<10112xf32, #tpu.memory_space<any>>) target(%dma_start3A_596 : memref<10112xf32, #tpu.memory_space<vmem>>) target_semaphore(%arg13 : memref<!tpu.dma_semaphore, #tpu.memory_space<semaphore_mem>>)
    %dma_start3A_599 = arith.constant 49 : i32
    %dma_start3A_600 = arith.constant 0 : i32
    %dma_start3A_601 = tpu.memref_slice %arg11[%dma_start3A_599, %dma_start3A_600] : memref<64x10112xf32, #tpu.memory_space<vmem>> -> memref<1x10112xf32, #tpu.memory_space<vmem>>
    %dma_start3A_602 = tpu.memref_squeeze %dma_start3A_601 : memref<1x10112xf32, #tpu.memory_space<vmem>> -> memref<10112xf32, #tpu.memory_space<vmem>>
    %dma_start3A_603 = arith.constant 505600 : i32
    %dma_start3A_604 = tpu.memref_slice %arg0[%dma_start3A_603] : memref<1314816xf32, #tpu.memory_space<any>> -> memref<10112xf32, #tpu.memory_space<any>>
    tpu.enqueue_dma source(%dma_start3A_604 : memref<10112xf32, #tpu.memory_space<any>>) target(%dma_start3A_602 : memref<10112xf32, #tpu.memory_space<vmem>>) target_semaphore(%arg13 : memref<!tpu.dma_semaphore, #tpu.memory_space<semaphore_mem>>)
    %dma_start3A_605 = arith.constant 49 : i32
    %dma_start3A_606 = arith.constant 0 : i32
    %dma_start3A_607 = tpu.memref_slice %arg12[%dma_start3A_605, %dma_start3A_606] : memref<64x10112xf32, #tpu.memory_space<vmem>> -> memref<1x10112xf32, #tpu.memory_space<vmem>>
    %dma_start3A_608 = tpu.memref_squeeze %dma_start3A_607 : memref<1x10112xf32, #tpu.memory_space<vmem>> -> memref<10112xf32, #tpu.memory_space<vmem>>
    %dma_start3A_609 = arith.constant 1163008 : i32
    %dma_start3A_610 = tpu.memref_slice %arg0[%dma_start3A_609] : memref<1314816xf32, #tpu.memory_space<any>> -> memref<10112xf32, #tpu.memory_space<any>>
    tpu.enqueue_dma source(%dma_start3A_610 : memref<10112xf32, #tpu.memory_space<any>>) target(%dma_start3A_608 : memref<10112xf32, #tpu.memory_space<vmem>>) target_semaphore(%arg13 : memref<!tpu.dma_semaphore, #tpu.memory_space<semaphore_mem>>)
    %dma_start3A_611 = arith.constant 50 : i32
    %dma_start3A_612 = arith.constant 0 : i32
    %dma_start3A_613 = tpu.memref_slice %arg11[%dma_start3A_611, %dma_start3A_612] : memref<64x10112xf32, #tpu.memory_space<vmem>> -> memref<1x10112xf32, #tpu.memory_space<vmem>>
    %dma_start3A_614 = tpu.memref_squeeze %dma_start3A_613 : memref<1x10112xf32, #tpu.memory_space<vmem>> -> memref<10112xf32, #tpu.memory_space<vmem>>
    %dma_start3A_615 = arith.constant 515712 : i32
    %dma_start3A_616 = tpu.memref_slice %arg0[%dma_start3A_615] : memref<1314816xf32, #tpu.memory_space<any>> -> memref<10112xf32, #tpu.memory_space<any>>
    tpu.enqueue_dma source(%dma_start3A_616 : memref<10112xf32, #tpu.memory_space<any>>) target(%dma_start3A_614 : memref<10112xf32, #tpu.memory_space<vmem>>) target_semaphore(%arg13 : memref<!tpu.dma_semaphore, #tpu.memory_space<semaphore_mem>>)
    %dma_start3A_617 = arith.constant 50 : i32
    %dma_start3A_618 = arith.constant 0 : i32
    %dma_start3A_619 = tpu.memref_slice %arg12[%dma_start3A_617, %dma_start3A_618] : memref<64x10112xf32, #tpu.memory_space<vmem>> -> memref<1x10112xf32, #tpu.memory_space<vmem>>
    %dma_start3A_620 = tpu.memref_squeeze %dma_start3A_619 : memref<1x10112xf32, #tpu.memory_space<vmem>> -> memref<10112xf32, #tpu.memory_space<vmem>>
    %dma_start3A_621 = arith.constant 1173120 : i32
    %dma_start3A_622 = tpu.memref_slice %arg0[%dma_start3A_621] : memref<1314816xf32, #tpu.memory_space<any>> -> memref<10112xf32, #tpu.memory_space<any>>
    tpu.enqueue_dma source(%dma_start3A_622 : memref<10112xf32, #tpu.memory_space<any>>) target(%dma_start3A_620 : memref<10112xf32, #tpu.memory_space<vmem>>) target_semaphore(%arg13 : memref<!tpu.dma_semaphore, #tpu.memory_space<semaphore_mem>>)
    %dma_start3A_623 = arith.constant 51 : i32
    %dma_start3A_624 = arith.constant 0 : i32
    %dma_start3A_625 = tpu.memref_slice %arg11[%dma_start3A_623, %dma_start3A_624] : memref<64x10112xf32, #tpu.memory_space<vmem>> -> memref<1x10112xf32, #tpu.memory_space<vmem>>
    %dma_start3A_626 = tpu.memref_squeeze %dma_start3A_625 : memref<1x10112xf32, #tpu.memory_space<vmem>> -> memref<10112xf32, #tpu.memory_space<vmem>>
    %dma_start3A_627 = arith.constant 525824 : i32
    %dma_start3A_628 = tpu.memref_slice %arg0[%dma_start3A_627] : memref<1314816xf32, #tpu.memory_space<any>> -> memref<10112xf32, #tpu.memory_space<any>>
    tpu.enqueue_dma source(%dma_start3A_628 : memref<10112xf32, #tpu.memory_space<any>>) target(%dma_start3A_626 : memref<10112xf32, #tpu.memory_space<vmem>>) target_semaphore(%arg13 : memref<!tpu.dma_semaphore, #tpu.memory_space<semaphore_mem>>)
    %dma_start3A_629 = arith.constant 51 : i32
    %dma_start3A_630 = arith.constant 0 : i32
    %dma_start3A_631 = tpu.memref_slice %arg12[%dma_start3A_629, %dma_start3A_630] : memref<64x10112xf32, #tpu.memory_space<vmem>> -> memref<1x10112xf32, #tpu.memory_space<vmem>>
    %dma_start3A_632 = tpu.memref_squeeze %dma_start3A_631 : memref<1x10112xf32, #tpu.memory_space<vmem>> -> memref<10112xf32, #tpu.memory_space<vmem>>
    %dma_start3A_633 = arith.constant 1183232 : i32
    %dma_start3A_634 = tpu.memref_slice %arg0[%dma_start3A_633] : memref<1314816xf32, #tpu.memory_space<any>> -> memref<10112xf32, #tpu.memory_space<any>>
    tpu.enqueue_dma source(%dma_start3A_634 : memref<10112xf32, #tpu.memory_space<any>>) target(%dma_start3A_632 : memref<10112xf32, #tpu.memory_space<vmem>>) target_semaphore(%arg13 : memref<!tpu.dma_semaphore, #tpu.memory_space<semaphore_mem>>)
    %dma_start3A_635 = arith.constant 52 : i32
    %dma_start3A_636 = arith.constant 0 : i32
    %dma_start3A_637 = tpu.memref_slice %arg11[%dma_start3A_635, %dma_start3A_636] : memref<64x10112xf32, #tpu.memory_space<vmem>> -> memref<1x10112xf32, #tpu.memory_space<vmem>>
    %dma_start3A_638 = tpu.memref_squeeze %dma_start3A_637 : memref<1x10112xf32, #tpu.memory_space<vmem>> -> memref<10112xf32, #tpu.memory_space<vmem>>
    %dma_start3A_639 = arith.constant 535936 : i32
    %dma_start3A_640 = tpu.memref_slice %arg0[%dma_start3A_639] : memref<1314816xf32, #tpu.memory_space<any>> -> memref<10112xf32, #tpu.memory_space<any>>
    tpu.enqueue_dma source(%dma_start3A_640 : memref<10112xf32, #tpu.memory_space<any>>) target(%dma_start3A_638 : memref<10112xf32, #tpu.memory_space<vmem>>) target_semaphore(%arg13 : memref<!tpu.dma_semaphore, #tpu.memory_space<semaphore_mem>>)
    %dma_start3A_641 = arith.constant 52 : i32
    %dma_start3A_642 = arith.constant 0 : i32
    %dma_start3A_643 = tpu.memref_slice %arg12[%dma_start3A_641, %dma_start3A_642] : memref<64x10112xf32, #tpu.memory_space<vmem>> -> memref<1x10112xf32, #tpu.memory_space<vmem>>
    %dma_start3A_644 = tpu.memref_squeeze %dma_start3A_643 : memref<1x10112xf32, #tpu.memory_space<vmem>> -> memref<10112xf32, #tpu.memory_space<vmem>>
    %dma_start3A_645 = arith.constant 1193344 : i32
    %dma_start3A_646 = tpu.memref_slice %arg0[%dma_start3A_645] : memref<1314816xf32, #tpu.memory_space<any>> -> memref<10112xf32, #tpu.memory_space<any>>
    tpu.enqueue_dma source(%dma_start3A_646 : memref<10112xf32, #tpu.memory_space<any>>) target(%dma_start3A_644 : memref<10112xf32, #tpu.memory_space<vmem>>) target_semaphore(%arg13 : memref<!tpu.dma_semaphore, #tpu.memory_space<semaphore_mem>>)
    %dma_start3A_647 = arith.constant 53 : i32
    %dma_start3A_648 = arith.constant 0 : i32
    %dma_start3A_649 = tpu.memref_slice %arg11[%dma_start3A_647, %dma_start3A_648] : memref<64x10112xf32, #tpu.memory_space<vmem>> -> memref<1x10112xf32, #tpu.memory_space<vmem>>
    %dma_start3A_650 = tpu.memref_squeeze %dma_start3A_649 : memref<1x10112xf32, #tpu.memory_space<vmem>> -> memref<10112xf32, #tpu.memory_space<vmem>>
    %dma_start3A_651 = arith.constant 546048 : i32
    %dma_start3A_652 = tpu.memref_slice %arg0[%dma_start3A_651] : memref<1314816xf32, #tpu.memory_space<any>> -> memref<10112xf32, #tpu.memory_space<any>>
    tpu.enqueue_dma source(%dma_start3A_652 : memref<10112xf32, #tpu.memory_space<any>>) target(%dma_start3A_650 : memref<10112xf32, #tpu.memory_space<vmem>>) target_semaphore(%arg13 : memref<!tpu.dma_semaphore, #tpu.memory_space<semaphore_mem>>)
    %dma_start3A_653 = arith.constant 53 : i32
    %dma_start3A_654 = arith.constant 0 : i32
    %dma_start3A_655 = tpu.memref_slice %arg12[%dma_start3A_653, %dma_start3A_654] : memref<64x10112xf32, #tpu.memory_space<vmem>> -> memref<1x10112xf32, #tpu.memory_space<vmem>>
    %dma_start3A_656 = tpu.memref_squeeze %dma_start3A_655 : memref<1x10112xf32, #tpu.memory_space<vmem>> -> memref<10112xf32, #tpu.memory_space<vmem>>
    %dma_start3A_657 = arith.constant 1203456 : i32
    %dma_start3A_658 = tpu.memref_slice %arg0[%dma_start3A_657] : memref<1314816xf32, #tpu.memory_space<any>> -> memref<10112xf32, #tpu.memory_space<any>>
    tpu.enqueue_dma source(%dma_start3A_658 : memref<10112xf32, #tpu.memory_space<any>>) target(%dma_start3A_656 : memref<10112xf32, #tpu.memory_space<vmem>>) target_semaphore(%arg13 : memref<!tpu.dma_semaphore, #tpu.memory_space<semaphore_mem>>)
    %dma_start3A_659 = arith.constant 54 : i32
    %dma_start3A_660 = arith.constant 0 : i32
    %dma_start3A_661 = tpu.memref_slice %arg11[%dma_start3A_659, %dma_start3A_660] : memref<64x10112xf32, #tpu.memory_space<vmem>> -> memref<1x10112xf32, #tpu.memory_space<vmem>>
    %dma_start3A_662 = tpu.memref_squeeze %dma_start3A_661 : memref<1x10112xf32, #tpu.memory_space<vmem>> -> memref<10112xf32, #tpu.memory_space<vmem>>
    %dma_start3A_663 = arith.constant 556160 : i32
    %dma_start3A_664 = tpu.memref_slice %arg0[%dma_start3A_663] : memref<1314816xf32, #tpu.memory_space<any>> -> memref<10112xf32, #tpu.memory_space<any>>
    tpu.enqueue_dma source(%dma_start3A_664 : memref<10112xf32, #tpu.memory_space<any>>) target(%dma_start3A_662 : memref<10112xf32, #tpu.memory_space<vmem>>) target_semaphore(%arg13 : memref<!tpu.dma_semaphore, #tpu.memory_space<semaphore_mem>>)
    %dma_start3A_665 = arith.constant 54 : i32
    %dma_start3A_666 = arith.constant 0 : i32
    %dma_start3A_667 = tpu.memref_slice %arg12[%dma_start3A_665, %dma_start3A_666] : memref<64x10112xf32, #tpu.memory_space<vmem>> -> memref<1x10112xf32, #tpu.memory_space<vmem>>
    %dma_start3A_668 = tpu.memref_squeeze %dma_start3A_667 : memref<1x10112xf32, #tpu.memory_space<vmem>> -> memref<10112xf32, #tpu.memory_space<vmem>>
    %dma_start3A_669 = arith.constant 1213568 : i32
    %dma_start3A_670 = tpu.memref_slice %arg0[%dma_start3A_669] : memref<1314816xf32, #tpu.memory_space<any>> -> memref<10112xf32, #tpu.memory_space<any>>
    tpu.enqueue_dma source(%dma_start3A_670 : memref<10112xf32, #tpu.memory_space<any>>) target(%dma_start3A_668 : memref<10112xf32, #tpu.memory_space<vmem>>) target_semaphore(%arg13 : memref<!tpu.dma_semaphore, #tpu.memory_space<semaphore_mem>>)
    %dma_start3A_671 = arith.constant 55 : i32
    %dma_start3A_672 = arith.constant 0 : i32
    %dma_start3A_673 = tpu.memref_slice %arg11[%dma_start3A_671, %dma_start3A_672] : memref<64x10112xf32, #tpu.memory_space<vmem>> -> memref<1x10112xf32, #tpu.memory_space<vmem>>
    %dma_start3A_674 = tpu.memref_squeeze %dma_start3A_673 : memref<1x10112xf32, #tpu.memory_space<vmem>> -> memref<10112xf32, #tpu.memory_space<vmem>>
    %dma_start3A_675 = arith.constant 566272 : i32
    %dma_start3A_676 = tpu.memref_slice %arg0[%dma_start3A_675] : memref<1314816xf32, #tpu.memory_space<any>> -> memref<10112xf32, #tpu.memory_space<any>>
    tpu.enqueue_dma source(%dma_start3A_676 : memref<10112xf32, #tpu.memory_space<any>>) target(%dma_start3A_674 : memref<10112xf32, #tpu.memory_space<vmem>>) target_semaphore(%arg13 : memref<!tpu.dma_semaphore, #tpu.memory_space<semaphore_mem>>)
    %dma_start3A_677 = arith.constant 55 : i32
    %dma_start3A_678 = arith.constant 0 : i32
    %dma_start3A_679 = tpu.memref_slice %arg12[%dma_start3A_677, %dma_start3A_678] : memref<64x10112xf32, #tpu.memory_space<vmem>> -> memref<1x10112xf32, #tpu.memory_space<vmem>>
    %dma_start3A_680 = tpu.memref_squeeze %dma_start3A_679 : memref<1x10112xf32, #tpu.memory_space<vmem>> -> memref<10112xf32, #tpu.memory_space<vmem>>
    %dma_start3A_681 = arith.constant 1223680 : i32
    %dma_start3A_682 = tpu.memref_slice %arg0[%dma_start3A_681] : memref<1314816xf32, #tpu.memory_space<any>> -> memref<10112xf32, #tpu.memory_space<any>>
    tpu.enqueue_dma source(%dma_start3A_682 : memref<10112xf32, #tpu.memory_space<any>>) target(%dma_start3A_680 : memref<10112xf32, #tpu.memory_space<vmem>>) target_semaphore(%arg13 : memref<!tpu.dma_semaphore, #tpu.memory_space<semaphore_mem>>)
    %dma_start3A_683 = arith.constant 56 : i32
    %dma_start3A_684 = arith.constant 0 : i32
    %dma_start3A_685 = tpu.memref_slice %arg11[%dma_start3A_683, %dma_start3A_684] : memref<64x10112xf32, #tpu.memory_space<vmem>> -> memref<1x10112xf32, #tpu.memory_space<vmem>>
    %dma_start3A_686 = tpu.memref_squeeze %dma_start3A_685 : memref<1x10112xf32, #tpu.memory_space<vmem>> -> memref<10112xf32, #tpu.memory_space<vmem>>
    %dma_start3A_687 = arith.constant 576384 : i32
    %dma_start3A_688 = tpu.memref_slice %arg0[%dma_start3A_687] : memref<1314816xf32, #tpu.memory_space<any>> -> memref<10112xf32, #tpu.memory_space<any>>
    tpu.enqueue_dma source(%dma_start3A_688 : memref<10112xf32, #tpu.memory_space<any>>) target(%dma_start3A_686 : memref<10112xf32, #tpu.memory_space<vmem>>) target_semaphore(%arg13 : memref<!tpu.dma_semaphore, #tpu.memory_space<semaphore_mem>>)
    %dma_start3A_689 = arith.constant 56 : i32
    %dma_start3A_690 = arith.constant 0 : i32
    %dma_start3A_691 = tpu.memref_slice %arg12[%dma_start3A_689, %dma_start3A_690] : memref<64x10112xf32, #tpu.memory_space<vmem>> -> memref<1x10112xf32, #tpu.memory_space<vmem>>
    %dma_start3A_692 = tpu.memref_squeeze %dma_start3A_691 : memref<1x10112xf32, #tpu.memory_space<vmem>> -> memref<10112xf32, #tpu.memory_space<vmem>>
    %dma_start3A_693 = arith.constant 1233792 : i32
    %dma_start3A_694 = tpu.memref_slice %arg0[%dma_start3A_693] : memref<1314816xf32, #tpu.memory_space<any>> -> memref<10112xf32, #tpu.memory_space<any>>
    tpu.enqueue_dma source(%dma_start3A_694 : memref<10112xf32, #tpu.memory_space<any>>) target(%dma_start3A_692 : memref<10112xf32, #tpu.memory_space<vmem>>) target_semaphore(%arg13 : memref<!tpu.dma_semaphore, #tpu.memory_space<semaphore_mem>>)
    %dma_start3A_695 = arith.constant 57 : i32
    %dma_start3A_696 = arith.constant 0 : i32
    %dma_start3A_697 = tpu.memref_slice %arg11[%dma_start3A_695, %dma_start3A_696] : memref<64x10112xf32, #tpu.memory_space<vmem>> -> memref<1x10112xf32, #tpu.memory_space<vmem>>
    %dma_start3A_698 = tpu.memref_squeeze %dma_start3A_697 : memref<1x10112xf32, #tpu.memory_space<vmem>> -> memref<10112xf32, #tpu.memory_space<vmem>>
    %dma_start3A_699 = arith.constant 586496 : i32
    %dma_start3A_700 = tpu.memref_slice %arg0[%dma_start3A_699] : memref<1314816xf32, #tpu.memory_space<any>> -> memref<10112xf32, #tpu.memory_space<any>>
    tpu.enqueue_dma source(%dma_start3A_700 : memref<10112xf32, #tpu.memory_space<any>>) target(%dma_start3A_698 : memref<10112xf32, #tpu.memory_space<vmem>>) target_semaphore(%arg13 : memref<!tpu.dma_semaphore, #tpu.memory_space<semaphore_mem>>)
    %dma_start3A_701 = arith.constant 57 : i32
    %dma_start3A_702 = arith.constant 0 : i32
    %dma_start3A_703 = tpu.memref_slice %arg12[%dma_start3A_701, %dma_start3A_702] : memref<64x10112xf32, #tpu.memory_space<vmem>> -> memref<1x10112xf32, #tpu.memory_space<vmem>>
    %dma_start3A_704 = tpu.memref_squeeze %dma_start3A_703 : memref<1x10112xf32, #tpu.memory_space<vmem>> -> memref<10112xf32, #tpu.memory_space<vmem>>
    %dma_start3A_705 = arith.constant 1243904 : i32
    %dma_start3A_706 = tpu.memref_slice %arg0[%dma_start3A_705] : memref<1314816xf32, #tpu.memory_space<any>> -> memref<10112xf32, #tpu.memory_space<any>>
    tpu.enqueue_dma source(%dma_start3A_706 : memref<10112xf32, #tpu.memory_space<any>>) target(%dma_start3A_704 : memref<10112xf32, #tpu.memory_space<vmem>>) target_semaphore(%arg13 : memref<!tpu.dma_semaphore, #tpu.memory_space<semaphore_mem>>)
    %dma_start3A_707 = arith.constant 58 : i32
    %dma_start3A_708 = arith.constant 0 : i32
    %dma_start3A_709 = tpu.memref_slice %arg11[%dma_start3A_707, %dma_start3A_708] : memref<64x10112xf32, #tpu.memory_space<vmem>> -> memref<1x10112xf32, #tpu.memory_space<vmem>>
    %dma_start3A_710 = tpu.memref_squeeze %dma_start3A_709 : memref<1x10112xf32, #tpu.memory_space<vmem>> -> memref<10112xf32, #tpu.memory_space<vmem>>
    %dma_start3A_711 = arith.constant 596608 : i32
    %dma_start3A_712 = tpu.memref_slice %arg0[%dma_start3A_711] : memref<1314816xf32, #tpu.memory_space<any>> -> memref<10112xf32, #tpu.memory_space<any>>
    tpu.enqueue_dma source(%dma_start3A_712 : memref<10112xf32, #tpu.memory_space<any>>) target(%dma_start3A_710 : memref<10112xf32, #tpu.memory_space<vmem>>) target_semaphore(%arg13 : memref<!tpu.dma_semaphore, #tpu.memory_space<semaphore_mem>>)
    %dma_start3A_713 = arith.constant 58 : i32
    %dma_start3A_714 = arith.constant 0 : i32
    %dma_start3A_715 = tpu.memref_slice %arg12[%dma_start3A_713, %dma_start3A_714] : memref<64x10112xf32, #tpu.memory_space<vmem>> -> memref<1x10112xf32, #tpu.memory_space<vmem>>
    %dma_start3A_716 = tpu.memref_squeeze %dma_start3A_715 : memref<1x10112xf32, #tpu.memory_space<vmem>> -> memref<10112xf32, #tpu.memory_space<vmem>>
    %dma_start3A_717 = arith.constant 1254016 : i32
    %dma_start3A_718 = tpu.memref_slice %arg0[%dma_start3A_717] : memref<1314816xf32, #tpu.memory_space<any>> -> memref<10112xf32, #tpu.memory_space<any>>
    tpu.enqueue_dma source(%dma_start3A_718 : memref<10112xf32, #tpu.memory_space<any>>) target(%dma_start3A_716 : memref<10112xf32, #tpu.memory_space<vmem>>) target_semaphore(%arg13 : memref<!tpu.dma_semaphore, #tpu.memory_space<semaphore_mem>>)
    %dma_start3A_719 = arith.constant 59 : i32
    %dma_start3A_720 = arith.constant 0 : i32
    %dma_start3A_721 = tpu.memref_slice %arg11[%dma_start3A_719, %dma_start3A_720] : memref<64x10112xf32, #tpu.memory_space<vmem>> -> memref<1x10112xf32, #tpu.memory_space<vmem>>
    %dma_start3A_722 = tpu.memref_squeeze %dma_start3A_721 : memref<1x10112xf32, #tpu.memory_space<vmem>> -> memref<10112xf32, #tpu.memory_space<vmem>>
    %dma_start3A_723 = arith.constant 606720 : i32
    %dma_start3A_724 = tpu.memref_slice %arg0[%dma_start3A_723] : memref<1314816xf32, #tpu.memory_space<any>> -> memref<10112xf32, #tpu.memory_space<any>>
    tpu.enqueue_dma source(%dma_start3A_724 : memref<10112xf32, #tpu.memory_space<any>>) target(%dma_start3A_722 : memref<10112xf32, #tpu.memory_space<vmem>>) target_semaphore(%arg13 : memref<!tpu.dma_semaphore, #tpu.memory_space<semaphore_mem>>)
    %dma_start3A_725 = arith.constant 59 : i32
    %dma_start3A_726 = arith.constant 0 : i32
    %dma_start3A_727 = tpu.memref_slice %arg12[%dma_start3A_725, %dma_start3A_726] : memref<64x10112xf32, #tpu.memory_space<vmem>> -> memref<1x10112xf32, #tpu.memory_space<vmem>>
    %dma_start3A_728 = tpu.memref_squeeze %dma_start3A_727 : memref<1x10112xf32, #tpu.memory_space<vmem>> -> memref<10112xf32, #tpu.memory_space<vmem>>
    %dma_start3A_729 = arith.constant 1264128 : i32
    %dma_start3A_730 = tpu.memref_slice %arg0[%dma_start3A_729] : memref<1314816xf32, #tpu.memory_space<any>> -> memref<10112xf32, #tpu.memory_space<any>>
    tpu.enqueue_dma source(%dma_start3A_730 : memref<10112xf32, #tpu.memory_space<any>>) target(%dma_start3A_728 : memref<10112xf32, #tpu.memory_space<vmem>>) target_semaphore(%arg13 : memref<!tpu.dma_semaphore, #tpu.memory_space<semaphore_mem>>)
    %dma_start3A_731 = arith.constant 60 : i32
    %dma_start3A_732 = arith.constant 0 : i32
    %dma_start3A_733 = tpu.memref_slice %arg11[%dma_start3A_731, %dma_start3A_732] : memref<64x10112xf32, #tpu.memory_space<vmem>> -> memref<1x10112xf32, #tpu.memory_space<vmem>>
    %dma_start3A_734 = tpu.memref_squeeze %dma_start3A_733 : memref<1x10112xf32, #tpu.memory_space<vmem>> -> memref<10112xf32, #tpu.memory_space<vmem>>
    %dma_start3A_735 = arith.constant 616832 : i32
    %dma_start3A_736 = tpu.memref_slice %arg0[%dma_start3A_735] : memref<1314816xf32, #tpu.memory_space<any>> -> memref<10112xf32, #tpu.memory_space<any>>
    tpu.enqueue_dma source(%dma_start3A_736 : memref<10112xf32, #tpu.memory_space<any>>) target(%dma_start3A_734 : memref<10112xf32, #tpu.memory_space<vmem>>) target_semaphore(%arg13 : memref<!tpu.dma_semaphore, #tpu.memory_space<semaphore_mem>>)
    %dma_start3A_737 = arith.constant 60 : i32
    %dma_start3A_738 = arith.constant 0 : i32
    %dma_start3A_739 = tpu.memref_slice %arg12[%dma_start3A_737, %dma_start3A_738] : memref<64x10112xf32, #tpu.memory_space<vmem>> -> memref<1x10112xf32, #tpu.memory_space<vmem>>
    %dma_start3A_740 = tpu.memref_squeeze %dma_start3A_739 : memref<1x10112xf32, #tpu.memory_space<vmem>> -> memref<10112xf32, #tpu.memory_space<vmem>>
    %dma_start3A_741 = arith.constant 1274240 : i32
    %dma_start3A_742 = tpu.memref_slice %arg0[%dma_start3A_741] : memref<1314816xf32, #tpu.memory_space<any>> -> memref<10112xf32, #tpu.memory_space<any>>
    tpu.enqueue_dma source(%dma_start3A_742 : memref<10112xf32, #tpu.memory_space<any>>) target(%dma_start3A_740 : memref<10112xf32, #tpu.memory_space<vmem>>) target_semaphore(%arg13 : memref<!tpu.dma_semaphore, #tpu.memory_space<semaphore_mem>>)
    %dma_start3A_743 = arith.constant 61 : i32
    %dma_start3A_744 = arith.constant 0 : i32
    %dma_start3A_745 = tpu.memref_slice %arg11[%dma_start3A_743, %dma_start3A_744] : memref<64x10112xf32, #tpu.memory_space<vmem>> -> memref<1x10112xf32, #tpu.memory_space<vmem>>
    %dma_start3A_746 = tpu.memref_squeeze %dma_start3A_745 : memref<1x10112xf32, #tpu.memory_space<vmem>> -> memref<10112xf32, #tpu.memory_space<vmem>>
    %dma_start3A_747 = arith.constant 626944 : i32
    %dma_start3A_748 = tpu.memref_slice %arg0[%dma_start3A_747] : memref<1314816xf32, #tpu.memory_space<any>> -> memref<10112xf32, #tpu.memory_space<any>>
    tpu.enqueue_dma source(%dma_start3A_748 : memref<10112xf32, #tpu.memory_space<any>>) target(%dma_start3A_746 : memref<10112xf32, #tpu.memory_space<vmem>>) target_semaphore(%arg13 : memref<!tpu.dma_semaphore, #tpu.memory_space<semaphore_mem>>)
    %dma_start3A_749 = arith.constant 61 : i32
    %dma_start3A_750 = arith.constant 0 : i32
    %dma_start3A_751 = tpu.memref_slice %arg12[%dma_start3A_749, %dma_start3A_750] : memref<64x10112xf32, #tpu.memory_space<vmem>> -> memref<1x10112xf32, #tpu.memory_space<vmem>>
    %dma_start3A_752 = tpu.memref_squeeze %dma_start3A_751 : memref<1x10112xf32, #tpu.memory_space<vmem>> -> memref<10112xf32, #tpu.memory_space<vmem>>
    %dma_start3A_753 = arith.constant 1284352 : i32
    %dma_start3A_754 = tpu.memref_slice %arg0[%dma_start3A_753] : memref<1314816xf32, #tpu.memory_space<any>> -> memref<10112xf32, #tpu.memory_space<any>>
    tpu.enqueue_dma source(%dma_start3A_754 : memref<10112xf32, #tpu.memory_space<any>>) target(%dma_start3A_752 : memref<10112xf32, #tpu.memory_space<vmem>>) target_semaphore(%arg13 : memref<!tpu.dma_semaphore, #tpu.memory_space<semaphore_mem>>)
    %dma_start3A_755 = arith.constant 62 : i32
    %dma_start3A_756 = arith.constant 0 : i32
    %dma_start3A_757 = tpu.memref_slice %arg11[%dma_start3A_755, %dma_start3A_756] : memref<64x10112xf32, #tpu.memory_space<vmem>> -> memref<1x10112xf32, #tpu.memory_space<vmem>>
    %dma_start3A_758 = tpu.memref_squeeze %dma_start3A_757 : memref<1x10112xf32, #tpu.memory_space<vmem>> -> memref<10112xf32, #tpu.memory_space<vmem>>
    %dma_start3A_759 = arith.constant 637056 : i32
    %dma_start3A_760 = tpu.memref_slice %arg0[%dma_start3A_759] : memref<1314816xf32, #tpu.memory_space<any>> -> memref<10112xf32, #tpu.memory_space<any>>
    tpu.enqueue_dma source(%dma_start3A_760 : memref<10112xf32, #tpu.memory_space<any>>) target(%dma_start3A_758 : memref<10112xf32, #tpu.memory_space<vmem>>) target_semaphore(%arg13 : memref<!tpu.dma_semaphore, #tpu.memory_space<semaphore_mem>>)
    %dma_start3A_761 = arith.constant 62 : i32
    %dma_start3A_762 = arith.constant 0 : i32
    %dma_start3A_763 = tpu.memref_slice %arg12[%dma_start3A_761, %dma_start3A_762] : memref<64x10112xf32, #tpu.memory_space<vmem>> -> memref<1x10112xf32, #tpu.memory_space<vmem>>
    %dma_start3A_764 = tpu.memref_squeeze %dma_start3A_763 : memref<1x10112xf32, #tpu.memory_space<vmem>> -> memref<10112xf32, #tpu.memory_space<vmem>>
    %dma_start3A_765 = arith.constant 1294464 : i32
    %dma_start3A_766 = tpu.memref_slice %arg0[%dma_start3A_765] : memref<1314816xf32, #tpu.memory_space<any>> -> memref<10112xf32, #tpu.memory_space<any>>
    tpu.enqueue_dma source(%dma_start3A_766 : memref<10112xf32, #tpu.memory_space<any>>) target(%dma_start3A_764 : memref<10112xf32, #tpu.memory_space<vmem>>) target_semaphore(%arg13 : memref<!tpu.dma_semaphore, #tpu.memory_space<semaphore_mem>>)
    %dma_start3A_767 = arith.constant 63 : i32
    %dma_start3A_768 = arith.constant 0 : i32
    %dma_start3A_769 = tpu.memref_slice %arg11[%dma_start3A_767, %dma_start3A_768] : memref<64x10112xf32, #tpu.memory_space<vmem>> -> memref<1x10112xf32, #tpu.memory_space<vmem>>
    %dma_start3A_770 = tpu.memref_squeeze %dma_start3A_769 : memref<1x10112xf32, #tpu.memory_space<vmem>> -> memref<10112xf32, #tpu.memory_space<vmem>>
    %dma_start3A_771 = arith.constant 647168 : i32
    %dma_start3A_772 = tpu.memref_slice %arg0[%dma_start3A_771] : memref<1314816xf32, #tpu.memory_space<any>> -> memref<10112xf32, #tpu.memory_space<any>>
    tpu.enqueue_dma source(%dma_start3A_772 : memref<10112xf32, #tpu.memory_space<any>>) target(%dma_start3A_770 : memref<10112xf32, #tpu.memory_space<vmem>>) target_semaphore(%arg13 : memref<!tpu.dma_semaphore, #tpu.memory_space<semaphore_mem>>)
    %dma_start3A_773 = arith.constant 63 : i32
    %dma_start3A_774 = arith.constant 0 : i32
    %dma_start3A_775 = tpu.memref_slice %arg12[%dma_start3A_773, %dma_start3A_774] : memref<64x10112xf32, #tpu.memory_space<vmem>> -> memref<1x10112xf32, #tpu.memory_space<vmem>>
    %dma_start3A_776 = tpu.memref_squeeze %dma_start3A_775 : memref<1x10112xf32, #tpu.memory_space<vmem>> -> memref<10112xf32, #tpu.memory_space<vmem>>
    %dma_start3A_777 = arith.constant 1304576 : i32
    %dma_start3A_778 = tpu.memref_slice %arg0[%dma_start3A_777] : memref<1314816xf32, #tpu.memory_space<any>> -> memref<10112xf32, #tpu.memory_space<any>>
    tpu.enqueue_dma source(%dma_start3A_778 : memref<10112xf32, #tpu.memory_space<any>>) target(%dma_start3A_776 : memref<10112xf32, #tpu.memory_space<vmem>>) target_semaphore(%arg13 : memref<!tpu.dma_semaphore, #tpu.memory_space<semaphore_mem>>)
    %dma_wait3A = arith.constant 0 : i32
    %dma_wait3A_779 = arith.constant 0 : i32
    %dma_wait3A_780 = tpu.memref_slice %arg10[%dma_wait3A, %dma_wait3A_779] : memref<2x10112xf32, #tpu.memory_space<vmem>> -> memref<1x10112xf32, #tpu.memory_space<vmem>>
    %dma_wait3A_781 = tpu.memref_squeeze %dma_wait3A_780 : memref<1x10112xf32, #tpu.memory_space<vmem>> -> memref<10112xf32, #tpu.memory_space<vmem>>
    %dma_wait3A_782 = arith.constant 0 : i32
    %dma_wait3A_783 = tpu.memref_slice %arg0[%dma_wait3A_782] : memref<1314816xf32, #tpu.memory_space<any>> -> memref<10112xf32, #tpu.memory_space<any>>
    tpu.wait_dma2 semaphore(%arg13 : memref<!tpu.dma_semaphore, #tpu.memory_space<semaphore_mem>>) src(%dma_wait3A_783 : memref<10112xf32, #tpu.memory_space<any>>) dst(%dma_wait3A_781 : memref<10112xf32, #tpu.memory_space<vmem>>)
    %dma_wait3A_784 = arith.constant 1 : i32
    %dma_wait3A_785 = arith.constant 0 : i32
    %dma_wait3A_786 = tpu.memref_slice %arg10[%dma_wait3A_784, %dma_wait3A_785] : memref<2x10112xf32, #tpu.memory_space<vmem>> -> memref<1x10112xf32, #tpu.memory_space<vmem>>
    %dma_wait3A_787 = tpu.memref_squeeze %dma_wait3A_786 : memref<1x10112xf32, #tpu.memory_space<vmem>> -> memref<10112xf32, #tpu.memory_space<vmem>>
    %dma_wait3A_788 = arith.constant 657408 : i32
    %dma_wait3A_789 = tpu.memref_slice %arg0[%dma_wait3A_788] : memref<1314816xf32, #tpu.memory_space<any>> -> memref<10112xf32, #tpu.memory_space<any>>
    tpu.wait_dma2 semaphore(%arg13 : memref<!tpu.dma_semaphore, #tpu.memory_space<semaphore_mem>>) src(%dma_wait3A_789 : memref<10112xf32, #tpu.memory_space<any>>) dst(%dma_wait3A_787 : memref<10112xf32, #tpu.memory_space<vmem>>)
    %get3A = arith.constant 0 : index
    %get3A_790 = arith.constant 0 : index
    %get3A_791 = vector.load %arg10[%get3A, %get3A_790] : memref<2x10112xf32, #tpu.memory_space<vmem>>, vector<1x10112xf32>
    %get3A_792 = arith.constant 1 : index
    %get3A_793 = arith.constant 0 : index
    %get3A_794 = vector.load %arg10[%get3A_792, %get3A_793] : memref<2x10112xf32, #tpu.memory_space<vmem>>, vector<1x10112xf32>
    %add3A = arith.addf %get3A_791, %get3A_794 : vector<1x10112xf32>
    %slice3A = vector.extract_strided_slice %add3A {offsets = [0, 0], sizes = [1, 10000], strides = [1, 1]} : vector<1x10112xf32> to vector<1x10000xf32>
    %iota3A = tpu.iota {dimensions = array<i32: 0>} : vector<64x10000xi32>
    %get3A_795 = arith.constant 0 : index
    %get3A_796 = arith.constant 0 : index
    %get3A_797 = vector.load %arg1[%get3A_795, %get3A_796] : memref<1x10000xi32, #tpu.memory_space<vmem>>, vector<1x10000xi32>
    %eq3A = vector.broadcast %get3A_797 : vector<1x10000xi32> to vector<64x10000xi32>
    %eq3A_798 = arith.cmpi eq, %iota3A, %eq3A : vector<64x10000xi32>
    %jit3A = arith.constant 0.000000e+00 : f32
    %broadcast_in_dim3A = vector.shape_cast %slice3A : vector<1x10000xf32> to vector<1x10000xf32>
    %broadcast_in_dim3A_799 = vector.broadcast %broadcast_in_dim3A : vector<1x10000xf32> to vector<64x10000xf32>
    %broadcast_in_dim3A_800 = vector.broadcast %jit3A : f32 to vector<64x10000xf32>
    %select_n3A = arith.select %eq3A_798, %broadcast_in_dim3A_799, %broadcast_in_dim3A_800 : vector<64x10000xi1>, vector<64x10000xf32>
    %reduce_sum3A = arith.constant dense<0.000000e+00> : vector<64xf32>
    %reduce_sum3A_801 = vector.multi_reduction <add>, %select_n3A, %reduce_sum3A [1] : vector<64x10000xf32> to vector<64xf32>
    %broadcast_in_dim3A_802 = vector.shape_cast %reduce_sum3A_801 : vector<64xf32> to vector<64x1xf32>
    %get3A_803 = arith.constant 0 : index
    %get3A_804 = arith.constant 0 : index
    %get3A_805 = vector.load %arg2[%get3A_803, %get3A_804] : memref<10000x128xf32, #tpu.memory_space<vmem>>, vector<10000x128xf32>
    %dot_general3A = arith.constant dense<0.000000e+00> : vector<64x128xf32>
    %dot_general3A_806 = tpu.matmul %select_n3A, %get3A_805, %dot_general3A {dimension_numbers = #tpu.dot_dimension_numbers<[1], [0], [0], [1], [0, 0, 1, 1], [], []>, precision = #tpu.contract_precision<fp32>, transpose_lhs_hint = false} : vector<64x10000xf32>, vector<10000x128xf32>, vector<64x128xf32> -> vector<64x128xf32>
    %dma_wait3A_807 = arith.constant 0 : i32
    %dma_wait3A_808 = arith.constant 0 : i32
    %dma_wait3A_809 = tpu.memref_slice %arg11[%dma_wait3A_807, %dma_wait3A_808] : memref<64x10112xf32, #tpu.memory_space<vmem>> -> memref<1x10112xf32, #tpu.memory_space<vmem>>
    %dma_wait3A_810 = tpu.memref_squeeze %dma_wait3A_809 : memref<1x10112xf32, #tpu.memory_space<vmem>> -> memref<10112xf32, #tpu.memory_space<vmem>>
    %dma_wait3A_811 = arith.constant 10112 : i32
    %dma_wait3A_812 = tpu.memref_slice %arg0[%dma_wait3A_811] : memref<1314816xf32, #tpu.memory_space<any>> -> memref<10112xf32, #tpu.memory_space<any>>
    tpu.wait_dma2 semaphore(%arg13 : memref<!tpu.dma_semaphore, #tpu.memory_space<semaphore_mem>>) src(%dma_wait3A_812 : memref<10112xf32, #tpu.memory_space<any>>) dst(%dma_wait3A_810 : memref<10112xf32, #tpu.memory_space<vmem>>)
    %dma_wait3A_813 = arith.constant 0 : i32
    %dma_wait3A_814 = arith.constant 0 : i32
    %dma_wait3A_815 = tpu.memref_slice %arg12[%dma_wait3A_813, %dma_wait3A_814] : memref<64x10112xf32, #tpu.memory_space<vmem>> -> memref<1x10112xf32, #tpu.memory_space<vmem>>
    %dma_wait3A_816 = tpu.memref_squeeze %dma_wait3A_815 : memref<1x10112xf32, #tpu.memory_space<vmem>> -> memref<10112xf32, #tpu.memory_space<vmem>>
    %dma_wait3A_817 = arith.constant 667520 : i32
    %dma_wait3A_818 = tpu.memref_slice %arg0[%dma_wait3A_817] : memref<1314816xf32, #tpu.memory_space<any>> -> memref<10112xf32, #tpu.memory_space<any>>
    tpu.wait_dma2 semaphore(%arg13 : memref<!tpu.dma_semaphore, #tpu.memory_space<semaphore_mem>>) src(%dma_wait3A_818 : memref<10112xf32, #tpu.memory_space<any>>) dst(%dma_wait3A_816 : memref<10112xf32, #tpu.memory_space<vmem>>)
    %dma_wait3A_819 = arith.constant 1 : i32
    %dma_wait3A_820 = arith.constant 0 : i32
    %dma_wait3A_821 = tpu.memref_slice %arg11[%dma_wait3A_819, %dma_wait3A_820] : memref<64x10112xf32, #tpu.memory_space<vmem>> -> memref<1x10112xf32, #tpu.memory_space<vmem>>
    %dma_wait3A_822 = tpu.memref_squeeze %dma_wait3A_821 : memref<1x10112xf32, #tpu.memory_space<vmem>> -> memref<10112xf32, #tpu.memory_space<vmem>>
    %dma_wait3A_823 = arith.constant 20224 : i32
    %dma_wait3A_824 = tpu.memref_slice %arg0[%dma_wait3A_823] : memref<1314816xf32, #tpu.memory_space<any>> -> memref<10112xf32, #tpu.memory_space<any>>
    tpu.wait_dma2 semaphore(%arg13 : memref<!tpu.dma_semaphore, #tpu.memory_space<semaphore_mem>>) src(%dma_wait3A_824 : memref<10112xf32, #tpu.memory_space<any>>) dst(%dma_wait3A_822 : memref<10112xf32, #tpu.memory_space<vmem>>)
    %dma_wait3A_825 = arith.constant 1 : i32
    %dma_wait3A_826 = arith.constant 0 : i32
    %dma_wait3A_827 = tpu.memref_slice %arg12[%dma_wait3A_825, %dma_wait3A_826] : memref<64x10112xf32, #tpu.memory_space<vmem>> -> memref<1x10112xf32, #tpu.memory_space<vmem>>
    %dma_wait3A_828 = tpu.memref_squeeze %dma_wait3A_827 : memref<1x10112xf32, #tpu.memory_space<vmem>> -> memref<10112xf32, #tpu.memory_space<vmem>>
    %dma_wait3A_829 = arith.constant 677632 : i32
    %dma_wait3A_830 = tpu.memref_slice %arg0[%dma_wait3A_829] : memref<1314816xf32, #tpu.memory_space<any>> -> memref<10112xf32, #tpu.memory_space<any>>
    tpu.wait_dma2 semaphore(%arg13 : memref<!tpu.dma_semaphore, #tpu.memory_space<semaphore_mem>>) src(%dma_wait3A_830 : memref<10112xf32, #tpu.memory_space<any>>) dst(%dma_wait3A_828 : memref<10112xf32, #tpu.memory_space<vmem>>)
    %dma_wait3A_831 = arith.constant 2 : i32
    %dma_wait3A_832 = arith.constant 0 : i32
    %dma_wait3A_833 = tpu.memref_slice %arg11[%dma_wait3A_831, %dma_wait3A_832] : memref<64x10112xf32, #tpu.memory_space<vmem>> -> memref<1x10112xf32, #tpu.memory_space<vmem>>
    %dma_wait3A_834 = tpu.memref_squeeze %dma_wait3A_833 : memref<1x10112xf32, #tpu.memory_space<vmem>> -> memref<10112xf32, #tpu.memory_space<vmem>>
    %dma_wait3A_835 = arith.constant 30336 : i32
    %dma_wait3A_836 = tpu.memref_slice %arg0[%dma_wait3A_835] : memref<1314816xf32, #tpu.memory_space<any>> -> memref<10112xf32, #tpu.memory_space<any>>
    tpu.wait_dma2 semaphore(%arg13 : memref<!tpu.dma_semaphore, #tpu.memory_space<semaphore_mem>>) src(%dma_wait3A_836 : memref<10112xf32, #tpu.memory_space<any>>) dst(%dma_wait3A_834 : memref<10112xf32, #tpu.memory_space<vmem>>)
    %dma_wait3A_837 = arith.constant 2 : i32
    %dma_wait3A_838 = arith.constant 0 : i32
    %dma_wait3A_839 = tpu.memref_slice %arg12[%dma_wait3A_837, %dma_wait3A_838] : memref<64x10112xf32, #tpu.memory_space<vmem>> -> memref<1x10112xf32, #tpu.memory_space<vmem>>
    %dma_wait3A_840 = tpu.memref_squeeze %dma_wait3A_839 : memref<1x10112xf32, #tpu.memory_space<vmem>> -> memref<10112xf32, #tpu.memory_space<vmem>>
    %dma_wait3A_841 = arith.constant 687744 : i32
    %dma_wait3A_842 = tpu.memref_slice %arg0[%dma_wait3A_841] : memref<1314816xf32, #tpu.memory_space<any>> -> memref<10112xf32, #tpu.memory_space<any>>
    tpu.wait_dma2 semaphore(%arg13 : memref<!tpu.dma_semaphore, #tpu.memory_space<semaphore_mem>>) src(%dma_wait3A_842 : memref<10112xf32, #tpu.memory_space<any>>) dst(%dma_wait3A_840 : memref<10112xf32, #tpu.memory_space<vmem>>)
    %dma_wait3A_843 = arith.constant 3 : i32
    %dma_wait3A_844 = arith.constant 0 : i32
    %dma_wait3A_845 = tpu.memref_slice %arg11[%dma_wait3A_843, %dma_wait3A_844] : memref<64x10112xf32, #tpu.memory_space<vmem>> -> memref<1x10112xf32, #tpu.memory_space<vmem>>
    %dma_wait3A_846 = tpu.memref_squeeze %dma_wait3A_845 : memref<1x10112xf32, #tpu.memory_space<vmem>> -> memref<10112xf32, #tpu.memory_space<vmem>>
    %dma_wait3A_847 = arith.constant 40448 : i32
    %dma_wait3A_848 = tpu.memref_slice %arg0[%dma_wait3A_847] : memref<1314816xf32, #tpu.memory_space<any>> -> memref<10112xf32, #tpu.memory_space<any>>
    tpu.wait_dma2 semaphore(%arg13 : memref<!tpu.dma_semaphore, #tpu.memory_space<semaphore_mem>>) src(%dma_wait3A_848 : memref<10112xf32, #tpu.memory_space<any>>) dst(%dma_wait3A_846 : memref<10112xf32, #tpu.memory_space<vmem>>)
    %dma_wait3A_849 = arith.constant 3 : i32
    %dma_wait3A_850 = arith.constant 0 : i32
    %dma_wait3A_851 = tpu.memref_slice %arg12[%dma_wait3A_849, %dma_wait3A_850] : memref<64x10112xf32, #tpu.memory_space<vmem>> -> memref<1x10112xf32, #tpu.memory_space<vmem>>
    %dma_wait3A_852 = tpu.memref_squeeze %dma_wait3A_851 : memref<1x10112xf32, #tpu.memory_space<vmem>> -> memref<10112xf32, #tpu.memory_space<vmem>>
    %dma_wait3A_853 = arith.constant 697856 : i32
    %dma_wait3A_854 = tpu.memref_slice %arg0[%dma_wait3A_853] : memref<1314816xf32, #tpu.memory_space<any>> -> memref<10112xf32, #tpu.memory_space<any>>
    tpu.wait_dma2 semaphore(%arg13 : memref<!tpu.dma_semaphore, #tpu.memory_space<semaphore_mem>>) src(%dma_wait3A_854 : memref<10112xf32, #tpu.memory_space<any>>) dst(%dma_wait3A_852 : memref<10112xf32, #tpu.memory_space<vmem>>)
    %dma_wait3A_855 = arith.constant 4 : i32
    %dma_wait3A_856 = arith.constant 0 : i32
    %dma_wait3A_857 = tpu.memref_slice %arg11[%dma_wait3A_855, %dma_wait3A_856] : memref<64x10112xf32, #tpu.memory_space<vmem>> -> memref<1x10112xf32, #tpu.memory_space<vmem>>
    %dma_wait3A_858 = tpu.memref_squeeze %dma_wait3A_857 : memref<1x10112xf32, #tpu.memory_space<vmem>> -> memref<10112xf32, #tpu.memory_space<vmem>>
    %dma_wait3A_859 = arith.constant 50560 : i32
    %dma_wait3A_860 = tpu.memref_slice %arg0[%dma_wait3A_859] : memref<1314816xf32, #tpu.memory_space<any>> -> memref<10112xf32, #tpu.memory_space<any>>
    tpu.wait_dma2 semaphore(%arg13 : memref<!tpu.dma_semaphore, #tpu.memory_space<semaphore_mem>>) src(%dma_wait3A_860 : memref<10112xf32, #tpu.memory_space<any>>) dst(%dma_wait3A_858 : memref<10112xf32, #tpu.memory_space<vmem>>)
    %dma_wait3A_861 = arith.constant 4 : i32
    %dma_wait3A_862 = arith.constant 0 : i32
    %dma_wait3A_863 = tpu.memref_slice %arg12[%dma_wait3A_861, %dma_wait3A_862] : memref<64x10112xf32, #tpu.memory_space<vmem>> -> memref<1x10112xf32, #tpu.memory_space<vmem>>
    %dma_wait3A_864 = tpu.memref_squeeze %dma_wait3A_863 : memref<1x10112xf32, #tpu.memory_space<vmem>> -> memref<10112xf32, #tpu.memory_space<vmem>>
    %dma_wait3A_865 = arith.constant 707968 : i32
    %dma_wait3A_866 = tpu.memref_slice %arg0[%dma_wait3A_865] : memref<1314816xf32, #tpu.memory_space<any>> -> memref<10112xf32, #tpu.memory_space<any>>
    tpu.wait_dma2 semaphore(%arg13 : memref<!tpu.dma_semaphore, #tpu.memory_space<semaphore_mem>>) src(%dma_wait3A_866 : memref<10112xf32, #tpu.memory_space<any>>) dst(%dma_wait3A_864 : memref<10112xf32, #tpu.memory_space<vmem>>)
    %dma_wait3A_867 = arith.constant 5 : i32
    %dma_wait3A_868 = arith.constant 0 : i32
    %dma_wait3A_869 = tpu.memref_slice %arg11[%dma_wait3A_867, %dma_wait3A_868] : memref<64x10112xf32, #tpu.memory_space<vmem>> -> memref<1x10112xf32, #tpu.memory_space<vmem>>
    %dma_wait3A_870 = tpu.memref_squeeze %dma_wait3A_869 : memref<1x10112xf32, #tpu.memory_space<vmem>> -> memref<10112xf32, #tpu.memory_space<vmem>>
    %dma_wait3A_871 = arith.constant 60672 : i32
    %dma_wait3A_872 = tpu.memref_slice %arg0[%dma_wait3A_871] : memref<1314816xf32, #tpu.memory_space<any>> -> memref<10112xf32, #tpu.memory_space<any>>
    tpu.wait_dma2 semaphore(%arg13 : memref<!tpu.dma_semaphore, #tpu.memory_space<semaphore_mem>>) src(%dma_wait3A_872 : memref<10112xf32, #tpu.memory_space<any>>) dst(%dma_wait3A_870 : memref<10112xf32, #tpu.memory_space<vmem>>)
    %dma_wait3A_873 = arith.constant 5 : i32
    %dma_wait3A_874 = arith.constant 0 : i32
    %dma_wait3A_875 = tpu.memref_slice %arg12[%dma_wait3A_873, %dma_wait3A_874] : memref<64x10112xf32, #tpu.memory_space<vmem>> -> memref<1x10112xf32, #tpu.memory_space<vmem>>
    %dma_wait3A_876 = tpu.memref_squeeze %dma_wait3A_875 : memref<1x10112xf32, #tpu.memory_space<vmem>> -> memref<10112xf32, #tpu.memory_space<vmem>>
    %dma_wait3A_877 = arith.constant 718080 : i32
    %dma_wait3A_878 = tpu.memref_slice %arg0[%dma_wait3A_877] : memref<1314816xf32, #tpu.memory_space<any>> -> memref<10112xf32, #tpu.memory_space<any>>
    tpu.wait_dma2 semaphore(%arg13 : memref<!tpu.dma_semaphore, #tpu.memory_space<semaphore_mem>>) src(%dma_wait3A_878 : memref<10112xf32, #tpu.memory_space<any>>) dst(%dma_wait3A_876 : memref<10112xf32, #tpu.memory_space<vmem>>)
    %dma_wait3A_879 = arith.constant 6 : i32
    %dma_wait3A_880 = arith.constant 0 : i32
    %dma_wait3A_881 = tpu.memref_slice %arg11[%dma_wait3A_879, %dma_wait3A_880] : memref<64x10112xf32, #tpu.memory_space<vmem>> -> memref<1x10112xf32, #tpu.memory_space<vmem>>
    %dma_wait3A_882 = tpu.memref_squeeze %dma_wait3A_881 : memref<1x10112xf32, #tpu.memory_space<vmem>> -> memref<10112xf32, #tpu.memory_space<vmem>>
    %dma_wait3A_883 = arith.constant 70784 : i32
    %dma_wait3A_884 = tpu.memref_slice %arg0[%dma_wait3A_883] : memref<1314816xf32, #tpu.memory_space<any>> -> memref<10112xf32, #tpu.memory_space<any>>
    tpu.wait_dma2 semaphore(%arg13 : memref<!tpu.dma_semaphore, #tpu.memory_space<semaphore_mem>>) src(%dma_wait3A_884 : memref<10112xf32, #tpu.memory_space<any>>) dst(%dma_wait3A_882 : memref<10112xf32, #tpu.memory_space<vmem>>)
    %dma_wait3A_885 = arith.constant 6 : i32
    %dma_wait3A_886 = arith.constant 0 : i32
    %dma_wait3A_887 = tpu.memref_slice %arg12[%dma_wait3A_885, %dma_wait3A_886] : memref<64x10112xf32, #tpu.memory_space<vmem>> -> memref<1x10112xf32, #tpu.memory_space<vmem>>
    %dma_wait3A_888 = tpu.memref_squeeze %dma_wait3A_887 : memref<1x10112xf32, #tpu.memory_space<vmem>> -> memref<10112xf32, #tpu.memory_space<vmem>>
    %dma_wait3A_889 = arith.constant 728192 : i32
    %dma_wait3A_890 = tpu.memref_slice %arg0[%dma_wait3A_889] : memref<1314816xf32, #tpu.memory_space<any>> -> memref<10112xf32, #tpu.memory_space<any>>
    tpu.wait_dma2 semaphore(%arg13 : memref<!tpu.dma_semaphore, #tpu.memory_space<semaphore_mem>>) src(%dma_wait3A_890 : memref<10112xf32, #tpu.memory_space<any>>) dst(%dma_wait3A_888 : memref<10112xf32, #tpu.memory_space<vmem>>)
    %dma_wait3A_891 = arith.constant 7 : i32
    %dma_wait3A_892 = arith.constant 0 : i32
    %dma_wait3A_893 = tpu.memref_slice %arg11[%dma_wait3A_891, %dma_wait3A_892] : memref<64x10112xf32, #tpu.memory_space<vmem>> -> memref<1x10112xf32, #tpu.memory_space<vmem>>
    %dma_wait3A_894 = tpu.memref_squeeze %dma_wait3A_893 : memref<1x10112xf32, #tpu.memory_space<vmem>> -> memref<10112xf32, #tpu.memory_space<vmem>>
    %dma_wait3A_895 = arith.constant 80896 : i32
    %dma_wait3A_896 = tpu.memref_slice %arg0[%dma_wait3A_895] : memref<1314816xf32, #tpu.memory_space<any>> -> memref<10112xf32, #tpu.memory_space<any>>
    tpu.wait_dma2 semaphore(%arg13 : memref<!tpu.dma_semaphore, #tpu.memory_space<semaphore_mem>>) src(%dma_wait3A_896 : memref<10112xf32, #tpu.memory_space<any>>) dst(%dma_wait3A_894 : memref<10112xf32, #tpu.memory_space<vmem>>)
    %dma_wait3A_897 = arith.constant 7 : i32
    %dma_wait3A_898 = arith.constant 0 : i32
    %dma_wait3A_899 = tpu.memref_slice %arg12[%dma_wait3A_897, %dma_wait3A_898] : memref<64x10112xf32, #tpu.memory_space<vmem>> -> memref<1x10112xf32, #tpu.memory_space<vmem>>
    %dma_wait3A_900 = tpu.memref_squeeze %dma_wait3A_899 : memref<1x10112xf32, #tpu.memory_space<vmem>> -> memref<10112xf32, #tpu.memory_space<vmem>>
    %dma_wait3A_901 = arith.constant 738304 : i32
    %dma_wait3A_902 = tpu.memref_slice %arg0[%dma_wait3A_901] : memref<1314816xf32, #tpu.memory_space<any>> -> memref<10112xf32, #tpu.memory_space<any>>
    tpu.wait_dma2 semaphore(%arg13 : memref<!tpu.dma_semaphore, #tpu.memory_space<semaphore_mem>>) src(%dma_wait3A_902 : memref<10112xf32, #tpu.memory_space<any>>) dst(%dma_wait3A_900 : memref<10112xf32, #tpu.memory_space<vmem>>)
    %dma_wait3A_903 = arith.constant 8 : i32
    %dma_wait3A_904 = arith.constant 0 : i32
    %dma_wait3A_905 = tpu.memref_slice %arg11[%dma_wait3A_903, %dma_wait3A_904] : memref<64x10112xf32, #tpu.memory_space<vmem>> -> memref<1x10112xf32, #tpu.memory_space<vmem>>
    %dma_wait3A_906 = tpu.memref_squeeze %dma_wait3A_905 : memref<1x10112xf32, #tpu.memory_space<vmem>> -> memref<10112xf32, #tpu.memory_space<vmem>>
    %dma_wait3A_907 = arith.constant 91008 : i32
    %dma_wait3A_908 = tpu.memref_slice %arg0[%dma_wait3A_907] : memref<1314816xf32, #tpu.memory_space<any>> -> memref<10112xf32, #tpu.memory_space<any>>
    tpu.wait_dma2 semaphore(%arg13 : memref<!tpu.dma_semaphore, #tpu.memory_space<semaphore_mem>>) src(%dma_wait3A_908 : memref<10112xf32, #tpu.memory_space<any>>) dst(%dma_wait3A_906 : memref<10112xf32, #tpu.memory_space<vmem>>)
    %dma_wait3A_909 = arith.constant 8 : i32
    %dma_wait3A_910 = arith.constant 0 : i32
    %dma_wait3A_911 = tpu.memref_slice %arg12[%dma_wait3A_909, %dma_wait3A_910] : memref<64x10112xf32, #tpu.memory_space<vmem>> -> memref<1x10112xf32, #tpu.memory_space<vmem>>
    %dma_wait3A_912 = tpu.memref_squeeze %dma_wait3A_911 : memref<1x10112xf32, #tpu.memory_space<vmem>> -> memref<10112xf32, #tpu.memory_space<vmem>>
    %dma_wait3A_913 = arith.constant 748416 : i32
    %dma_wait3A_914 = tpu.memref_slice %arg0[%dma_wait3A_913] : memref<1314816xf32, #tpu.memory_space<any>> -> memref<10112xf32, #tpu.memory_space<any>>
    tpu.wait_dma2 semaphore(%arg13 : memref<!tpu.dma_semaphore, #tpu.memory_space<semaphore_mem>>) src(%dma_wait3A_914 : memref<10112xf32, #tpu.memory_space<any>>) dst(%dma_wait3A_912 : memref<10112xf32, #tpu.memory_space<vmem>>)
    %dma_wait3A_915 = arith.constant 9 : i32
    %dma_wait3A_916 = arith.constant 0 : i32
    %dma_wait3A_917 = tpu.memref_slice %arg11[%dma_wait3A_915, %dma_wait3A_916] : memref<64x10112xf32, #tpu.memory_space<vmem>> -> memref<1x10112xf32, #tpu.memory_space<vmem>>
    %dma_wait3A_918 = tpu.memref_squeeze %dma_wait3A_917 : memref<1x10112xf32, #tpu.memory_space<vmem>> -> memref<10112xf32, #tpu.memory_space<vmem>>
    %dma_wait3A_919 = arith.constant 101120 : i32
    %dma_wait3A_920 = tpu.memref_slice %arg0[%dma_wait3A_919] : memref<1314816xf32, #tpu.memory_space<any>> -> memref<10112xf32, #tpu.memory_space<any>>
    tpu.wait_dma2 semaphore(%arg13 : memref<!tpu.dma_semaphore, #tpu.memory_space<semaphore_mem>>) src(%dma_wait3A_920 : memref<10112xf32, #tpu.memory_space<any>>) dst(%dma_wait3A_918 : memref<10112xf32, #tpu.memory_space<vmem>>)
    %dma_wait3A_921 = arith.constant 9 : i32
    %dma_wait3A_922 = arith.constant 0 : i32
    %dma_wait3A_923 = tpu.memref_slice %arg12[%dma_wait3A_921, %dma_wait3A_922] : memref<64x10112xf32, #tpu.memory_space<vmem>> -> memref<1x10112xf32, #tpu.memory_space<vmem>>
    %dma_wait3A_924 = tpu.memref_squeeze %dma_wait3A_923 : memref<1x10112xf32, #tpu.memory_space<vmem>> -> memref<10112xf32, #tpu.memory_space<vmem>>
    %dma_wait3A_925 = arith.constant 758528 : i32
    %dma_wait3A_926 = tpu.memref_slice %arg0[%dma_wait3A_925] : memref<1314816xf32, #tpu.memory_space<any>> -> memref<10112xf32, #tpu.memory_space<any>>
    tpu.wait_dma2 semaphore(%arg13 : memref<!tpu.dma_semaphore, #tpu.memory_space<semaphore_mem>>) src(%dma_wait3A_926 : memref<10112xf32, #tpu.memory_space<any>>) dst(%dma_wait3A_924 : memref<10112xf32, #tpu.memory_space<vmem>>)
    %dma_wait3A_927 = arith.constant 10 : i32
    %dma_wait3A_928 = arith.constant 0 : i32
    %dma_wait3A_929 = tpu.memref_slice %arg11[%dma_wait3A_927, %dma_wait3A_928] : memref<64x10112xf32, #tpu.memory_space<vmem>> -> memref<1x10112xf32, #tpu.memory_space<vmem>>
    %dma_wait3A_930 = tpu.memref_squeeze %dma_wait3A_929 : memref<1x10112xf32, #tpu.memory_space<vmem>> -> memref<10112xf32, #tpu.memory_space<vmem>>
    %dma_wait3A_931 = arith.constant 111232 : i32
    %dma_wait3A_932 = tpu.memref_slice %arg0[%dma_wait3A_931] : memref<1314816xf32, #tpu.memory_space<any>> -> memref<10112xf32, #tpu.memory_space<any>>
    tpu.wait_dma2 semaphore(%arg13 : memref<!tpu.dma_semaphore, #tpu.memory_space<semaphore_mem>>) src(%dma_wait3A_932 : memref<10112xf32, #tpu.memory_space<any>>) dst(%dma_wait3A_930 : memref<10112xf32, #tpu.memory_space<vmem>>)
    %dma_wait3A_933 = arith.constant 10 : i32
    %dma_wait3A_934 = arith.constant 0 : i32
    %dma_wait3A_935 = tpu.memref_slice %arg12[%dma_wait3A_933, %dma_wait3A_934] : memref<64x10112xf32, #tpu.memory_space<vmem>> -> memref<1x10112xf32, #tpu.memory_space<vmem>>
    %dma_wait3A_936 = tpu.memref_squeeze %dma_wait3A_935 : memref<1x10112xf32, #tpu.memory_space<vmem>> -> memref<10112xf32, #tpu.memory_space<vmem>>
    %dma_wait3A_937 = arith.constant 768640 : i32
    %dma_wait3A_938 = tpu.memref_slice %arg0[%dma_wait3A_937] : memref<1314816xf32, #tpu.memory_space<any>> -> memref<10112xf32, #tpu.memory_space<any>>
    tpu.wait_dma2 semaphore(%arg13 : memref<!tpu.dma_semaphore, #tpu.memory_space<semaphore_mem>>) src(%dma_wait3A_938 : memref<10112xf32, #tpu.memory_space<any>>) dst(%dma_wait3A_936 : memref<10112xf32, #tpu.memory_space<vmem>>)
    %dma_wait3A_939 = arith.constant 11 : i32
    %dma_wait3A_940 = arith.constant 0 : i32
    %dma_wait3A_941 = tpu.memref_slice %arg11[%dma_wait3A_939, %dma_wait3A_940] : memref<64x10112xf32, #tpu.memory_space<vmem>> -> memref<1x10112xf32, #tpu.memory_space<vmem>>
    %dma_wait3A_942 = tpu.memref_squeeze %dma_wait3A_941 : memref<1x10112xf32, #tpu.memory_space<vmem>> -> memref<10112xf32, #tpu.memory_space<vmem>>
    %dma_wait3A_943 = arith.constant 121344 : i32
    %dma_wait3A_944 = tpu.memref_slice %arg0[%dma_wait3A_943] : memref<1314816xf32, #tpu.memory_space<any>> -> memref<10112xf32, #tpu.memory_space<any>>
    tpu.wait_dma2 semaphore(%arg13 : memref<!tpu.dma_semaphore, #tpu.memory_space<semaphore_mem>>) src(%dma_wait3A_944 : memref<10112xf32, #tpu.memory_space<any>>) dst(%dma_wait3A_942 : memref<10112xf32, #tpu.memory_space<vmem>>)
    %dma_wait3A_945 = arith.constant 11 : i32
    %dma_wait3A_946 = arith.constant 0 : i32
    %dma_wait3A_947 = tpu.memref_slice %arg12[%dma_wait3A_945, %dma_wait3A_946] : memref<64x10112xf32, #tpu.memory_space<vmem>> -> memref<1x10112xf32, #tpu.memory_space<vmem>>
    %dma_wait3A_948 = tpu.memref_squeeze %dma_wait3A_947 : memref<1x10112xf32, #tpu.memory_space<vmem>> -> memref<10112xf32, #tpu.memory_space<vmem>>
    %dma_wait3A_949 = arith.constant 778752 : i32
    %dma_wait3A_950 = tpu.memref_slice %arg0[%dma_wait3A_949] : memref<1314816xf32, #tpu.memory_space<any>> -> memref<10112xf32, #tpu.memory_space<any>>
    tpu.wait_dma2 semaphore(%arg13 : memref<!tpu.dma_semaphore, #tpu.memory_space<semaphore_mem>>) src(%dma_wait3A_950 : memref<10112xf32, #tpu.memory_space<any>>) dst(%dma_wait3A_948 : memref<10112xf32, #tpu.memory_space<vmem>>)
    %dma_wait3A_951 = arith.constant 12 : i32
    %dma_wait3A_952 = arith.constant 0 : i32
    %dma_wait3A_953 = tpu.memref_slice %arg11[%dma_wait3A_951, %dma_wait3A_952] : memref<64x10112xf32, #tpu.memory_space<vmem>> -> memref<1x10112xf32, #tpu.memory_space<vmem>>
    %dma_wait3A_954 = tpu.memref_squeeze %dma_wait3A_953 : memref<1x10112xf32, #tpu.memory_space<vmem>> -> memref<10112xf32, #tpu.memory_space<vmem>>
    %dma_wait3A_955 = arith.constant 131456 : i32
    %dma_wait3A_956 = tpu.memref_slice %arg0[%dma_wait3A_955] : memref<1314816xf32, #tpu.memory_space<any>> -> memref<10112xf32, #tpu.memory_space<any>>
    tpu.wait_dma2 semaphore(%arg13 : memref<!tpu.dma_semaphore, #tpu.memory_space<semaphore_mem>>) src(%dma_wait3A_956 : memref<10112xf32, #tpu.memory_space<any>>) dst(%dma_wait3A_954 : memref<10112xf32, #tpu.memory_space<vmem>>)
    %dma_wait3A_957 = arith.constant 12 : i32
    %dma_wait3A_958 = arith.constant 0 : i32
    %dma_wait3A_959 = tpu.memref_slice %arg12[%dma_wait3A_957, %dma_wait3A_958] : memref<64x10112xf32, #tpu.memory_space<vmem>> -> memref<1x10112xf32, #tpu.memory_space<vmem>>
    %dma_wait3A_960 = tpu.memref_squeeze %dma_wait3A_959 : memref<1x10112xf32, #tpu.memory_space<vmem>> -> memref<10112xf32, #tpu.memory_space<vmem>>
    %dma_wait3A_961 = arith.constant 788864 : i32
    %dma_wait3A_962 = tpu.memref_slice %arg0[%dma_wait3A_961] : memref<1314816xf32, #tpu.memory_space<any>> -> memref<10112xf32, #tpu.memory_space<any>>
    tpu.wait_dma2 semaphore(%arg13 : memref<!tpu.dma_semaphore, #tpu.memory_space<semaphore_mem>>) src(%dma_wait3A_962 : memref<10112xf32, #tpu.memory_space<any>>) dst(%dma_wait3A_960 : memref<10112xf32, #tpu.memory_space<vmem>>)
    %dma_wait3A_963 = arith.constant 13 : i32
    %dma_wait3A_964 = arith.constant 0 : i32
    %dma_wait3A_965 = tpu.memref_slice %arg11[%dma_wait3A_963, %dma_wait3A_964] : memref<64x10112xf32, #tpu.memory_space<vmem>> -> memref<1x10112xf32, #tpu.memory_space<vmem>>
    %dma_wait3A_966 = tpu.memref_squeeze %dma_wait3A_965 : memref<1x10112xf32, #tpu.memory_space<vmem>> -> memref<10112xf32, #tpu.memory_space<vmem>>
    %dma_wait3A_967 = arith.constant 141568 : i32
    %dma_wait3A_968 = tpu.memref_slice %arg0[%dma_wait3A_967] : memref<1314816xf32, #tpu.memory_space<any>> -> memref<10112xf32, #tpu.memory_space<any>>
    tpu.wait_dma2 semaphore(%arg13 : memref<!tpu.dma_semaphore, #tpu.memory_space<semaphore_mem>>) src(%dma_wait3A_968 : memref<10112xf32, #tpu.memory_space<any>>) dst(%dma_wait3A_966 : memref<10112xf32, #tpu.memory_space<vmem>>)
    %dma_wait3A_969 = arith.constant 13 : i32
    %dma_wait3A_970 = arith.constant 0 : i32
    %dma_wait3A_971 = tpu.memref_slice %arg12[%dma_wait3A_969, %dma_wait3A_970] : memref<64x10112xf32, #tpu.memory_space<vmem>> -> memref<1x10112xf32, #tpu.memory_space<vmem>>
    %dma_wait3A_972 = tpu.memref_squeeze %dma_wait3A_971 : memref<1x10112xf32, #tpu.memory_space<vmem>> -> memref<10112xf32, #tpu.memory_space<vmem>>
    %dma_wait3A_973 = arith.constant 798976 : i32
    %dma_wait3A_974 = tpu.memref_slice %arg0[%dma_wait3A_973] : memref<1314816xf32, #tpu.memory_space<any>> -> memref<10112xf32, #tpu.memory_space<any>>
    tpu.wait_dma2 semaphore(%arg13 : memref<!tpu.dma_semaphore, #tpu.memory_space<semaphore_mem>>) src(%dma_wait3A_974 : memref<10112xf32, #tpu.memory_space<any>>) dst(%dma_wait3A_972 : memref<10112xf32, #tpu.memory_space<vmem>>)
    %dma_wait3A_975 = arith.constant 14 : i32
    %dma_wait3A_976 = arith.constant 0 : i32
    %dma_wait3A_977 = tpu.memref_slice %arg11[%dma_wait3A_975, %dma_wait3A_976] : memref<64x10112xf32, #tpu.memory_space<vmem>> -> memref<1x10112xf32, #tpu.memory_space<vmem>>
    %dma_wait3A_978 = tpu.memref_squeeze %dma_wait3A_977 : memref<1x10112xf32, #tpu.memory_space<vmem>> -> memref<10112xf32, #tpu.memory_space<vmem>>
    %dma_wait3A_979 = arith.constant 151680 : i32
    %dma_wait3A_980 = tpu.memref_slice %arg0[%dma_wait3A_979] : memref<1314816xf32, #tpu.memory_space<any>> -> memref<10112xf32, #tpu.memory_space<any>>
    tpu.wait_dma2 semaphore(%arg13 : memref<!tpu.dma_semaphore, #tpu.memory_space<semaphore_mem>>) src(%dma_wait3A_980 : memref<10112xf32, #tpu.memory_space<any>>) dst(%dma_wait3A_978 : memref<10112xf32, #tpu.memory_space<vmem>>)
    %dma_wait3A_981 = arith.constant 14 : i32
    %dma_wait3A_982 = arith.constant 0 : i32
    %dma_wait3A_983 = tpu.memref_slice %arg12[%dma_wait3A_981, %dma_wait3A_982] : memref<64x10112xf32, #tpu.memory_space<vmem>> -> memref<1x10112xf32, #tpu.memory_space<vmem>>
    %dma_wait3A_984 = tpu.memref_squeeze %dma_wait3A_983 : memref<1x10112xf32, #tpu.memory_space<vmem>> -> memref<10112xf32, #tpu.memory_space<vmem>>
    %dma_wait3A_985 = arith.constant 809088 : i32
    %dma_wait3A_986 = tpu.memref_slice %arg0[%dma_wait3A_985] : memref<1314816xf32, #tpu.memory_space<any>> -> memref<10112xf32, #tpu.memory_space<any>>
    tpu.wait_dma2 semaphore(%arg13 : memref<!tpu.dma_semaphore, #tpu.memory_space<semaphore_mem>>) src(%dma_wait3A_986 : memref<10112xf32, #tpu.memory_space<any>>) dst(%dma_wait3A_984 : memref<10112xf32, #tpu.memory_space<vmem>>)
    %dma_wait3A_987 = arith.constant 15 : i32
    %dma_wait3A_988 = arith.constant 0 : i32
    %dma_wait3A_989 = tpu.memref_slice %arg11[%dma_wait3A_987, %dma_wait3A_988] : memref<64x10112xf32, #tpu.memory_space<vmem>> -> memref<1x10112xf32, #tpu.memory_space<vmem>>
    %dma_wait3A_990 = tpu.memref_squeeze %dma_wait3A_989 : memref<1x10112xf32, #tpu.memory_space<vmem>> -> memref<10112xf32, #tpu.memory_space<vmem>>
    %dma_wait3A_991 = arith.constant 161792 : i32
    %dma_wait3A_992 = tpu.memref_slice %arg0[%dma_wait3A_991] : memref<1314816xf32, #tpu.memory_space<any>> -> memref<10112xf32, #tpu.memory_space<any>>
    tpu.wait_dma2 semaphore(%arg13 : memref<!tpu.dma_semaphore, #tpu.memory_space<semaphore_mem>>) src(%dma_wait3A_992 : memref<10112xf32, #tpu.memory_space<any>>) dst(%dma_wait3A_990 : memref<10112xf32, #tpu.memory_space<vmem>>)
    %dma_wait3A_993 = arith.constant 15 : i32
    %dma_wait3A_994 = arith.constant 0 : i32
    %dma_wait3A_995 = tpu.memref_slice %arg12[%dma_wait3A_993, %dma_wait3A_994] : memref<64x10112xf32, #tpu.memory_space<vmem>> -> memref<1x10112xf32, #tpu.memory_space<vmem>>
    %dma_wait3A_996 = tpu.memref_squeeze %dma_wait3A_995 : memref<1x10112xf32, #tpu.memory_space<vmem>> -> memref<10112xf32, #tpu.memory_space<vmem>>
    %dma_wait3A_997 = arith.constant 819200 : i32
    %dma_wait3A_998 = tpu.memref_slice %arg0[%dma_wait3A_997] : memref<1314816xf32, #tpu.memory_space<any>> -> memref<10112xf32, #tpu.memory_space<any>>
    tpu.wait_dma2 semaphore(%arg13 : memref<!tpu.dma_semaphore, #tpu.memory_space<semaphore_mem>>) src(%dma_wait3A_998 : memref<10112xf32, #tpu.memory_space<any>>) dst(%dma_wait3A_996 : memref<10112xf32, #tpu.memory_space<vmem>>)
    %dma_wait3A_999 = arith.constant 16 : i32
    %dma_wait3A_1000 = arith.constant 0 : i32
    %dma_wait3A_1001 = tpu.memref_slice %arg11[%dma_wait3A_999, %dma_wait3A_1000] : memref<64x10112xf32, #tpu.memory_space<vmem>> -> memref<1x10112xf32, #tpu.memory_space<vmem>>
    %dma_wait3A_1002 = tpu.memref_squeeze %dma_wait3A_1001 : memref<1x10112xf32, #tpu.memory_space<vmem>> -> memref<10112xf32, #tpu.memory_space<vmem>>
    %dma_wait3A_1003 = arith.constant 171904 : i32
    %dma_wait3A_1004 = tpu.memref_slice %arg0[%dma_wait3A_1003] : memref<1314816xf32, #tpu.memory_space<any>> -> memref<10112xf32, #tpu.memory_space<any>>
    tpu.wait_dma2 semaphore(%arg13 : memref<!tpu.dma_semaphore, #tpu.memory_space<semaphore_mem>>) src(%dma_wait3A_1004 : memref<10112xf32, #tpu.memory_space<any>>) dst(%dma_wait3A_1002 : memref<10112xf32, #tpu.memory_space<vmem>>)
    %dma_wait3A_1005 = arith.constant 16 : i32
    %dma_wait3A_1006 = arith.constant 0 : i32
    %dma_wait3A_1007 = tpu.memref_slice %arg12[%dma_wait3A_1005, %dma_wait3A_1006] : memref<64x10112xf32, #tpu.memory_space<vmem>> -> memref<1x10112xf32, #tpu.memory_space<vmem>>
    %dma_wait3A_1008 = tpu.memref_squeeze %dma_wait3A_1007 : memref<1x10112xf32, #tpu.memory_space<vmem>> -> memref<10112xf32, #tpu.memory_space<vmem>>
    %dma_wait3A_1009 = arith.constant 829312 : i32
    %dma_wait3A_1010 = tpu.memref_slice %arg0[%dma_wait3A_1009] : memref<1314816xf32, #tpu.memory_space<any>> -> memref<10112xf32, #tpu.memory_space<any>>
    tpu.wait_dma2 semaphore(%arg13 : memref<!tpu.dma_semaphore, #tpu.memory_space<semaphore_mem>>) src(%dma_wait3A_1010 : memref<10112xf32, #tpu.memory_space<any>>) dst(%dma_wait3A_1008 : memref<10112xf32, #tpu.memory_space<vmem>>)
    %dma_wait3A_1011 = arith.constant 17 : i32
    %dma_wait3A_1012 = arith.constant 0 : i32
    %dma_wait3A_1013 = tpu.memref_slice %arg11[%dma_wait3A_1011, %dma_wait3A_1012] : memref<64x10112xf32, #tpu.memory_space<vmem>> -> memref<1x10112xf32, #tpu.memory_space<vmem>>
    %dma_wait3A_1014 = tpu.memref_squeeze %dma_wait3A_1013 : memref<1x10112xf32, #tpu.memory_space<vmem>> -> memref<10112xf32, #tpu.memory_space<vmem>>
    %dma_wait3A_1015 = arith.constant 182016 : i32
    %dma_wait3A_1016 = tpu.memref_slice %arg0[%dma_wait3A_1015] : memref<1314816xf32, #tpu.memory_space<any>> -> memref<10112xf32, #tpu.memory_space<any>>
    tpu.wait_dma2 semaphore(%arg13 : memref<!tpu.dma_semaphore, #tpu.memory_space<semaphore_mem>>) src(%dma_wait3A_1016 : memref<10112xf32, #tpu.memory_space<any>>) dst(%dma_wait3A_1014 : memref<10112xf32, #tpu.memory_space<vmem>>)
    %dma_wait3A_1017 = arith.constant 17 : i32
    %dma_wait3A_1018 = arith.constant 0 : i32
    %dma_wait3A_1019 = tpu.memref_slice %arg12[%dma_wait3A_1017, %dma_wait3A_1018] : memref<64x10112xf32, #tpu.memory_space<vmem>> -> memref<1x10112xf32, #tpu.memory_space<vmem>>
    %dma_wait3A_1020 = tpu.memref_squeeze %dma_wait3A_1019 : memref<1x10112xf32, #tpu.memory_space<vmem>> -> memref<10112xf32, #tpu.memory_space<vmem>>
    %dma_wait3A_1021 = arith.constant 839424 : i32
    %dma_wait3A_1022 = tpu.memref_slice %arg0[%dma_wait3A_1021] : memref<1314816xf32, #tpu.memory_space<any>> -> memref<10112xf32, #tpu.memory_space<any>>
    tpu.wait_dma2 semaphore(%arg13 : memref<!tpu.dma_semaphore, #tpu.memory_space<semaphore_mem>>) src(%dma_wait3A_1022 : memref<10112xf32, #tpu.memory_space<any>>) dst(%dma_wait3A_1020 : memref<10112xf32, #tpu.memory_space<vmem>>)
    %dma_wait3A_1023 = arith.constant 18 : i32
    %dma_wait3A_1024 = arith.constant 0 : i32
    %dma_wait3A_1025 = tpu.memref_slice %arg11[%dma_wait3A_1023, %dma_wait3A_1024] : memref<64x10112xf32, #tpu.memory_space<vmem>> -> memref<1x10112xf32, #tpu.memory_space<vmem>>
    %dma_wait3A_1026 = tpu.memref_squeeze %dma_wait3A_1025 : memref<1x10112xf32, #tpu.memory_space<vmem>> -> memref<10112xf32, #tpu.memory_space<vmem>>
    %dma_wait3A_1027 = arith.constant 192128 : i32
    %dma_wait3A_1028 = tpu.memref_slice %arg0[%dma_wait3A_1027] : memref<1314816xf32, #tpu.memory_space<any>> -> memref<10112xf32, #tpu.memory_space<any>>
    tpu.wait_dma2 semaphore(%arg13 : memref<!tpu.dma_semaphore, #tpu.memory_space<semaphore_mem>>) src(%dma_wait3A_1028 : memref<10112xf32, #tpu.memory_space<any>>) dst(%dma_wait3A_1026 : memref<10112xf32, #tpu.memory_space<vmem>>)
    %dma_wait3A_1029 = arith.constant 18 : i32
    %dma_wait3A_1030 = arith.constant 0 : i32
    %dma_wait3A_1031 = tpu.memref_slice %arg12[%dma_wait3A_1029, %dma_wait3A_1030] : memref<64x10112xf32, #tpu.memory_space<vmem>> -> memref<1x10112xf32, #tpu.memory_space<vmem>>
    %dma_wait3A_1032 = tpu.memref_squeeze %dma_wait3A_1031 : memref<1x10112xf32, #tpu.memory_space<vmem>> -> memref<10112xf32, #tpu.memory_space<vmem>>
    %dma_wait3A_1033 = arith.constant 849536 : i32
    %dma_wait3A_1034 = tpu.memref_slice %arg0[%dma_wait3A_1033] : memref<1314816xf32, #tpu.memory_space<any>> -> memref<10112xf32, #tpu.memory_space<any>>
    tpu.wait_dma2 semaphore(%arg13 : memref<!tpu.dma_semaphore, #tpu.memory_space<semaphore_mem>>) src(%dma_wait3A_1034 : memref<10112xf32, #tpu.memory_space<any>>) dst(%dma_wait3A_1032 : memref<10112xf32, #tpu.memory_space<vmem>>)
    %dma_wait3A_1035 = arith.constant 19 : i32
    %dma_wait3A_1036 = arith.constant 0 : i32
    %dma_wait3A_1037 = tpu.memref_slice %arg11[%dma_wait3A_1035, %dma_wait3A_1036] : memref<64x10112xf32, #tpu.memory_space<vmem>> -> memref<1x10112xf32, #tpu.memory_space<vmem>>
    %dma_wait3A_1038 = tpu.memref_squeeze %dma_wait3A_1037 : memref<1x10112xf32, #tpu.memory_space<vmem>> -> memref<10112xf32, #tpu.memory_space<vmem>>
    %dma_wait3A_1039 = arith.constant 202240 : i32
    %dma_wait3A_1040 = tpu.memref_slice %arg0[%dma_wait3A_1039] : memref<1314816xf32, #tpu.memory_space<any>> -> memref<10112xf32, #tpu.memory_space<any>>
    tpu.wait_dma2 semaphore(%arg13 : memref<!tpu.dma_semaphore, #tpu.memory_space<semaphore_mem>>) src(%dma_wait3A_1040 : memref<10112xf32, #tpu.memory_space<any>>) dst(%dma_wait3A_1038 : memref<10112xf32, #tpu.memory_space<vmem>>)
    %dma_wait3A_1041 = arith.constant 19 : i32
    %dma_wait3A_1042 = arith.constant 0 : i32
    %dma_wait3A_1043 = tpu.memref_slice %arg12[%dma_wait3A_1041, %dma_wait3A_1042] : memref<64x10112xf32, #tpu.memory_space<vmem>> -> memref<1x10112xf32, #tpu.memory_space<vmem>>
    %dma_wait3A_1044 = tpu.memref_squeeze %dma_wait3A_1043 : memref<1x10112xf32, #tpu.memory_space<vmem>> -> memref<10112xf32, #tpu.memory_space<vmem>>
    %dma_wait3A_1045 = arith.constant 859648 : i32
    %dma_wait3A_1046 = tpu.memref_slice %arg0[%dma_wait3A_1045] : memref<1314816xf32, #tpu.memory_space<any>> -> memref<10112xf32, #tpu.memory_space<any>>
    tpu.wait_dma2 semaphore(%arg13 : memref<!tpu.dma_semaphore, #tpu.memory_space<semaphore_mem>>) src(%dma_wait3A_1046 : memref<10112xf32, #tpu.memory_space<any>>) dst(%dma_wait3A_1044 : memref<10112xf32, #tpu.memory_space<vmem>>)
    %dma_wait3A_1047 = arith.constant 20 : i32
    %dma_wait3A_1048 = arith.constant 0 : i32
    %dma_wait3A_1049 = tpu.memref_slice %arg11[%dma_wait3A_1047, %dma_wait3A_1048] : memref<64x10112xf32, #tpu.memory_space<vmem>> -> memref<1x10112xf32, #tpu.memory_space<vmem>>
    %dma_wait3A_1050 = tpu.memref_squeeze %dma_wait3A_1049 : memref<1x10112xf32, #tpu.memory_space<vmem>> -> memref<10112xf32, #tpu.memory_space<vmem>>
    %dma_wait3A_1051 = arith.constant 212352 : i32
    %dma_wait3A_1052 = tpu.memref_slice %arg0[%dma_wait3A_1051] : memref<1314816xf32, #tpu.memory_space<any>> -> memref<10112xf32, #tpu.memory_space<any>>
    tpu.wait_dma2 semaphore(%arg13 : memref<!tpu.dma_semaphore, #tpu.memory_space<semaphore_mem>>) src(%dma_wait3A_1052 : memref<10112xf32, #tpu.memory_space<any>>) dst(%dma_wait3A_1050 : memref<10112xf32, #tpu.memory_space<vmem>>)
    %dma_wait3A_1053 = arith.constant 20 : i32
    %dma_wait3A_1054 = arith.constant 0 : i32
    %dma_wait3A_1055 = tpu.memref_slice %arg12[%dma_wait3A_1053, %dma_wait3A_1054] : memref<64x10112xf32, #tpu.memory_space<vmem>> -> memref<1x10112xf32, #tpu.memory_space<vmem>>
    %dma_wait3A_1056 = tpu.memref_squeeze %dma_wait3A_1055 : memref<1x10112xf32, #tpu.memory_space<vmem>> -> memref<10112xf32, #tpu.memory_space<vmem>>
    %dma_wait3A_1057 = arith.constant 869760 : i32
    %dma_wait3A_1058 = tpu.memref_slice %arg0[%dma_wait3A_1057] : memref<1314816xf32, #tpu.memory_space<any>> -> memref<10112xf32, #tpu.memory_space<any>>
    tpu.wait_dma2 semaphore(%arg13 : memref<!tpu.dma_semaphore, #tpu.memory_space<semaphore_mem>>) src(%dma_wait3A_1058 : memref<10112xf32, #tpu.memory_space<any>>) dst(%dma_wait3A_1056 : memref<10112xf32, #tpu.memory_space<vmem>>)
    %dma_wait3A_1059 = arith.constant 21 : i32
    %dma_wait3A_1060 = arith.constant 0 : i32
    %dma_wait3A_1061 = tpu.memref_slice %arg11[%dma_wait3A_1059, %dma_wait3A_1060] : memref<64x10112xf32, #tpu.memory_space<vmem>> -> memref<1x10112xf32, #tpu.memory_space<vmem>>
    %dma_wait3A_1062 = tpu.memref_squeeze %dma_wait3A_1061 : memref<1x10112xf32, #tpu.memory_space<vmem>> -> memref<10112xf32, #tpu.memory_space<vmem>>
    %dma_wait3A_1063 = arith.constant 222464 : i32
    %dma_wait3A_1064 = tpu.memref_slice %arg0[%dma_wait3A_1063] : memref<1314816xf32, #tpu.memory_space<any>> -> memref<10112xf32, #tpu.memory_space<any>>
    tpu.wait_dma2 semaphore(%arg13 : memref<!tpu.dma_semaphore, #tpu.memory_space<semaphore_mem>>) src(%dma_wait3A_1064 : memref<10112xf32, #tpu.memory_space<any>>) dst(%dma_wait3A_1062 : memref<10112xf32, #tpu.memory_space<vmem>>)
    %dma_wait3A_1065 = arith.constant 21 : i32
    %dma_wait3A_1066 = arith.constant 0 : i32
    %dma_wait3A_1067 = tpu.memref_slice %arg12[%dma_wait3A_1065, %dma_wait3A_1066] : memref<64x10112xf32, #tpu.memory_space<vmem>> -> memref<1x10112xf32, #tpu.memory_space<vmem>>
    %dma_wait3A_1068 = tpu.memref_squeeze %dma_wait3A_1067 : memref<1x10112xf32, #tpu.memory_space<vmem>> -> memref<10112xf32, #tpu.memory_space<vmem>>
    %dma_wait3A_1069 = arith.constant 879872 : i32
    %dma_wait3A_1070 = tpu.memref_slice %arg0[%dma_wait3A_1069] : memref<1314816xf32, #tpu.memory_space<any>> -> memref<10112xf32, #tpu.memory_space<any>>
    tpu.wait_dma2 semaphore(%arg13 : memref<!tpu.dma_semaphore, #tpu.memory_space<semaphore_mem>>) src(%dma_wait3A_1070 : memref<10112xf32, #tpu.memory_space<any>>) dst(%dma_wait3A_1068 : memref<10112xf32, #tpu.memory_space<vmem>>)
    %dma_wait3A_1071 = arith.constant 22 : i32
    %dma_wait3A_1072 = arith.constant 0 : i32
    %dma_wait3A_1073 = tpu.memref_slice %arg11[%dma_wait3A_1071, %dma_wait3A_1072] : memref<64x10112xf32, #tpu.memory_space<vmem>> -> memref<1x10112xf32, #tpu.memory_space<vmem>>
    %dma_wait3A_1074 = tpu.memref_squeeze %dma_wait3A_1073 : memref<1x10112xf32, #tpu.memory_space<vmem>> -> memref<10112xf32, #tpu.memory_space<vmem>>
    %dma_wait3A_1075 = arith.constant 232576 : i32
    %dma_wait3A_1076 = tpu.memref_slice %arg0[%dma_wait3A_1075] : memref<1314816xf32, #tpu.memory_space<any>> -> memref<10112xf32, #tpu.memory_space<any>>
    tpu.wait_dma2 semaphore(%arg13 : memref<!tpu.dma_semaphore, #tpu.memory_space<semaphore_mem>>) src(%dma_wait3A_1076 : memref<10112xf32, #tpu.memory_space<any>>) dst(%dma_wait3A_1074 : memref<10112xf32, #tpu.memory_space<vmem>>)
    %dma_wait3A_1077 = arith.constant 22 : i32
    %dma_wait3A_1078 = arith.constant 0 : i32
    %dma_wait3A_1079 = tpu.memref_slice %arg12[%dma_wait3A_1077, %dma_wait3A_1078] : memref<64x10112xf32, #tpu.memory_space<vmem>> -> memref<1x10112xf32, #tpu.memory_space<vmem>>
    %dma_wait3A_1080 = tpu.memref_squeeze %dma_wait3A_1079 : memref<1x10112xf32, #tpu.memory_space<vmem>> -> memref<10112xf32, #tpu.memory_space<vmem>>
    %dma_wait3A_1081 = arith.constant 889984 : i32
    %dma_wait3A_1082 = tpu.memref_slice %arg0[%dma_wait3A_1081] : memref<1314816xf32, #tpu.memory_space<any>> -> memref<10112xf32, #tpu.memory_space<any>>
    tpu.wait_dma2 semaphore(%arg13 : memref<!tpu.dma_semaphore, #tpu.memory_space<semaphore_mem>>) src(%dma_wait3A_1082 : memref<10112xf32, #tpu.memory_space<any>>) dst(%dma_wait3A_1080 : memref<10112xf32, #tpu.memory_space<vmem>>)
    %dma_wait3A_1083 = arith.constant 23 : i32
    %dma_wait3A_1084 = arith.constant 0 : i32
    %dma_wait3A_1085 = tpu.memref_slice %arg11[%dma_wait3A_1083, %dma_wait3A_1084] : memref<64x10112xf32, #tpu.memory_space<vmem>> -> memref<1x10112xf32, #tpu.memory_space<vmem>>
    %dma_wait3A_1086 = tpu.memref_squeeze %dma_wait3A_1085 : memref<1x10112xf32, #tpu.memory_space<vmem>> -> memref<10112xf32, #tpu.memory_space<vmem>>
    %dma_wait3A_1087 = arith.constant 242688 : i32
    %dma_wait3A_1088 = tpu.memref_slice %arg0[%dma_wait3A_1087] : memref<1314816xf32, #tpu.memory_space<any>> -> memref<10112xf32, #tpu.memory_space<any>>
    tpu.wait_dma2 semaphore(%arg13 : memref<!tpu.dma_semaphore, #tpu.memory_space<semaphore_mem>>) src(%dma_wait3A_1088 : memref<10112xf32, #tpu.memory_space<any>>) dst(%dma_wait3A_1086 : memref<10112xf32, #tpu.memory_space<vmem>>)
    %dma_wait3A_1089 = arith.constant 23 : i32
    %dma_wait3A_1090 = arith.constant 0 : i32
    %dma_wait3A_1091 = tpu.memref_slice %arg12[%dma_wait3A_1089, %dma_wait3A_1090] : memref<64x10112xf32, #tpu.memory_space<vmem>> -> memref<1x10112xf32, #tpu.memory_space<vmem>>
    %dma_wait3A_1092 = tpu.memref_squeeze %dma_wait3A_1091 : memref<1x10112xf32, #tpu.memory_space<vmem>> -> memref<10112xf32, #tpu.memory_space<vmem>>
    %dma_wait3A_1093 = arith.constant 900096 : i32
    %dma_wait3A_1094 = tpu.memref_slice %arg0[%dma_wait3A_1093] : memref<1314816xf32, #tpu.memory_space<any>> -> memref<10112xf32, #tpu.memory_space<any>>
    tpu.wait_dma2 semaphore(%arg13 : memref<!tpu.dma_semaphore, #tpu.memory_space<semaphore_mem>>) src(%dma_wait3A_1094 : memref<10112xf32, #tpu.memory_space<any>>) dst(%dma_wait3A_1092 : memref<10112xf32, #tpu.memory_space<vmem>>)
    %dma_wait3A_1095 = arith.constant 24 : i32
    %dma_wait3A_1096 = arith.constant 0 : i32
    %dma_wait3A_1097 = tpu.memref_slice %arg11[%dma_wait3A_1095, %dma_wait3A_1096] : memref<64x10112xf32, #tpu.memory_space<vmem>> -> memref<1x10112xf32, #tpu.memory_space<vmem>>
    %dma_wait3A_1098 = tpu.memref_squeeze %dma_wait3A_1097 : memref<1x10112xf32, #tpu.memory_space<vmem>> -> memref<10112xf32, #tpu.memory_space<vmem>>
    %dma_wait3A_1099 = arith.constant 252800 : i32
    %dma_wait3A_1100 = tpu.memref_slice %arg0[%dma_wait3A_1099] : memref<1314816xf32, #tpu.memory_space<any>> -> memref<10112xf32, #tpu.memory_space<any>>
    tpu.wait_dma2 semaphore(%arg13 : memref<!tpu.dma_semaphore, #tpu.memory_space<semaphore_mem>>) src(%dma_wait3A_1100 : memref<10112xf32, #tpu.memory_space<any>>) dst(%dma_wait3A_1098 : memref<10112xf32, #tpu.memory_space<vmem>>)
    %dma_wait3A_1101 = arith.constant 24 : i32
    %dma_wait3A_1102 = arith.constant 0 : i32
    %dma_wait3A_1103 = tpu.memref_slice %arg12[%dma_wait3A_1101, %dma_wait3A_1102] : memref<64x10112xf32, #tpu.memory_space<vmem>> -> memref<1x10112xf32, #tpu.memory_space<vmem>>
    %dma_wait3A_1104 = tpu.memref_squeeze %dma_wait3A_1103 : memref<1x10112xf32, #tpu.memory_space<vmem>> -> memref<10112xf32, #tpu.memory_space<vmem>>
    %dma_wait3A_1105 = arith.constant 910208 : i32
    %dma_wait3A_1106 = tpu.memref_slice %arg0[%dma_wait3A_1105] : memref<1314816xf32, #tpu.memory_space<any>> -> memref<10112xf32, #tpu.memory_space<any>>
    tpu.wait_dma2 semaphore(%arg13 : memref<!tpu.dma_semaphore, #tpu.memory_space<semaphore_mem>>) src(%dma_wait3A_1106 : memref<10112xf32, #tpu.memory_space<any>>) dst(%dma_wait3A_1104 : memref<10112xf32, #tpu.memory_space<vmem>>)
    %dma_wait3A_1107 = arith.constant 25 : i32
    %dma_wait3A_1108 = arith.constant 0 : i32
    %dma_wait3A_1109 = tpu.memref_slice %arg11[%dma_wait3A_1107, %dma_wait3A_1108] : memref<64x10112xf32, #tpu.memory_space<vmem>> -> memref<1x10112xf32, #tpu.memory_space<vmem>>
    %dma_wait3A_1110 = tpu.memref_squeeze %dma_wait3A_1109 : memref<1x10112xf32, #tpu.memory_space<vmem>> -> memref<10112xf32, #tpu.memory_space<vmem>>
    %dma_wait3A_1111 = arith.constant 262912 : i32
    %dma_wait3A_1112 = tpu.memref_slice %arg0[%dma_wait3A_1111] : memref<1314816xf32, #tpu.memory_space<any>> -> memref<10112xf32, #tpu.memory_space<any>>
    tpu.wait_dma2 semaphore(%arg13 : memref<!tpu.dma_semaphore, #tpu.memory_space<semaphore_mem>>) src(%dma_wait3A_1112 : memref<10112xf32, #tpu.memory_space<any>>) dst(%dma_wait3A_1110 : memref<10112xf32, #tpu.memory_space<vmem>>)
    %dma_wait3A_1113 = arith.constant 25 : i32
    %dma_wait3A_1114 = arith.constant 0 : i32
    %dma_wait3A_1115 = tpu.memref_slice %arg12[%dma_wait3A_1113, %dma_wait3A_1114] : memref<64x10112xf32, #tpu.memory_space<vmem>> -> memref<1x10112xf32, #tpu.memory_space<vmem>>
    %dma_wait3A_1116 = tpu.memref_squeeze %dma_wait3A_1115 : memref<1x10112xf32, #tpu.memory_space<vmem>> -> memref<10112xf32, #tpu.memory_space<vmem>>
    %dma_wait3A_1117 = arith.constant 920320 : i32
    %dma_wait3A_1118 = tpu.memref_slice %arg0[%dma_wait3A_1117] : memref<1314816xf32, #tpu.memory_space<any>> -> memref<10112xf32, #tpu.memory_space<any>>
    tpu.wait_dma2 semaphore(%arg13 : memref<!tpu.dma_semaphore, #tpu.memory_space<semaphore_mem>>) src(%dma_wait3A_1118 : memref<10112xf32, #tpu.memory_space<any>>) dst(%dma_wait3A_1116 : memref<10112xf32, #tpu.memory_space<vmem>>)
    %dma_wait3A_1119 = arith.constant 26 : i32
    %dma_wait3A_1120 = arith.constant 0 : i32
    %dma_wait3A_1121 = tpu.memref_slice %arg11[%dma_wait3A_1119, %dma_wait3A_1120] : memref<64x10112xf32, #tpu.memory_space<vmem>> -> memref<1x10112xf32, #tpu.memory_space<vmem>>
    %dma_wait3A_1122 = tpu.memref_squeeze %dma_wait3A_1121 : memref<1x10112xf32, #tpu.memory_space<vmem>> -> memref<10112xf32, #tpu.memory_space<vmem>>
    %dma_wait3A_1123 = arith.constant 273024 : i32
    %dma_wait3A_1124 = tpu.memref_slice %arg0[%dma_wait3A_1123] : memref<1314816xf32, #tpu.memory_space<any>> -> memref<10112xf32, #tpu.memory_space<any>>
    tpu.wait_dma2 semaphore(%arg13 : memref<!tpu.dma_semaphore, #tpu.memory_space<semaphore_mem>>) src(%dma_wait3A_1124 : memref<10112xf32, #tpu.memory_space<any>>) dst(%dma_wait3A_1122 : memref<10112xf32, #tpu.memory_space<vmem>>)
    %dma_wait3A_1125 = arith.constant 26 : i32
    %dma_wait3A_1126 = arith.constant 0 : i32
    %dma_wait3A_1127 = tpu.memref_slice %arg12[%dma_wait3A_1125, %dma_wait3A_1126] : memref<64x10112xf32, #tpu.memory_space<vmem>> -> memref<1x10112xf32, #tpu.memory_space<vmem>>
    %dma_wait3A_1128 = tpu.memref_squeeze %dma_wait3A_1127 : memref<1x10112xf32, #tpu.memory_space<vmem>> -> memref<10112xf32, #tpu.memory_space<vmem>>
    %dma_wait3A_1129 = arith.constant 930432 : i32
    %dma_wait3A_1130 = tpu.memref_slice %arg0[%dma_wait3A_1129] : memref<1314816xf32, #tpu.memory_space<any>> -> memref<10112xf32, #tpu.memory_space<any>>
    tpu.wait_dma2 semaphore(%arg13 : memref<!tpu.dma_semaphore, #tpu.memory_space<semaphore_mem>>) src(%dma_wait3A_1130 : memref<10112xf32, #tpu.memory_space<any>>) dst(%dma_wait3A_1128 : memref<10112xf32, #tpu.memory_space<vmem>>)
    %dma_wait3A_1131 = arith.constant 27 : i32
    %dma_wait3A_1132 = arith.constant 0 : i32
    %dma_wait3A_1133 = tpu.memref_slice %arg11[%dma_wait3A_1131, %dma_wait3A_1132] : memref<64x10112xf32, #tpu.memory_space<vmem>> -> memref<1x10112xf32, #tpu.memory_space<vmem>>
    %dma_wait3A_1134 = tpu.memref_squeeze %dma_wait3A_1133 : memref<1x10112xf32, #tpu.memory_space<vmem>> -> memref<10112xf32, #tpu.memory_space<vmem>>
    %dma_wait3A_1135 = arith.constant 283136 : i32
    %dma_wait3A_1136 = tpu.memref_slice %arg0[%dma_wait3A_1135] : memref<1314816xf32, #tpu.memory_space<any>> -> memref<10112xf32, #tpu.memory_space<any>>
    tpu.wait_dma2 semaphore(%arg13 : memref<!tpu.dma_semaphore, #tpu.memory_space<semaphore_mem>>) src(%dma_wait3A_1136 : memref<10112xf32, #tpu.memory_space<any>>) dst(%dma_wait3A_1134 : memref<10112xf32, #tpu.memory_space<vmem>>)
    %dma_wait3A_1137 = arith.constant 27 : i32
    %dma_wait3A_1138 = arith.constant 0 : i32
    %dma_wait3A_1139 = tpu.memref_slice %arg12[%dma_wait3A_1137, %dma_wait3A_1138] : memref<64x10112xf32, #tpu.memory_space<vmem>> -> memref<1x10112xf32, #tpu.memory_space<vmem>>
    %dma_wait3A_1140 = tpu.memref_squeeze %dma_wait3A_1139 : memref<1x10112xf32, #tpu.memory_space<vmem>> -> memref<10112xf32, #tpu.memory_space<vmem>>
    %dma_wait3A_1141 = arith.constant 940544 : i32
    %dma_wait3A_1142 = tpu.memref_slice %arg0[%dma_wait3A_1141] : memref<1314816xf32, #tpu.memory_space<any>> -> memref<10112xf32, #tpu.memory_space<any>>
    tpu.wait_dma2 semaphore(%arg13 : memref<!tpu.dma_semaphore, #tpu.memory_space<semaphore_mem>>) src(%dma_wait3A_1142 : memref<10112xf32, #tpu.memory_space<any>>) dst(%dma_wait3A_1140 : memref<10112xf32, #tpu.memory_space<vmem>>)
    %dma_wait3A_1143 = arith.constant 28 : i32
    %dma_wait3A_1144 = arith.constant 0 : i32
    %dma_wait3A_1145 = tpu.memref_slice %arg11[%dma_wait3A_1143, %dma_wait3A_1144] : memref<64x10112xf32, #tpu.memory_space<vmem>> -> memref<1x10112xf32, #tpu.memory_space<vmem>>
    %dma_wait3A_1146 = tpu.memref_squeeze %dma_wait3A_1145 : memref<1x10112xf32, #tpu.memory_space<vmem>> -> memref<10112xf32, #tpu.memory_space<vmem>>
    %dma_wait3A_1147 = arith.constant 293248 : i32
    %dma_wait3A_1148 = tpu.memref_slice %arg0[%dma_wait3A_1147] : memref<1314816xf32, #tpu.memory_space<any>> -> memref<10112xf32, #tpu.memory_space<any>>
    tpu.wait_dma2 semaphore(%arg13 : memref<!tpu.dma_semaphore, #tpu.memory_space<semaphore_mem>>) src(%dma_wait3A_1148 : memref<10112xf32, #tpu.memory_space<any>>) dst(%dma_wait3A_1146 : memref<10112xf32, #tpu.memory_space<vmem>>)
    %dma_wait3A_1149 = arith.constant 28 : i32
    %dma_wait3A_1150 = arith.constant 0 : i32
    %dma_wait3A_1151 = tpu.memref_slice %arg12[%dma_wait3A_1149, %dma_wait3A_1150] : memref<64x10112xf32, #tpu.memory_space<vmem>> -> memref<1x10112xf32, #tpu.memory_space<vmem>>
    %dma_wait3A_1152 = tpu.memref_squeeze %dma_wait3A_1151 : memref<1x10112xf32, #tpu.memory_space<vmem>> -> memref<10112xf32, #tpu.memory_space<vmem>>
    %dma_wait3A_1153 = arith.constant 950656 : i32
    %dma_wait3A_1154 = tpu.memref_slice %arg0[%dma_wait3A_1153] : memref<1314816xf32, #tpu.memory_space<any>> -> memref<10112xf32, #tpu.memory_space<any>>
    tpu.wait_dma2 semaphore(%arg13 : memref<!tpu.dma_semaphore, #tpu.memory_space<semaphore_mem>>) src(%dma_wait3A_1154 : memref<10112xf32, #tpu.memory_space<any>>) dst(%dma_wait3A_1152 : memref<10112xf32, #tpu.memory_space<vmem>>)
    %dma_wait3A_1155 = arith.constant 29 : i32
    %dma_wait3A_1156 = arith.constant 0 : i32
    %dma_wait3A_1157 = tpu.memref_slice %arg11[%dma_wait3A_1155, %dma_wait3A_1156] : memref<64x10112xf32, #tpu.memory_space<vmem>> -> memref<1x10112xf32, #tpu.memory_space<vmem>>
    %dma_wait3A_1158 = tpu.memref_squeeze %dma_wait3A_1157 : memref<1x10112xf32, #tpu.memory_space<vmem>> -> memref<10112xf32, #tpu.memory_space<vmem>>
    %dma_wait3A_1159 = arith.constant 303360 : i32
    %dma_wait3A_1160 = tpu.memref_slice %arg0[%dma_wait3A_1159] : memref<1314816xf32, #tpu.memory_space<any>> -> memref<10112xf32, #tpu.memory_space<any>>
    tpu.wait_dma2 semaphore(%arg13 : memref<!tpu.dma_semaphore, #tpu.memory_space<semaphore_mem>>) src(%dma_wait3A_1160 : memref<10112xf32, #tpu.memory_space<any>>) dst(%dma_wait3A_1158 : memref<10112xf32, #tpu.memory_space<vmem>>)
    %dma_wait3A_1161 = arith.constant 29 : i32
    %dma_wait3A_1162 = arith.constant 0 : i32
    %dma_wait3A_1163 = tpu.memref_slice %arg12[%dma_wait3A_1161, %dma_wait3A_1162] : memref<64x10112xf32, #tpu.memory_space<vmem>> -> memref<1x10112xf32, #tpu.memory_space<vmem>>
    %dma_wait3A_1164 = tpu.memref_squeeze %dma_wait3A_1163 : memref<1x10112xf32, #tpu.memory_space<vmem>> -> memref<10112xf32, #tpu.memory_space<vmem>>
    %dma_wait3A_1165 = arith.constant 960768 : i32
    %dma_wait3A_1166 = tpu.memref_slice %arg0[%dma_wait3A_1165] : memref<1314816xf32, #tpu.memory_space<any>> -> memref<10112xf32, #tpu.memory_space<any>>
    tpu.wait_dma2 semaphore(%arg13 : memref<!tpu.dma_semaphore, #tpu.memory_space<semaphore_mem>>) src(%dma_wait3A_1166 : memref<10112xf32, #tpu.memory_space<any>>) dst(%dma_wait3A_1164 : memref<10112xf32, #tpu.memory_space<vmem>>)
    %dma_wait3A_1167 = arith.constant 30 : i32
    %dma_wait3A_1168 = arith.constant 0 : i32
    %dma_wait3A_1169 = tpu.memref_slice %arg11[%dma_wait3A_1167, %dma_wait3A_1168] : memref<64x10112xf32, #tpu.memory_space<vmem>> -> memref<1x10112xf32, #tpu.memory_space<vmem>>
    %dma_wait3A_1170 = tpu.memref_squeeze %dma_wait3A_1169 : memref<1x10112xf32, #tpu.memory_space<vmem>> -> memref<10112xf32, #tpu.memory_space<vmem>>
    %dma_wait3A_1171 = arith.constant 313472 : i32
    %dma_wait3A_1172 = tpu.memref_slice %arg0[%dma_wait3A_1171] : memref<1314816xf32, #tpu.memory_space<any>> -> memref<10112xf32, #tpu.memory_space<any>>
    tpu.wait_dma2 semaphore(%arg13 : memref<!tpu.dma_semaphore, #tpu.memory_space<semaphore_mem>>) src(%dma_wait3A_1172 : memref<10112xf32, #tpu.memory_space<any>>) dst(%dma_wait3A_1170 : memref<10112xf32, #tpu.memory_space<vmem>>)
    %dma_wait3A_1173 = arith.constant 30 : i32
    %dma_wait3A_1174 = arith.constant 0 : i32
    %dma_wait3A_1175 = tpu.memref_slice %arg12[%dma_wait3A_1173, %dma_wait3A_1174] : memref<64x10112xf32, #tpu.memory_space<vmem>> -> memref<1x10112xf32, #tpu.memory_space<vmem>>
    %dma_wait3A_1176 = tpu.memref_squeeze %dma_wait3A_1175 : memref<1x10112xf32, #tpu.memory_space<vmem>> -> memref<10112xf32, #tpu.memory_space<vmem>>
    %dma_wait3A_1177 = arith.constant 970880 : i32
    %dma_wait3A_1178 = tpu.memref_slice %arg0[%dma_wait3A_1177] : memref<1314816xf32, #tpu.memory_space<any>> -> memref<10112xf32, #tpu.memory_space<any>>
    tpu.wait_dma2 semaphore(%arg13 : memref<!tpu.dma_semaphore, #tpu.memory_space<semaphore_mem>>) src(%dma_wait3A_1178 : memref<10112xf32, #tpu.memory_space<any>>) dst(%dma_wait3A_1176 : memref<10112xf32, #tpu.memory_space<vmem>>)
    %dma_wait3A_1179 = arith.constant 31 : i32
    %dma_wait3A_1180 = arith.constant 0 : i32
    %dma_wait3A_1181 = tpu.memref_slice %arg11[%dma_wait3A_1179, %dma_wait3A_1180] : memref<64x10112xf32, #tpu.memory_space<vmem>> -> memref<1x10112xf32, #tpu.memory_space<vmem>>
    %dma_wait3A_1182 = tpu.memref_squeeze %dma_wait3A_1181 : memref<1x10112xf32, #tpu.memory_space<vmem>> -> memref<10112xf32, #tpu.memory_space<vmem>>
    %dma_wait3A_1183 = arith.constant 323584 : i32
    %dma_wait3A_1184 = tpu.memref_slice %arg0[%dma_wait3A_1183] : memref<1314816xf32, #tpu.memory_space<any>> -> memref<10112xf32, #tpu.memory_space<any>>
    tpu.wait_dma2 semaphore(%arg13 : memref<!tpu.dma_semaphore, #tpu.memory_space<semaphore_mem>>) src(%dma_wait3A_1184 : memref<10112xf32, #tpu.memory_space<any>>) dst(%dma_wait3A_1182 : memref<10112xf32, #tpu.memory_space<vmem>>)
    %dma_wait3A_1185 = arith.constant 31 : i32
    %dma_wait3A_1186 = arith.constant 0 : i32
    %dma_wait3A_1187 = tpu.memref_slice %arg12[%dma_wait3A_1185, %dma_wait3A_1186] : memref<64x10112xf32, #tpu.memory_space<vmem>> -> memref<1x10112xf32, #tpu.memory_space<vmem>>
    %dma_wait3A_1188 = tpu.memref_squeeze %dma_wait3A_1187 : memref<1x10112xf32, #tpu.memory_space<vmem>> -> memref<10112xf32, #tpu.memory_space<vmem>>
    %dma_wait3A_1189 = arith.constant 980992 : i32
    %dma_wait3A_1190 = tpu.memref_slice %arg0[%dma_wait3A_1189] : memref<1314816xf32, #tpu.memory_space<any>> -> memref<10112xf32, #tpu.memory_space<any>>
    tpu.wait_dma2 semaphore(%arg13 : memref<!tpu.dma_semaphore, #tpu.memory_space<semaphore_mem>>) src(%dma_wait3A_1190 : memref<10112xf32, #tpu.memory_space<any>>) dst(%dma_wait3A_1188 : memref<10112xf32, #tpu.memory_space<vmem>>)
    %dma_wait3A_1191 = arith.constant 32 : i32
    %dma_wait3A_1192 = arith.constant 0 : i32
    %dma_wait3A_1193 = tpu.memref_slice %arg11[%dma_wait3A_1191, %dma_wait3A_1192] : memref<64x10112xf32, #tpu.memory_space<vmem>> -> memref<1x10112xf32, #tpu.memory_space<vmem>>
    %dma_wait3A_1194 = tpu.memref_squeeze %dma_wait3A_1193 : memref<1x10112xf32, #tpu.memory_space<vmem>> -> memref<10112xf32, #tpu.memory_space<vmem>>
    %dma_wait3A_1195 = arith.constant 333696 : i32
    %dma_wait3A_1196 = tpu.memref_slice %arg0[%dma_wait3A_1195] : memref<1314816xf32, #tpu.memory_space<any>> -> memref<10112xf32, #tpu.memory_space<any>>
    tpu.wait_dma2 semaphore(%arg13 : memref<!tpu.dma_semaphore, #tpu.memory_space<semaphore_mem>>) src(%dma_wait3A_1196 : memref<10112xf32, #tpu.memory_space<any>>) dst(%dma_wait3A_1194 : memref<10112xf32, #tpu.memory_space<vmem>>)
    %dma_wait3A_1197 = arith.constant 32 : i32
    %dma_wait3A_1198 = arith.constant 0 : i32
    %dma_wait3A_1199 = tpu.memref_slice %arg12[%dma_wait3A_1197, %dma_wait3A_1198] : memref<64x10112xf32, #tpu.memory_space<vmem>> -> memref<1x10112xf32, #tpu.memory_space<vmem>>
    %dma_wait3A_1200 = tpu.memref_squeeze %dma_wait3A_1199 : memref<1x10112xf32, #tpu.memory_space<vmem>> -> memref<10112xf32, #tpu.memory_space<vmem>>
    %dma_wait3A_1201 = arith.constant 991104 : i32
    %dma_wait3A_1202 = tpu.memref_slice %arg0[%dma_wait3A_1201] : memref<1314816xf32, #tpu.memory_space<any>> -> memref<10112xf32, #tpu.memory_space<any>>
    tpu.wait_dma2 semaphore(%arg13 : memref<!tpu.dma_semaphore, #tpu.memory_space<semaphore_mem>>) src(%dma_wait3A_1202 : memref<10112xf32, #tpu.memory_space<any>>) dst(%dma_wait3A_1200 : memref<10112xf32, #tpu.memory_space<vmem>>)
    %dma_wait3A_1203 = arith.constant 33 : i32
    %dma_wait3A_1204 = arith.constant 0 : i32
    %dma_wait3A_1205 = tpu.memref_slice %arg11[%dma_wait3A_1203, %dma_wait3A_1204] : memref<64x10112xf32, #tpu.memory_space<vmem>> -> memref<1x10112xf32, #tpu.memory_space<vmem>>
    %dma_wait3A_1206 = tpu.memref_squeeze %dma_wait3A_1205 : memref<1x10112xf32, #tpu.memory_space<vmem>> -> memref<10112xf32, #tpu.memory_space<vmem>>
    %dma_wait3A_1207 = arith.constant 343808 : i32
    %dma_wait3A_1208 = tpu.memref_slice %arg0[%dma_wait3A_1207] : memref<1314816xf32, #tpu.memory_space<any>> -> memref<10112xf32, #tpu.memory_space<any>>
    tpu.wait_dma2 semaphore(%arg13 : memref<!tpu.dma_semaphore, #tpu.memory_space<semaphore_mem>>) src(%dma_wait3A_1208 : memref<10112xf32, #tpu.memory_space<any>>) dst(%dma_wait3A_1206 : memref<10112xf32, #tpu.memory_space<vmem>>)
    %dma_wait3A_1209 = arith.constant 33 : i32
    %dma_wait3A_1210 = arith.constant 0 : i32
    %dma_wait3A_1211 = tpu.memref_slice %arg12[%dma_wait3A_1209, %dma_wait3A_1210] : memref<64x10112xf32, #tpu.memory_space<vmem>> -> memref<1x10112xf32, #tpu.memory_space<vmem>>
    %dma_wait3A_1212 = tpu.memref_squeeze %dma_wait3A_1211 : memref<1x10112xf32, #tpu.memory_space<vmem>> -> memref<10112xf32, #tpu.memory_space<vmem>>
    %dma_wait3A_1213 = arith.constant 1001216 : i32
    %dma_wait3A_1214 = tpu.memref_slice %arg0[%dma_wait3A_1213] : memref<1314816xf32, #tpu.memory_space<any>> -> memref<10112xf32, #tpu.memory_space<any>>
    tpu.wait_dma2 semaphore(%arg13 : memref<!tpu.dma_semaphore, #tpu.memory_space<semaphore_mem>>) src(%dma_wait3A_1214 : memref<10112xf32, #tpu.memory_space<any>>) dst(%dma_wait3A_1212 : memref<10112xf32, #tpu.memory_space<vmem>>)
    %dma_wait3A_1215 = arith.constant 34 : i32
    %dma_wait3A_1216 = arith.constant 0 : i32
    %dma_wait3A_1217 = tpu.memref_slice %arg11[%dma_wait3A_1215, %dma_wait3A_1216] : memref<64x10112xf32, #tpu.memory_space<vmem>> -> memref<1x10112xf32, #tpu.memory_space<vmem>>
    %dma_wait3A_1218 = tpu.memref_squeeze %dma_wait3A_1217 : memref<1x10112xf32, #tpu.memory_space<vmem>> -> memref<10112xf32, #tpu.memory_space<vmem>>
    %dma_wait3A_1219 = arith.constant 353920 : i32
    %dma_wait3A_1220 = tpu.memref_slice %arg0[%dma_wait3A_1219] : memref<1314816xf32, #tpu.memory_space<any>> -> memref<10112xf32, #tpu.memory_space<any>>
    tpu.wait_dma2 semaphore(%arg13 : memref<!tpu.dma_semaphore, #tpu.memory_space<semaphore_mem>>) src(%dma_wait3A_1220 : memref<10112xf32, #tpu.memory_space<any>>) dst(%dma_wait3A_1218 : memref<10112xf32, #tpu.memory_space<vmem>>)
    %dma_wait3A_1221 = arith.constant 34 : i32
    %dma_wait3A_1222 = arith.constant 0 : i32
    %dma_wait3A_1223 = tpu.memref_slice %arg12[%dma_wait3A_1221, %dma_wait3A_1222] : memref<64x10112xf32, #tpu.memory_space<vmem>> -> memref<1x10112xf32, #tpu.memory_space<vmem>>
    %dma_wait3A_1224 = tpu.memref_squeeze %dma_wait3A_1223 : memref<1x10112xf32, #tpu.memory_space<vmem>> -> memref<10112xf32, #tpu.memory_space<vmem>>
    %dma_wait3A_1225 = arith.constant 1011328 : i32
    %dma_wait3A_1226 = tpu.memref_slice %arg0[%dma_wait3A_1225] : memref<1314816xf32, #tpu.memory_space<any>> -> memref<10112xf32, #tpu.memory_space<any>>
    tpu.wait_dma2 semaphore(%arg13 : memref<!tpu.dma_semaphore, #tpu.memory_space<semaphore_mem>>) src(%dma_wait3A_1226 : memref<10112xf32, #tpu.memory_space<any>>) dst(%dma_wait3A_1224 : memref<10112xf32, #tpu.memory_space<vmem>>)
    %dma_wait3A_1227 = arith.constant 35 : i32
    %dma_wait3A_1228 = arith.constant 0 : i32
    %dma_wait3A_1229 = tpu.memref_slice %arg11[%dma_wait3A_1227, %dma_wait3A_1228] : memref<64x10112xf32, #tpu.memory_space<vmem>> -> memref<1x10112xf32, #tpu.memory_space<vmem>>
    %dma_wait3A_1230 = tpu.memref_squeeze %dma_wait3A_1229 : memref<1x10112xf32, #tpu.memory_space<vmem>> -> memref<10112xf32, #tpu.memory_space<vmem>>
    %dma_wait3A_1231 = arith.constant 364032 : i32
    %dma_wait3A_1232 = tpu.memref_slice %arg0[%dma_wait3A_1231] : memref<1314816xf32, #tpu.memory_space<any>> -> memref<10112xf32, #tpu.memory_space<any>>
    tpu.wait_dma2 semaphore(%arg13 : memref<!tpu.dma_semaphore, #tpu.memory_space<semaphore_mem>>) src(%dma_wait3A_1232 : memref<10112xf32, #tpu.memory_space<any>>) dst(%dma_wait3A_1230 : memref<10112xf32, #tpu.memory_space<vmem>>)
    %dma_wait3A_1233 = arith.constant 35 : i32
    %dma_wait3A_1234 = arith.constant 0 : i32
    %dma_wait3A_1235 = tpu.memref_slice %arg12[%dma_wait3A_1233, %dma_wait3A_1234] : memref<64x10112xf32, #tpu.memory_space<vmem>> -> memref<1x10112xf32, #tpu.memory_space<vmem>>
    %dma_wait3A_1236 = tpu.memref_squeeze %dma_wait3A_1235 : memref<1x10112xf32, #tpu.memory_space<vmem>> -> memref<10112xf32, #tpu.memory_space<vmem>>
    %dma_wait3A_1237 = arith.constant 1021440 : i32
    %dma_wait3A_1238 = tpu.memref_slice %arg0[%dma_wait3A_1237] : memref<1314816xf32, #tpu.memory_space<any>> -> memref<10112xf32, #tpu.memory_space<any>>
    tpu.wait_dma2 semaphore(%arg13 : memref<!tpu.dma_semaphore, #tpu.memory_space<semaphore_mem>>) src(%dma_wait3A_1238 : memref<10112xf32, #tpu.memory_space<any>>) dst(%dma_wait3A_1236 : memref<10112xf32, #tpu.memory_space<vmem>>)
    %dma_wait3A_1239 = arith.constant 36 : i32
    %dma_wait3A_1240 = arith.constant 0 : i32
    %dma_wait3A_1241 = tpu.memref_slice %arg11[%dma_wait3A_1239, %dma_wait3A_1240] : memref<64x10112xf32, #tpu.memory_space<vmem>> -> memref<1x10112xf32, #tpu.memory_space<vmem>>
    %dma_wait3A_1242 = tpu.memref_squeeze %dma_wait3A_1241 : memref<1x10112xf32, #tpu.memory_space<vmem>> -> memref<10112xf32, #tpu.memory_space<vmem>>
    %dma_wait3A_1243 = arith.constant 374144 : i32
    %dma_wait3A_1244 = tpu.memref_slice %arg0[%dma_wait3A_1243] : memref<1314816xf32, #tpu.memory_space<any>> -> memref<10112xf32, #tpu.memory_space<any>>
    tpu.wait_dma2 semaphore(%arg13 : memref<!tpu.dma_semaphore, #tpu.memory_space<semaphore_mem>>) src(%dma_wait3A_1244 : memref<10112xf32, #tpu.memory_space<any>>) dst(%dma_wait3A_1242 : memref<10112xf32, #tpu.memory_space<vmem>>)
    %dma_wait3A_1245 = arith.constant 36 : i32
    %dma_wait3A_1246 = arith.constant 0 : i32
    %dma_wait3A_1247 = tpu.memref_slice %arg12[%dma_wait3A_1245, %dma_wait3A_1246] : memref<64x10112xf32, #tpu.memory_space<vmem>> -> memref<1x10112xf32, #tpu.memory_space<vmem>>
    %dma_wait3A_1248 = tpu.memref_squeeze %dma_wait3A_1247 : memref<1x10112xf32, #tpu.memory_space<vmem>> -> memref<10112xf32, #tpu.memory_space<vmem>>
    %dma_wait3A_1249 = arith.constant 1031552 : i32
    %dma_wait3A_1250 = tpu.memref_slice %arg0[%dma_wait3A_1249] : memref<1314816xf32, #tpu.memory_space<any>> -> memref<10112xf32, #tpu.memory_space<any>>
    tpu.wait_dma2 semaphore(%arg13 : memref<!tpu.dma_semaphore, #tpu.memory_space<semaphore_mem>>) src(%dma_wait3A_1250 : memref<10112xf32, #tpu.memory_space<any>>) dst(%dma_wait3A_1248 : memref<10112xf32, #tpu.memory_space<vmem>>)
    %dma_wait3A_1251 = arith.constant 37 : i32
    %dma_wait3A_1252 = arith.constant 0 : i32
    %dma_wait3A_1253 = tpu.memref_slice %arg11[%dma_wait3A_1251, %dma_wait3A_1252] : memref<64x10112xf32, #tpu.memory_space<vmem>> -> memref<1x10112xf32, #tpu.memory_space<vmem>>
    %dma_wait3A_1254 = tpu.memref_squeeze %dma_wait3A_1253 : memref<1x10112xf32, #tpu.memory_space<vmem>> -> memref<10112xf32, #tpu.memory_space<vmem>>
    %dma_wait3A_1255 = arith.constant 384256 : i32
    %dma_wait3A_1256 = tpu.memref_slice %arg0[%dma_wait3A_1255] : memref<1314816xf32, #tpu.memory_space<any>> -> memref<10112xf32, #tpu.memory_space<any>>
    tpu.wait_dma2 semaphore(%arg13 : memref<!tpu.dma_semaphore, #tpu.memory_space<semaphore_mem>>) src(%dma_wait3A_1256 : memref<10112xf32, #tpu.memory_space<any>>) dst(%dma_wait3A_1254 : memref<10112xf32, #tpu.memory_space<vmem>>)
    %dma_wait3A_1257 = arith.constant 37 : i32
    %dma_wait3A_1258 = arith.constant 0 : i32
    %dma_wait3A_1259 = tpu.memref_slice %arg12[%dma_wait3A_1257, %dma_wait3A_1258] : memref<64x10112xf32, #tpu.memory_space<vmem>> -> memref<1x10112xf32, #tpu.memory_space<vmem>>
    %dma_wait3A_1260 = tpu.memref_squeeze %dma_wait3A_1259 : memref<1x10112xf32, #tpu.memory_space<vmem>> -> memref<10112xf32, #tpu.memory_space<vmem>>
    %dma_wait3A_1261 = arith.constant 1041664 : i32
    %dma_wait3A_1262 = tpu.memref_slice %arg0[%dma_wait3A_1261] : memref<1314816xf32, #tpu.memory_space<any>> -> memref<10112xf32, #tpu.memory_space<any>>
    tpu.wait_dma2 semaphore(%arg13 : memref<!tpu.dma_semaphore, #tpu.memory_space<semaphore_mem>>) src(%dma_wait3A_1262 : memref<10112xf32, #tpu.memory_space<any>>) dst(%dma_wait3A_1260 : memref<10112xf32, #tpu.memory_space<vmem>>)
    %dma_wait3A_1263 = arith.constant 38 : i32
    %dma_wait3A_1264 = arith.constant 0 : i32
    %dma_wait3A_1265 = tpu.memref_slice %arg11[%dma_wait3A_1263, %dma_wait3A_1264] : memref<64x10112xf32, #tpu.memory_space<vmem>> -> memref<1x10112xf32, #tpu.memory_space<vmem>>
    %dma_wait3A_1266 = tpu.memref_squeeze %dma_wait3A_1265 : memref<1x10112xf32, #tpu.memory_space<vmem>> -> memref<10112xf32, #tpu.memory_space<vmem>>
    %dma_wait3A_1267 = arith.constant 394368 : i32
    %dma_wait3A_1268 = tpu.memref_slice %arg0[%dma_wait3A_1267] : memref<1314816xf32, #tpu.memory_space<any>> -> memref<10112xf32, #tpu.memory_space<any>>
    tpu.wait_dma2 semaphore(%arg13 : memref<!tpu.dma_semaphore, #tpu.memory_space<semaphore_mem>>) src(%dma_wait3A_1268 : memref<10112xf32, #tpu.memory_space<any>>) dst(%dma_wait3A_1266 : memref<10112xf32, #tpu.memory_space<vmem>>)
    %dma_wait3A_1269 = arith.constant 38 : i32
    %dma_wait3A_1270 = arith.constant 0 : i32
    %dma_wait3A_1271 = tpu.memref_slice %arg12[%dma_wait3A_1269, %dma_wait3A_1270] : memref<64x10112xf32, #tpu.memory_space<vmem>> -> memref<1x10112xf32, #tpu.memory_space<vmem>>
    %dma_wait3A_1272 = tpu.memref_squeeze %dma_wait3A_1271 : memref<1x10112xf32, #tpu.memory_space<vmem>> -> memref<10112xf32, #tpu.memory_space<vmem>>
    %dma_wait3A_1273 = arith.constant 1051776 : i32
    %dma_wait3A_1274 = tpu.memref_slice %arg0[%dma_wait3A_1273] : memref<1314816xf32, #tpu.memory_space<any>> -> memref<10112xf32, #tpu.memory_space<any>>
    tpu.wait_dma2 semaphore(%arg13 : memref<!tpu.dma_semaphore, #tpu.memory_space<semaphore_mem>>) src(%dma_wait3A_1274 : memref<10112xf32, #tpu.memory_space<any>>) dst(%dma_wait3A_1272 : memref<10112xf32, #tpu.memory_space<vmem>>)
    %dma_wait3A_1275 = arith.constant 39 : i32
    %dma_wait3A_1276 = arith.constant 0 : i32
    %dma_wait3A_1277 = tpu.memref_slice %arg11[%dma_wait3A_1275, %dma_wait3A_1276] : memref<64x10112xf32, #tpu.memory_space<vmem>> -> memref<1x10112xf32, #tpu.memory_space<vmem>>
    %dma_wait3A_1278 = tpu.memref_squeeze %dma_wait3A_1277 : memref<1x10112xf32, #tpu.memory_space<vmem>> -> memref<10112xf32, #tpu.memory_space<vmem>>
    %dma_wait3A_1279 = arith.constant 404480 : i32
    %dma_wait3A_1280 = tpu.memref_slice %arg0[%dma_wait3A_1279] : memref<1314816xf32, #tpu.memory_space<any>> -> memref<10112xf32, #tpu.memory_space<any>>
    tpu.wait_dma2 semaphore(%arg13 : memref<!tpu.dma_semaphore, #tpu.memory_space<semaphore_mem>>) src(%dma_wait3A_1280 : memref<10112xf32, #tpu.memory_space<any>>) dst(%dma_wait3A_1278 : memref<10112xf32, #tpu.memory_space<vmem>>)
    %dma_wait3A_1281 = arith.constant 39 : i32
    %dma_wait3A_1282 = arith.constant 0 : i32
    %dma_wait3A_1283 = tpu.memref_slice %arg12[%dma_wait3A_1281, %dma_wait3A_1282] : memref<64x10112xf32, #tpu.memory_space<vmem>> -> memref<1x10112xf32, #tpu.memory_space<vmem>>
    %dma_wait3A_1284 = tpu.memref_squeeze %dma_wait3A_1283 : memref<1x10112xf32, #tpu.memory_space<vmem>> -> memref<10112xf32, #tpu.memory_space<vmem>>
    %dma_wait3A_1285 = arith.constant 1061888 : i32
    %dma_wait3A_1286 = tpu.memref_slice %arg0[%dma_wait3A_1285] : memref<1314816xf32, #tpu.memory_space<any>> -> memref<10112xf32, #tpu.memory_space<any>>
    tpu.wait_dma2 semaphore(%arg13 : memref<!tpu.dma_semaphore, #tpu.memory_space<semaphore_mem>>) src(%dma_wait3A_1286 : memref<10112xf32, #tpu.memory_space<any>>) dst(%dma_wait3A_1284 : memref<10112xf32, #tpu.memory_space<vmem>>)
    %dma_wait3A_1287 = arith.constant 40 : i32
    %dma_wait3A_1288 = arith.constant 0 : i32
    %dma_wait3A_1289 = tpu.memref_slice %arg11[%dma_wait3A_1287, %dma_wait3A_1288] : memref<64x10112xf32, #tpu.memory_space<vmem>> -> memref<1x10112xf32, #tpu.memory_space<vmem>>
    %dma_wait3A_1290 = tpu.memref_squeeze %dma_wait3A_1289 : memref<1x10112xf32, #tpu.memory_space<vmem>> -> memref<10112xf32, #tpu.memory_space<vmem>>
    %dma_wait3A_1291 = arith.constant 414592 : i32
    %dma_wait3A_1292 = tpu.memref_slice %arg0[%dma_wait3A_1291] : memref<1314816xf32, #tpu.memory_space<any>> -> memref<10112xf32, #tpu.memory_space<any>>
    tpu.wait_dma2 semaphore(%arg13 : memref<!tpu.dma_semaphore, #tpu.memory_space<semaphore_mem>>) src(%dma_wait3A_1292 : memref<10112xf32, #tpu.memory_space<any>>) dst(%dma_wait3A_1290 : memref<10112xf32, #tpu.memory_space<vmem>>)
    %dma_wait3A_1293 = arith.constant 40 : i32
    %dma_wait3A_1294 = arith.constant 0 : i32
    %dma_wait3A_1295 = tpu.memref_slice %arg12[%dma_wait3A_1293, %dma_wait3A_1294] : memref<64x10112xf32, #tpu.memory_space<vmem>> -> memref<1x10112xf32, #tpu.memory_space<vmem>>
    %dma_wait3A_1296 = tpu.memref_squeeze %dma_wait3A_1295 : memref<1x10112xf32, #tpu.memory_space<vmem>> -> memref<10112xf32, #tpu.memory_space<vmem>>
    %dma_wait3A_1297 = arith.constant 1072000 : i32
    %dma_wait3A_1298 = tpu.memref_slice %arg0[%dma_wait3A_1297] : memref<1314816xf32, #tpu.memory_space<any>> -> memref<10112xf32, #tpu.memory_space<any>>
    tpu.wait_dma2 semaphore(%arg13 : memref<!tpu.dma_semaphore, #tpu.memory_space<semaphore_mem>>) src(%dma_wait3A_1298 : memref<10112xf32, #tpu.memory_space<any>>) dst(%dma_wait3A_1296 : memref<10112xf32, #tpu.memory_space<vmem>>)
    %dma_wait3A_1299 = arith.constant 41 : i32
    %dma_wait3A_1300 = arith.constant 0 : i32
    %dma_wait3A_1301 = tpu.memref_slice %arg11[%dma_wait3A_1299, %dma_wait3A_1300] : memref<64x10112xf32, #tpu.memory_space<vmem>> -> memref<1x10112xf32, #tpu.memory_space<vmem>>
    %dma_wait3A_1302 = tpu.memref_squeeze %dma_wait3A_1301 : memref<1x10112xf32, #tpu.memory_space<vmem>> -> memref<10112xf32, #tpu.memory_space<vmem>>
    %dma_wait3A_1303 = arith.constant 424704 : i32
    %dma_wait3A_1304 = tpu.memref_slice %arg0[%dma_wait3A_1303] : memref<1314816xf32, #tpu.memory_space<any>> -> memref<10112xf32, #tpu.memory_space<any>>
    tpu.wait_dma2 semaphore(%arg13 : memref<!tpu.dma_semaphore, #tpu.memory_space<semaphore_mem>>) src(%dma_wait3A_1304 : memref<10112xf32, #tpu.memory_space<any>>) dst(%dma_wait3A_1302 : memref<10112xf32, #tpu.memory_space<vmem>>)
    %dma_wait3A_1305 = arith.constant 41 : i32
    %dma_wait3A_1306 = arith.constant 0 : i32
    %dma_wait3A_1307 = tpu.memref_slice %arg12[%dma_wait3A_1305, %dma_wait3A_1306] : memref<64x10112xf32, #tpu.memory_space<vmem>> -> memref<1x10112xf32, #tpu.memory_space<vmem>>
    %dma_wait3A_1308 = tpu.memref_squeeze %dma_wait3A_1307 : memref<1x10112xf32, #tpu.memory_space<vmem>> -> memref<10112xf32, #tpu.memory_space<vmem>>
    %dma_wait3A_1309 = arith.constant 1082112 : i32
    %dma_wait3A_1310 = tpu.memref_slice %arg0[%dma_wait3A_1309] : memref<1314816xf32, #tpu.memory_space<any>> -> memref<10112xf32, #tpu.memory_space<any>>
    tpu.wait_dma2 semaphore(%arg13 : memref<!tpu.dma_semaphore, #tpu.memory_space<semaphore_mem>>) src(%dma_wait3A_1310 : memref<10112xf32, #tpu.memory_space<any>>) dst(%dma_wait3A_1308 : memref<10112xf32, #tpu.memory_space<vmem>>)
    %dma_wait3A_1311 = arith.constant 42 : i32
    %dma_wait3A_1312 = arith.constant 0 : i32
    %dma_wait3A_1313 = tpu.memref_slice %arg11[%dma_wait3A_1311, %dma_wait3A_1312] : memref<64x10112xf32, #tpu.memory_space<vmem>> -> memref<1x10112xf32, #tpu.memory_space<vmem>>
    %dma_wait3A_1314 = tpu.memref_squeeze %dma_wait3A_1313 : memref<1x10112xf32, #tpu.memory_space<vmem>> -> memref<10112xf32, #tpu.memory_space<vmem>>
    %dma_wait3A_1315 = arith.constant 434816 : i32
    %dma_wait3A_1316 = tpu.memref_slice %arg0[%dma_wait3A_1315] : memref<1314816xf32, #tpu.memory_space<any>> -> memref<10112xf32, #tpu.memory_space<any>>
    tpu.wait_dma2 semaphore(%arg13 : memref<!tpu.dma_semaphore, #tpu.memory_space<semaphore_mem>>) src(%dma_wait3A_1316 : memref<10112xf32, #tpu.memory_space<any>>) dst(%dma_wait3A_1314 : memref<10112xf32, #tpu.memory_space<vmem>>)
    %dma_wait3A_1317 = arith.constant 42 : i32
    %dma_wait3A_1318 = arith.constant 0 : i32
    %dma_wait3A_1319 = tpu.memref_slice %arg12[%dma_wait3A_1317, %dma_wait3A_1318] : memref<64x10112xf32, #tpu.memory_space<vmem>> -> memref<1x10112xf32, #tpu.memory_space<vmem>>
    %dma_wait3A_1320 = tpu.memref_squeeze %dma_wait3A_1319 : memref<1x10112xf32, #tpu.memory_space<vmem>> -> memref<10112xf32, #tpu.memory_space<vmem>>
    %dma_wait3A_1321 = arith.constant 1092224 : i32
    %dma_wait3A_1322 = tpu.memref_slice %arg0[%dma_wait3A_1321] : memref<1314816xf32, #tpu.memory_space<any>> -> memref<10112xf32, #tpu.memory_space<any>>
    tpu.wait_dma2 semaphore(%arg13 : memref<!tpu.dma_semaphore, #tpu.memory_space<semaphore_mem>>) src(%dma_wait3A_1322 : memref<10112xf32, #tpu.memory_space<any>>) dst(%dma_wait3A_1320 : memref<10112xf32, #tpu.memory_space<vmem>>)
    %dma_wait3A_1323 = arith.constant 43 : i32
    %dma_wait3A_1324 = arith.constant 0 : i32
    %dma_wait3A_1325 = tpu.memref_slice %arg11[%dma_wait3A_1323, %dma_wait3A_1324] : memref<64x10112xf32, #tpu.memory_space<vmem>> -> memref<1x10112xf32, #tpu.memory_space<vmem>>
    %dma_wait3A_1326 = tpu.memref_squeeze %dma_wait3A_1325 : memref<1x10112xf32, #tpu.memory_space<vmem>> -> memref<10112xf32, #tpu.memory_space<vmem>>
    %dma_wait3A_1327 = arith.constant 444928 : i32
    %dma_wait3A_1328 = tpu.memref_slice %arg0[%dma_wait3A_1327] : memref<1314816xf32, #tpu.memory_space<any>> -> memref<10112xf32, #tpu.memory_space<any>>
    tpu.wait_dma2 semaphore(%arg13 : memref<!tpu.dma_semaphore, #tpu.memory_space<semaphore_mem>>) src(%dma_wait3A_1328 : memref<10112xf32, #tpu.memory_space<any>>) dst(%dma_wait3A_1326 : memref<10112xf32, #tpu.memory_space<vmem>>)
    %dma_wait3A_1329 = arith.constant 43 : i32
    %dma_wait3A_1330 = arith.constant 0 : i32
    %dma_wait3A_1331 = tpu.memref_slice %arg12[%dma_wait3A_1329, %dma_wait3A_1330] : memref<64x10112xf32, #tpu.memory_space<vmem>> -> memref<1x10112xf32, #tpu.memory_space<vmem>>
    %dma_wait3A_1332 = tpu.memref_squeeze %dma_wait3A_1331 : memref<1x10112xf32, #tpu.memory_space<vmem>> -> memref<10112xf32, #tpu.memory_space<vmem>>
    %dma_wait3A_1333 = arith.constant 1102336 : i32
    %dma_wait3A_1334 = tpu.memref_slice %arg0[%dma_wait3A_1333] : memref<1314816xf32, #tpu.memory_space<any>> -> memref<10112xf32, #tpu.memory_space<any>>
    tpu.wait_dma2 semaphore(%arg13 : memref<!tpu.dma_semaphore, #tpu.memory_space<semaphore_mem>>) src(%dma_wait3A_1334 : memref<10112xf32, #tpu.memory_space<any>>) dst(%dma_wait3A_1332 : memref<10112xf32, #tpu.memory_space<vmem>>)
    %dma_wait3A_1335 = arith.constant 44 : i32
    %dma_wait3A_1336 = arith.constant 0 : i32
    %dma_wait3A_1337 = tpu.memref_slice %arg11[%dma_wait3A_1335, %dma_wait3A_1336] : memref<64x10112xf32, #tpu.memory_space<vmem>> -> memref<1x10112xf32, #tpu.memory_space<vmem>>
    %dma_wait3A_1338 = tpu.memref_squeeze %dma_wait3A_1337 : memref<1x10112xf32, #tpu.memory_space<vmem>> -> memref<10112xf32, #tpu.memory_space<vmem>>
    %dma_wait3A_1339 = arith.constant 455040 : i32
    %dma_wait3A_1340 = tpu.memref_slice %arg0[%dma_wait3A_1339] : memref<1314816xf32, #tpu.memory_space<any>> -> memref<10112xf32, #tpu.memory_space<any>>
    tpu.wait_dma2 semaphore(%arg13 : memref<!tpu.dma_semaphore, #tpu.memory_space<semaphore_mem>>) src(%dma_wait3A_1340 : memref<10112xf32, #tpu.memory_space<any>>) dst(%dma_wait3A_1338 : memref<10112xf32, #tpu.memory_space<vmem>>)
    %dma_wait3A_1341 = arith.constant 44 : i32
    %dma_wait3A_1342 = arith.constant 0 : i32
    %dma_wait3A_1343 = tpu.memref_slice %arg12[%dma_wait3A_1341, %dma_wait3A_1342] : memref<64x10112xf32, #tpu.memory_space<vmem>> -> memref<1x10112xf32, #tpu.memory_space<vmem>>
    %dma_wait3A_1344 = tpu.memref_squeeze %dma_wait3A_1343 : memref<1x10112xf32, #tpu.memory_space<vmem>> -> memref<10112xf32, #tpu.memory_space<vmem>>
    %dma_wait3A_1345 = arith.constant 1112448 : i32
    %dma_wait3A_1346 = tpu.memref_slice %arg0[%dma_wait3A_1345] : memref<1314816xf32, #tpu.memory_space<any>> -> memref<10112xf32, #tpu.memory_space<any>>
    tpu.wait_dma2 semaphore(%arg13 : memref<!tpu.dma_semaphore, #tpu.memory_space<semaphore_mem>>) src(%dma_wait3A_1346 : memref<10112xf32, #tpu.memory_space<any>>) dst(%dma_wait3A_1344 : memref<10112xf32, #tpu.memory_space<vmem>>)
    %dma_wait3A_1347 = arith.constant 45 : i32
    %dma_wait3A_1348 = arith.constant 0 : i32
    %dma_wait3A_1349 = tpu.memref_slice %arg11[%dma_wait3A_1347, %dma_wait3A_1348] : memref<64x10112xf32, #tpu.memory_space<vmem>> -> memref<1x10112xf32, #tpu.memory_space<vmem>>
    %dma_wait3A_1350 = tpu.memref_squeeze %dma_wait3A_1349 : memref<1x10112xf32, #tpu.memory_space<vmem>> -> memref<10112xf32, #tpu.memory_space<vmem>>
    %dma_wait3A_1351 = arith.constant 465152 : i32
    %dma_wait3A_1352 = tpu.memref_slice %arg0[%dma_wait3A_1351] : memref<1314816xf32, #tpu.memory_space<any>> -> memref<10112xf32, #tpu.memory_space<any>>
    tpu.wait_dma2 semaphore(%arg13 : memref<!tpu.dma_semaphore, #tpu.memory_space<semaphore_mem>>) src(%dma_wait3A_1352 : memref<10112xf32, #tpu.memory_space<any>>) dst(%dma_wait3A_1350 : memref<10112xf32, #tpu.memory_space<vmem>>)
    %dma_wait3A_1353 = arith.constant 45 : i32
    %dma_wait3A_1354 = arith.constant 0 : i32
    %dma_wait3A_1355 = tpu.memref_slice %arg12[%dma_wait3A_1353, %dma_wait3A_1354] : memref<64x10112xf32, #tpu.memory_space<vmem>> -> memref<1x10112xf32, #tpu.memory_space<vmem>>
    %dma_wait3A_1356 = tpu.memref_squeeze %dma_wait3A_1355 : memref<1x10112xf32, #tpu.memory_space<vmem>> -> memref<10112xf32, #tpu.memory_space<vmem>>
    %dma_wait3A_1357 = arith.constant 1122560 : i32
    %dma_wait3A_1358 = tpu.memref_slice %arg0[%dma_wait3A_1357] : memref<1314816xf32, #tpu.memory_space<any>> -> memref<10112xf32, #tpu.memory_space<any>>
    tpu.wait_dma2 semaphore(%arg13 : memref<!tpu.dma_semaphore, #tpu.memory_space<semaphore_mem>>) src(%dma_wait3A_1358 : memref<10112xf32, #tpu.memory_space<any>>) dst(%dma_wait3A_1356 : memref<10112xf32, #tpu.memory_space<vmem>>)
    %dma_wait3A_1359 = arith.constant 46 : i32
    %dma_wait3A_1360 = arith.constant 0 : i32
    %dma_wait3A_1361 = tpu.memref_slice %arg11[%dma_wait3A_1359, %dma_wait3A_1360] : memref<64x10112xf32, #tpu.memory_space<vmem>> -> memref<1x10112xf32, #tpu.memory_space<vmem>>
    %dma_wait3A_1362 = tpu.memref_squeeze %dma_wait3A_1361 : memref<1x10112xf32, #tpu.memory_space<vmem>> -> memref<10112xf32, #tpu.memory_space<vmem>>
    %dma_wait3A_1363 = arith.constant 475264 : i32
    %dma_wait3A_1364 = tpu.memref_slice %arg0[%dma_wait3A_1363] : memref<1314816xf32, #tpu.memory_space<any>> -> memref<10112xf32, #tpu.memory_space<any>>
    tpu.wait_dma2 semaphore(%arg13 : memref<!tpu.dma_semaphore, #tpu.memory_space<semaphore_mem>>) src(%dma_wait3A_1364 : memref<10112xf32, #tpu.memory_space<any>>) dst(%dma_wait3A_1362 : memref<10112xf32, #tpu.memory_space<vmem>>)
    %dma_wait3A_1365 = arith.constant 46 : i32
    %dma_wait3A_1366 = arith.constant 0 : i32
    %dma_wait3A_1367 = tpu.memref_slice %arg12[%dma_wait3A_1365, %dma_wait3A_1366] : memref<64x10112xf32, #tpu.memory_space<vmem>> -> memref<1x10112xf32, #tpu.memory_space<vmem>>
    %dma_wait3A_1368 = tpu.memref_squeeze %dma_wait3A_1367 : memref<1x10112xf32, #tpu.memory_space<vmem>> -> memref<10112xf32, #tpu.memory_space<vmem>>
    %dma_wait3A_1369 = arith.constant 1132672 : i32
    %dma_wait3A_1370 = tpu.memref_slice %arg0[%dma_wait3A_1369] : memref<1314816xf32, #tpu.memory_space<any>> -> memref<10112xf32, #tpu.memory_space<any>>
    tpu.wait_dma2 semaphore(%arg13 : memref<!tpu.dma_semaphore, #tpu.memory_space<semaphore_mem>>) src(%dma_wait3A_1370 : memref<10112xf32, #tpu.memory_space<any>>) dst(%dma_wait3A_1368 : memref<10112xf32, #tpu.memory_space<vmem>>)
    %dma_wait3A_1371 = arith.constant 47 : i32
    %dma_wait3A_1372 = arith.constant 0 : i32
    %dma_wait3A_1373 = tpu.memref_slice %arg11[%dma_wait3A_1371, %dma_wait3A_1372] : memref<64x10112xf32, #tpu.memory_space<vmem>> -> memref<1x10112xf32, #tpu.memory_space<vmem>>
    %dma_wait3A_1374 = tpu.memref_squeeze %dma_wait3A_1373 : memref<1x10112xf32, #tpu.memory_space<vmem>> -> memref<10112xf32, #tpu.memory_space<vmem>>
    %dma_wait3A_1375 = arith.constant 485376 : i32
    %dma_wait3A_1376 = tpu.memref_slice %arg0[%dma_wait3A_1375] : memref<1314816xf32, #tpu.memory_space<any>> -> memref<10112xf32, #tpu.memory_space<any>>
    tpu.wait_dma2 semaphore(%arg13 : memref<!tpu.dma_semaphore, #tpu.memory_space<semaphore_mem>>) src(%dma_wait3A_1376 : memref<10112xf32, #tpu.memory_space<any>>) dst(%dma_wait3A_1374 : memref<10112xf32, #tpu.memory_space<vmem>>)
    %dma_wait3A_1377 = arith.constant 47 : i32
    %dma_wait3A_1378 = arith.constant 0 : i32
    %dma_wait3A_1379 = tpu.memref_slice %arg12[%dma_wait3A_1377, %dma_wait3A_1378] : memref<64x10112xf32, #tpu.memory_space<vmem>> -> memref<1x10112xf32, #tpu.memory_space<vmem>>
    %dma_wait3A_1380 = tpu.memref_squeeze %dma_wait3A_1379 : memref<1x10112xf32, #tpu.memory_space<vmem>> -> memref<10112xf32, #tpu.memory_space<vmem>>
    %dma_wait3A_1381 = arith.constant 1142784 : i32
    %dma_wait3A_1382 = tpu.memref_slice %arg0[%dma_wait3A_1381] : memref<1314816xf32, #tpu.memory_space<any>> -> memref<10112xf32, #tpu.memory_space<any>>
    tpu.wait_dma2 semaphore(%arg13 : memref<!tpu.dma_semaphore, #tpu.memory_space<semaphore_mem>>) src(%dma_wait3A_1382 : memref<10112xf32, #tpu.memory_space<any>>) dst(%dma_wait3A_1380 : memref<10112xf32, #tpu.memory_space<vmem>>)
    %dma_wait3A_1383 = arith.constant 48 : i32
    %dma_wait3A_1384 = arith.constant 0 : i32
    %dma_wait3A_1385 = tpu.memref_slice %arg11[%dma_wait3A_1383, %dma_wait3A_1384] : memref<64x10112xf32, #tpu.memory_space<vmem>> -> memref<1x10112xf32, #tpu.memory_space<vmem>>
    %dma_wait3A_1386 = tpu.memref_squeeze %dma_wait3A_1385 : memref<1x10112xf32, #tpu.memory_space<vmem>> -> memref<10112xf32, #tpu.memory_space<vmem>>
    %dma_wait3A_1387 = arith.constant 495488 : i32
    %dma_wait3A_1388 = tpu.memref_slice %arg0[%dma_wait3A_1387] : memref<1314816xf32, #tpu.memory_space<any>> -> memref<10112xf32, #tpu.memory_space<any>>
    tpu.wait_dma2 semaphore(%arg13 : memref<!tpu.dma_semaphore, #tpu.memory_space<semaphore_mem>>) src(%dma_wait3A_1388 : memref<10112xf32, #tpu.memory_space<any>>) dst(%dma_wait3A_1386 : memref<10112xf32, #tpu.memory_space<vmem>>)
    %dma_wait3A_1389 = arith.constant 48 : i32
    %dma_wait3A_1390 = arith.constant 0 : i32
    %dma_wait3A_1391 = tpu.memref_slice %arg12[%dma_wait3A_1389, %dma_wait3A_1390] : memref<64x10112xf32, #tpu.memory_space<vmem>> -> memref<1x10112xf32, #tpu.memory_space<vmem>>
    %dma_wait3A_1392 = tpu.memref_squeeze %dma_wait3A_1391 : memref<1x10112xf32, #tpu.memory_space<vmem>> -> memref<10112xf32, #tpu.memory_space<vmem>>
    %dma_wait3A_1393 = arith.constant 1152896 : i32
    %dma_wait3A_1394 = tpu.memref_slice %arg0[%dma_wait3A_1393] : memref<1314816xf32, #tpu.memory_space<any>> -> memref<10112xf32, #tpu.memory_space<any>>
    tpu.wait_dma2 semaphore(%arg13 : memref<!tpu.dma_semaphore, #tpu.memory_space<semaphore_mem>>) src(%dma_wait3A_1394 : memref<10112xf32, #tpu.memory_space<any>>) dst(%dma_wait3A_1392 : memref<10112xf32, #tpu.memory_space<vmem>>)
    %dma_wait3A_1395 = arith.constant 49 : i32
    %dma_wait3A_1396 = arith.constant 0 : i32
    %dma_wait3A_1397 = tpu.memref_slice %arg11[%dma_wait3A_1395, %dma_wait3A_1396] : memref<64x10112xf32, #tpu.memory_space<vmem>> -> memref<1x10112xf32, #tpu.memory_space<vmem>>
    %dma_wait3A_1398 = tpu.memref_squeeze %dma_wait3A_1397 : memref<1x10112xf32, #tpu.memory_space<vmem>> -> memref<10112xf32, #tpu.memory_space<vmem>>
    %dma_wait3A_1399 = arith.constant 505600 : i32
    %dma_wait3A_1400 = tpu.memref_slice %arg0[%dma_wait3A_1399] : memref<1314816xf32, #tpu.memory_space<any>> -> memref<10112xf32, #tpu.memory_space<any>>
    tpu.wait_dma2 semaphore(%arg13 : memref<!tpu.dma_semaphore, #tpu.memory_space<semaphore_mem>>) src(%dma_wait3A_1400 : memref<10112xf32, #tpu.memory_space<any>>) dst(%dma_wait3A_1398 : memref<10112xf32, #tpu.memory_space<vmem>>)
    %dma_wait3A_1401 = arith.constant 49 : i32
    %dma_wait3A_1402 = arith.constant 0 : i32
    %dma_wait3A_1403 = tpu.memref_slice %arg12[%dma_wait3A_1401, %dma_wait3A_1402] : memref<64x10112xf32, #tpu.memory_space<vmem>> -> memref<1x10112xf32, #tpu.memory_space<vmem>>
    %dma_wait3A_1404 = tpu.memref_squeeze %dma_wait3A_1403 : memref<1x10112xf32, #tpu.memory_space<vmem>> -> memref<10112xf32, #tpu.memory_space<vmem>>
    %dma_wait3A_1405 = arith.constant 1163008 : i32
    %dma_wait3A_1406 = tpu.memref_slice %arg0[%dma_wait3A_1405] : memref<1314816xf32, #tpu.memory_space<any>> -> memref<10112xf32, #tpu.memory_space<any>>
    tpu.wait_dma2 semaphore(%arg13 : memref<!tpu.dma_semaphore, #tpu.memory_space<semaphore_mem>>) src(%dma_wait3A_1406 : memref<10112xf32, #tpu.memory_space<any>>) dst(%dma_wait3A_1404 : memref<10112xf32, #tpu.memory_space<vmem>>)
    %dma_wait3A_1407 = arith.constant 50 : i32
    %dma_wait3A_1408 = arith.constant 0 : i32
    %dma_wait3A_1409 = tpu.memref_slice %arg11[%dma_wait3A_1407, %dma_wait3A_1408] : memref<64x10112xf32, #tpu.memory_space<vmem>> -> memref<1x10112xf32, #tpu.memory_space<vmem>>
    %dma_wait3A_1410 = tpu.memref_squeeze %dma_wait3A_1409 : memref<1x10112xf32, #tpu.memory_space<vmem>> -> memref<10112xf32, #tpu.memory_space<vmem>>
    %dma_wait3A_1411 = arith.constant 515712 : i32
    %dma_wait3A_1412 = tpu.memref_slice %arg0[%dma_wait3A_1411] : memref<1314816xf32, #tpu.memory_space<any>> -> memref<10112xf32, #tpu.memory_space<any>>
    tpu.wait_dma2 semaphore(%arg13 : memref<!tpu.dma_semaphore, #tpu.memory_space<semaphore_mem>>) src(%dma_wait3A_1412 : memref<10112xf32, #tpu.memory_space<any>>) dst(%dma_wait3A_1410 : memref<10112xf32, #tpu.memory_space<vmem>>)
    %dma_wait3A_1413 = arith.constant 50 : i32
    %dma_wait3A_1414 = arith.constant 0 : i32
    %dma_wait3A_1415 = tpu.memref_slice %arg12[%dma_wait3A_1413, %dma_wait3A_1414] : memref<64x10112xf32, #tpu.memory_space<vmem>> -> memref<1x10112xf32, #tpu.memory_space<vmem>>
    %dma_wait3A_1416 = tpu.memref_squeeze %dma_wait3A_1415 : memref<1x10112xf32, #tpu.memory_space<vmem>> -> memref<10112xf32, #tpu.memory_space<vmem>>
    %dma_wait3A_1417 = arith.constant 1173120 : i32
    %dma_wait3A_1418 = tpu.memref_slice %arg0[%dma_wait3A_1417] : memref<1314816xf32, #tpu.memory_space<any>> -> memref<10112xf32, #tpu.memory_space<any>>
    tpu.wait_dma2 semaphore(%arg13 : memref<!tpu.dma_semaphore, #tpu.memory_space<semaphore_mem>>) src(%dma_wait3A_1418 : memref<10112xf32, #tpu.memory_space<any>>) dst(%dma_wait3A_1416 : memref<10112xf32, #tpu.memory_space<vmem>>)
    %dma_wait3A_1419 = arith.constant 51 : i32
    %dma_wait3A_1420 = arith.constant 0 : i32
    %dma_wait3A_1421 = tpu.memref_slice %arg11[%dma_wait3A_1419, %dma_wait3A_1420] : memref<64x10112xf32, #tpu.memory_space<vmem>> -> memref<1x10112xf32, #tpu.memory_space<vmem>>
    %dma_wait3A_1422 = tpu.memref_squeeze %dma_wait3A_1421 : memref<1x10112xf32, #tpu.memory_space<vmem>> -> memref<10112xf32, #tpu.memory_space<vmem>>
    %dma_wait3A_1423 = arith.constant 525824 : i32
    %dma_wait3A_1424 = tpu.memref_slice %arg0[%dma_wait3A_1423] : memref<1314816xf32, #tpu.memory_space<any>> -> memref<10112xf32, #tpu.memory_space<any>>
    tpu.wait_dma2 semaphore(%arg13 : memref<!tpu.dma_semaphore, #tpu.memory_space<semaphore_mem>>) src(%dma_wait3A_1424 : memref<10112xf32, #tpu.memory_space<any>>) dst(%dma_wait3A_1422 : memref<10112xf32, #tpu.memory_space<vmem>>)
    %dma_wait3A_1425 = arith.constant 51 : i32
    %dma_wait3A_1426 = arith.constant 0 : i32
    %dma_wait3A_1427 = tpu.memref_slice %arg12[%dma_wait3A_1425, %dma_wait3A_1426] : memref<64x10112xf32, #tpu.memory_space<vmem>> -> memref<1x10112xf32, #tpu.memory_space<vmem>>
    %dma_wait3A_1428 = tpu.memref_squeeze %dma_wait3A_1427 : memref<1x10112xf32, #tpu.memory_space<vmem>> -> memref<10112xf32, #tpu.memory_space<vmem>>
    %dma_wait3A_1429 = arith.constant 1183232 : i32
    %dma_wait3A_1430 = tpu.memref_slice %arg0[%dma_wait3A_1429] : memref<1314816xf32, #tpu.memory_space<any>> -> memref<10112xf32, #tpu.memory_space<any>>
    tpu.wait_dma2 semaphore(%arg13 : memref<!tpu.dma_semaphore, #tpu.memory_space<semaphore_mem>>) src(%dma_wait3A_1430 : memref<10112xf32, #tpu.memory_space<any>>) dst(%dma_wait3A_1428 : memref<10112xf32, #tpu.memory_space<vmem>>)
    %dma_wait3A_1431 = arith.constant 52 : i32
    %dma_wait3A_1432 = arith.constant 0 : i32
    %dma_wait3A_1433 = tpu.memref_slice %arg11[%dma_wait3A_1431, %dma_wait3A_1432] : memref<64x10112xf32, #tpu.memory_space<vmem>> -> memref<1x10112xf32, #tpu.memory_space<vmem>>
    %dma_wait3A_1434 = tpu.memref_squeeze %dma_wait3A_1433 : memref<1x10112xf32, #tpu.memory_space<vmem>> -> memref<10112xf32, #tpu.memory_space<vmem>>
    %dma_wait3A_1435 = arith.constant 535936 : i32
    %dma_wait3A_1436 = tpu.memref_slice %arg0[%dma_wait3A_1435] : memref<1314816xf32, #tpu.memory_space<any>> -> memref<10112xf32, #tpu.memory_space<any>>
    tpu.wait_dma2 semaphore(%arg13 : memref<!tpu.dma_semaphore, #tpu.memory_space<semaphore_mem>>) src(%dma_wait3A_1436 : memref<10112xf32, #tpu.memory_space<any>>) dst(%dma_wait3A_1434 : memref<10112xf32, #tpu.memory_space<vmem>>)
    %dma_wait3A_1437 = arith.constant 52 : i32
    %dma_wait3A_1438 = arith.constant 0 : i32
    %dma_wait3A_1439 = tpu.memref_slice %arg12[%dma_wait3A_1437, %dma_wait3A_1438] : memref<64x10112xf32, #tpu.memory_space<vmem>> -> memref<1x10112xf32, #tpu.memory_space<vmem>>
    %dma_wait3A_1440 = tpu.memref_squeeze %dma_wait3A_1439 : memref<1x10112xf32, #tpu.memory_space<vmem>> -> memref<10112xf32, #tpu.memory_space<vmem>>
    %dma_wait3A_1441 = arith.constant 1193344 : i32
    %dma_wait3A_1442 = tpu.memref_slice %arg0[%dma_wait3A_1441] : memref<1314816xf32, #tpu.memory_space<any>> -> memref<10112xf32, #tpu.memory_space<any>>
    tpu.wait_dma2 semaphore(%arg13 : memref<!tpu.dma_semaphore, #tpu.memory_space<semaphore_mem>>) src(%dma_wait3A_1442 : memref<10112xf32, #tpu.memory_space<any>>) dst(%dma_wait3A_1440 : memref<10112xf32, #tpu.memory_space<vmem>>)
    %dma_wait3A_1443 = arith.constant 53 : i32
    %dma_wait3A_1444 = arith.constant 0 : i32
    %dma_wait3A_1445 = tpu.memref_slice %arg11[%dma_wait3A_1443, %dma_wait3A_1444] : memref<64x10112xf32, #tpu.memory_space<vmem>> -> memref<1x10112xf32, #tpu.memory_space<vmem>>
    %dma_wait3A_1446 = tpu.memref_squeeze %dma_wait3A_1445 : memref<1x10112xf32, #tpu.memory_space<vmem>> -> memref<10112xf32, #tpu.memory_space<vmem>>
    %dma_wait3A_1447 = arith.constant 546048 : i32
    %dma_wait3A_1448 = tpu.memref_slice %arg0[%dma_wait3A_1447] : memref<1314816xf32, #tpu.memory_space<any>> -> memref<10112xf32, #tpu.memory_space<any>>
    tpu.wait_dma2 semaphore(%arg13 : memref<!tpu.dma_semaphore, #tpu.memory_space<semaphore_mem>>) src(%dma_wait3A_1448 : memref<10112xf32, #tpu.memory_space<any>>) dst(%dma_wait3A_1446 : memref<10112xf32, #tpu.memory_space<vmem>>)
    %dma_wait3A_1449 = arith.constant 53 : i32
    %dma_wait3A_1450 = arith.constant 0 : i32
    %dma_wait3A_1451 = tpu.memref_slice %arg12[%dma_wait3A_1449, %dma_wait3A_1450] : memref<64x10112xf32, #tpu.memory_space<vmem>> -> memref<1x10112xf32, #tpu.memory_space<vmem>>
    %dma_wait3A_1452 = tpu.memref_squeeze %dma_wait3A_1451 : memref<1x10112xf32, #tpu.memory_space<vmem>> -> memref<10112xf32, #tpu.memory_space<vmem>>
    %dma_wait3A_1453 = arith.constant 1203456 : i32
    %dma_wait3A_1454 = tpu.memref_slice %arg0[%dma_wait3A_1453] : memref<1314816xf32, #tpu.memory_space<any>> -> memref<10112xf32, #tpu.memory_space<any>>
    tpu.wait_dma2 semaphore(%arg13 : memref<!tpu.dma_semaphore, #tpu.memory_space<semaphore_mem>>) src(%dma_wait3A_1454 : memref<10112xf32, #tpu.memory_space<any>>) dst(%dma_wait3A_1452 : memref<10112xf32, #tpu.memory_space<vmem>>)
    %dma_wait3A_1455 = arith.constant 54 : i32
    %dma_wait3A_1456 = arith.constant 0 : i32
    %dma_wait3A_1457 = tpu.memref_slice %arg11[%dma_wait3A_1455, %dma_wait3A_1456] : memref<64x10112xf32, #tpu.memory_space<vmem>> -> memref<1x10112xf32, #tpu.memory_space<vmem>>
    %dma_wait3A_1458 = tpu.memref_squeeze %dma_wait3A_1457 : memref<1x10112xf32, #tpu.memory_space<vmem>> -> memref<10112xf32, #tpu.memory_space<vmem>>
    %dma_wait3A_1459 = arith.constant 556160 : i32
    %dma_wait3A_1460 = tpu.memref_slice %arg0[%dma_wait3A_1459] : memref<1314816xf32, #tpu.memory_space<any>> -> memref<10112xf32, #tpu.memory_space<any>>
    tpu.wait_dma2 semaphore(%arg13 : memref<!tpu.dma_semaphore, #tpu.memory_space<semaphore_mem>>) src(%dma_wait3A_1460 : memref<10112xf32, #tpu.memory_space<any>>) dst(%dma_wait3A_1458 : memref<10112xf32, #tpu.memory_space<vmem>>)
    %dma_wait3A_1461 = arith.constant 54 : i32
    %dma_wait3A_1462 = arith.constant 0 : i32
    %dma_wait3A_1463 = tpu.memref_slice %arg12[%dma_wait3A_1461, %dma_wait3A_1462] : memref<64x10112xf32, #tpu.memory_space<vmem>> -> memref<1x10112xf32, #tpu.memory_space<vmem>>
    %dma_wait3A_1464 = tpu.memref_squeeze %dma_wait3A_1463 : memref<1x10112xf32, #tpu.memory_space<vmem>> -> memref<10112xf32, #tpu.memory_space<vmem>>
    %dma_wait3A_1465 = arith.constant 1213568 : i32
    %dma_wait3A_1466 = tpu.memref_slice %arg0[%dma_wait3A_1465] : memref<1314816xf32, #tpu.memory_space<any>> -> memref<10112xf32, #tpu.memory_space<any>>
    tpu.wait_dma2 semaphore(%arg13 : memref<!tpu.dma_semaphore, #tpu.memory_space<semaphore_mem>>) src(%dma_wait3A_1466 : memref<10112xf32, #tpu.memory_space<any>>) dst(%dma_wait3A_1464 : memref<10112xf32, #tpu.memory_space<vmem>>)
    %dma_wait3A_1467 = arith.constant 55 : i32
    %dma_wait3A_1468 = arith.constant 0 : i32
    %dma_wait3A_1469 = tpu.memref_slice %arg11[%dma_wait3A_1467, %dma_wait3A_1468] : memref<64x10112xf32, #tpu.memory_space<vmem>> -> memref<1x10112xf32, #tpu.memory_space<vmem>>
    %dma_wait3A_1470 = tpu.memref_squeeze %dma_wait3A_1469 : memref<1x10112xf32, #tpu.memory_space<vmem>> -> memref<10112xf32, #tpu.memory_space<vmem>>
    %dma_wait3A_1471 = arith.constant 566272 : i32
    %dma_wait3A_1472 = tpu.memref_slice %arg0[%dma_wait3A_1471] : memref<1314816xf32, #tpu.memory_space<any>> -> memref<10112xf32, #tpu.memory_space<any>>
    tpu.wait_dma2 semaphore(%arg13 : memref<!tpu.dma_semaphore, #tpu.memory_space<semaphore_mem>>) src(%dma_wait3A_1472 : memref<10112xf32, #tpu.memory_space<any>>) dst(%dma_wait3A_1470 : memref<10112xf32, #tpu.memory_space<vmem>>)
    %dma_wait3A_1473 = arith.constant 55 : i32
    %dma_wait3A_1474 = arith.constant 0 : i32
    %dma_wait3A_1475 = tpu.memref_slice %arg12[%dma_wait3A_1473, %dma_wait3A_1474] : memref<64x10112xf32, #tpu.memory_space<vmem>> -> memref<1x10112xf32, #tpu.memory_space<vmem>>
    %dma_wait3A_1476 = tpu.memref_squeeze %dma_wait3A_1475 : memref<1x10112xf32, #tpu.memory_space<vmem>> -> memref<10112xf32, #tpu.memory_space<vmem>>
    %dma_wait3A_1477 = arith.constant 1223680 : i32
    %dma_wait3A_1478 = tpu.memref_slice %arg0[%dma_wait3A_1477] : memref<1314816xf32, #tpu.memory_space<any>> -> memref<10112xf32, #tpu.memory_space<any>>
    tpu.wait_dma2 semaphore(%arg13 : memref<!tpu.dma_semaphore, #tpu.memory_space<semaphore_mem>>) src(%dma_wait3A_1478 : memref<10112xf32, #tpu.memory_space<any>>) dst(%dma_wait3A_1476 : memref<10112xf32, #tpu.memory_space<vmem>>)
    %dma_wait3A_1479 = arith.constant 56 : i32
    %dma_wait3A_1480 = arith.constant 0 : i32
    %dma_wait3A_1481 = tpu.memref_slice %arg11[%dma_wait3A_1479, %dma_wait3A_1480] : memref<64x10112xf32, #tpu.memory_space<vmem>> -> memref<1x10112xf32, #tpu.memory_space<vmem>>
    %dma_wait3A_1482 = tpu.memref_squeeze %dma_wait3A_1481 : memref<1x10112xf32, #tpu.memory_space<vmem>> -> memref<10112xf32, #tpu.memory_space<vmem>>
    %dma_wait3A_1483 = arith.constant 576384 : i32
    %dma_wait3A_1484 = tpu.memref_slice %arg0[%dma_wait3A_1483] : memref<1314816xf32, #tpu.memory_space<any>> -> memref<10112xf32, #tpu.memory_space<any>>
    tpu.wait_dma2 semaphore(%arg13 : memref<!tpu.dma_semaphore, #tpu.memory_space<semaphore_mem>>) src(%dma_wait3A_1484 : memref<10112xf32, #tpu.memory_space<any>>) dst(%dma_wait3A_1482 : memref<10112xf32, #tpu.memory_space<vmem>>)
    %dma_wait3A_1485 = arith.constant 56 : i32
    %dma_wait3A_1486 = arith.constant 0 : i32
    %dma_wait3A_1487 = tpu.memref_slice %arg12[%dma_wait3A_1485, %dma_wait3A_1486] : memref<64x10112xf32, #tpu.memory_space<vmem>> -> memref<1x10112xf32, #tpu.memory_space<vmem>>
    %dma_wait3A_1488 = tpu.memref_squeeze %dma_wait3A_1487 : memref<1x10112xf32, #tpu.memory_space<vmem>> -> memref<10112xf32, #tpu.memory_space<vmem>>
    %dma_wait3A_1489 = arith.constant 1233792 : i32
    %dma_wait3A_1490 = tpu.memref_slice %arg0[%dma_wait3A_1489] : memref<1314816xf32, #tpu.memory_space<any>> -> memref<10112xf32, #tpu.memory_space<any>>
    tpu.wait_dma2 semaphore(%arg13 : memref<!tpu.dma_semaphore, #tpu.memory_space<semaphore_mem>>) src(%dma_wait3A_1490 : memref<10112xf32, #tpu.memory_space<any>>) dst(%dma_wait3A_1488 : memref<10112xf32, #tpu.memory_space<vmem>>)
    %dma_wait3A_1491 = arith.constant 57 : i32
    %dma_wait3A_1492 = arith.constant 0 : i32
    %dma_wait3A_1493 = tpu.memref_slice %arg11[%dma_wait3A_1491, %dma_wait3A_1492] : memref<64x10112xf32, #tpu.memory_space<vmem>> -> memref<1x10112xf32, #tpu.memory_space<vmem>>
    %dma_wait3A_1494 = tpu.memref_squeeze %dma_wait3A_1493 : memref<1x10112xf32, #tpu.memory_space<vmem>> -> memref<10112xf32, #tpu.memory_space<vmem>>
    %dma_wait3A_1495 = arith.constant 586496 : i32
    %dma_wait3A_1496 = tpu.memref_slice %arg0[%dma_wait3A_1495] : memref<1314816xf32, #tpu.memory_space<any>> -> memref<10112xf32, #tpu.memory_space<any>>
    tpu.wait_dma2 semaphore(%arg13 : memref<!tpu.dma_semaphore, #tpu.memory_space<semaphore_mem>>) src(%dma_wait3A_1496 : memref<10112xf32, #tpu.memory_space<any>>) dst(%dma_wait3A_1494 : memref<10112xf32, #tpu.memory_space<vmem>>)
    %dma_wait3A_1497 = arith.constant 57 : i32
    %dma_wait3A_1498 = arith.constant 0 : i32
    %dma_wait3A_1499 = tpu.memref_slice %arg12[%dma_wait3A_1497, %dma_wait3A_1498] : memref<64x10112xf32, #tpu.memory_space<vmem>> -> memref<1x10112xf32, #tpu.memory_space<vmem>>
    %dma_wait3A_1500 = tpu.memref_squeeze %dma_wait3A_1499 : memref<1x10112xf32, #tpu.memory_space<vmem>> -> memref<10112xf32, #tpu.memory_space<vmem>>
    %dma_wait3A_1501 = arith.constant 1243904 : i32
    %dma_wait3A_1502 = tpu.memref_slice %arg0[%dma_wait3A_1501] : memref<1314816xf32, #tpu.memory_space<any>> -> memref<10112xf32, #tpu.memory_space<any>>
    tpu.wait_dma2 semaphore(%arg13 : memref<!tpu.dma_semaphore, #tpu.memory_space<semaphore_mem>>) src(%dma_wait3A_1502 : memref<10112xf32, #tpu.memory_space<any>>) dst(%dma_wait3A_1500 : memref<10112xf32, #tpu.memory_space<vmem>>)
    %dma_wait3A_1503 = arith.constant 58 : i32
    %dma_wait3A_1504 = arith.constant 0 : i32
    %dma_wait3A_1505 = tpu.memref_slice %arg11[%dma_wait3A_1503, %dma_wait3A_1504] : memref<64x10112xf32, #tpu.memory_space<vmem>> -> memref<1x10112xf32, #tpu.memory_space<vmem>>
    %dma_wait3A_1506 = tpu.memref_squeeze %dma_wait3A_1505 : memref<1x10112xf32, #tpu.memory_space<vmem>> -> memref<10112xf32, #tpu.memory_space<vmem>>
    %dma_wait3A_1507 = arith.constant 596608 : i32
    %dma_wait3A_1508 = tpu.memref_slice %arg0[%dma_wait3A_1507] : memref<1314816xf32, #tpu.memory_space<any>> -> memref<10112xf32, #tpu.memory_space<any>>
    tpu.wait_dma2 semaphore(%arg13 : memref<!tpu.dma_semaphore, #tpu.memory_space<semaphore_mem>>) src(%dma_wait3A_1508 : memref<10112xf32, #tpu.memory_space<any>>) dst(%dma_wait3A_1506 : memref<10112xf32, #tpu.memory_space<vmem>>)
    %dma_wait3A_1509 = arith.constant 58 : i32
    %dma_wait3A_1510 = arith.constant 0 : i32
    %dma_wait3A_1511 = tpu.memref_slice %arg12[%dma_wait3A_1509, %dma_wait3A_1510] : memref<64x10112xf32, #tpu.memory_space<vmem>> -> memref<1x10112xf32, #tpu.memory_space<vmem>>
    %dma_wait3A_1512 = tpu.memref_squeeze %dma_wait3A_1511 : memref<1x10112xf32, #tpu.memory_space<vmem>> -> memref<10112xf32, #tpu.memory_space<vmem>>
    %dma_wait3A_1513 = arith.constant 1254016 : i32
    %dma_wait3A_1514 = tpu.memref_slice %arg0[%dma_wait3A_1513] : memref<1314816xf32, #tpu.memory_space<any>> -> memref<10112xf32, #tpu.memory_space<any>>
    tpu.wait_dma2 semaphore(%arg13 : memref<!tpu.dma_semaphore, #tpu.memory_space<semaphore_mem>>) src(%dma_wait3A_1514 : memref<10112xf32, #tpu.memory_space<any>>) dst(%dma_wait3A_1512 : memref<10112xf32, #tpu.memory_space<vmem>>)
    %dma_wait3A_1515 = arith.constant 59 : i32
    %dma_wait3A_1516 = arith.constant 0 : i32
    %dma_wait3A_1517 = tpu.memref_slice %arg11[%dma_wait3A_1515, %dma_wait3A_1516] : memref<64x10112xf32, #tpu.memory_space<vmem>> -> memref<1x10112xf32, #tpu.memory_space<vmem>>
    %dma_wait3A_1518 = tpu.memref_squeeze %dma_wait3A_1517 : memref<1x10112xf32, #tpu.memory_space<vmem>> -> memref<10112xf32, #tpu.memory_space<vmem>>
    %dma_wait3A_1519 = arith.constant 606720 : i32
    %dma_wait3A_1520 = tpu.memref_slice %arg0[%dma_wait3A_1519] : memref<1314816xf32, #tpu.memory_space<any>> -> memref<10112xf32, #tpu.memory_space<any>>
    tpu.wait_dma2 semaphore(%arg13 : memref<!tpu.dma_semaphore, #tpu.memory_space<semaphore_mem>>) src(%dma_wait3A_1520 : memref<10112xf32, #tpu.memory_space<any>>) dst(%dma_wait3A_1518 : memref<10112xf32, #tpu.memory_space<vmem>>)
    %dma_wait3A_1521 = arith.constant 59 : i32
    %dma_wait3A_1522 = arith.constant 0 : i32
    %dma_wait3A_1523 = tpu.memref_slice %arg12[%dma_wait3A_1521, %dma_wait3A_1522] : memref<64x10112xf32, #tpu.memory_space<vmem>> -> memref<1x10112xf32, #tpu.memory_space<vmem>>
    %dma_wait3A_1524 = tpu.memref_squeeze %dma_wait3A_1523 : memref<1x10112xf32, #tpu.memory_space<vmem>> -> memref<10112xf32, #tpu.memory_space<vmem>>
    %dma_wait3A_1525 = arith.constant 1264128 : i32
    %dma_wait3A_1526 = tpu.memref_slice %arg0[%dma_wait3A_1525] : memref<1314816xf32, #tpu.memory_space<any>> -> memref<10112xf32, #tpu.memory_space<any>>
    tpu.wait_dma2 semaphore(%arg13 : memref<!tpu.dma_semaphore, #tpu.memory_space<semaphore_mem>>) src(%dma_wait3A_1526 : memref<10112xf32, #tpu.memory_space<any>>) dst(%dma_wait3A_1524 : memref<10112xf32, #tpu.memory_space<vmem>>)
    %dma_wait3A_1527 = arith.constant 60 : i32
    %dma_wait3A_1528 = arith.constant 0 : i32
    %dma_wait3A_1529 = tpu.memref_slice %arg11[%dma_wait3A_1527, %dma_wait3A_1528] : memref<64x10112xf32, #tpu.memory_space<vmem>> -> memref<1x10112xf32, #tpu.memory_space<vmem>>
    %dma_wait3A_1530 = tpu.memref_squeeze %dma_wait3A_1529 : memref<1x10112xf32, #tpu.memory_space<vmem>> -> memref<10112xf32, #tpu.memory_space<vmem>>
    %dma_wait3A_1531 = arith.constant 616832 : i32
    %dma_wait3A_1532 = tpu.memref_slice %arg0[%dma_wait3A_1531] : memref<1314816xf32, #tpu.memory_space<any>> -> memref<10112xf32, #tpu.memory_space<any>>
    tpu.wait_dma2 semaphore(%arg13 : memref<!tpu.dma_semaphore, #tpu.memory_space<semaphore_mem>>) src(%dma_wait3A_1532 : memref<10112xf32, #tpu.memory_space<any>>) dst(%dma_wait3A_1530 : memref<10112xf32, #tpu.memory_space<vmem>>)
    %dma_wait3A_1533 = arith.constant 60 : i32
    %dma_wait3A_1534 = arith.constant 0 : i32
    %dma_wait3A_1535 = tpu.memref_slice %arg12[%dma_wait3A_1533, %dma_wait3A_1534] : memref<64x10112xf32, #tpu.memory_space<vmem>> -> memref<1x10112xf32, #tpu.memory_space<vmem>>
    %dma_wait3A_1536 = tpu.memref_squeeze %dma_wait3A_1535 : memref<1x10112xf32, #tpu.memory_space<vmem>> -> memref<10112xf32, #tpu.memory_space<vmem>>
    %dma_wait3A_1537 = arith.constant 1274240 : i32
    %dma_wait3A_1538 = tpu.memref_slice %arg0[%dma_wait3A_1537] : memref<1314816xf32, #tpu.memory_space<any>> -> memref<10112xf32, #tpu.memory_space<any>>
    tpu.wait_dma2 semaphore(%arg13 : memref<!tpu.dma_semaphore, #tpu.memory_space<semaphore_mem>>) src(%dma_wait3A_1538 : memref<10112xf32, #tpu.memory_space<any>>) dst(%dma_wait3A_1536 : memref<10112xf32, #tpu.memory_space<vmem>>)
    %dma_wait3A_1539 = arith.constant 61 : i32
    %dma_wait3A_1540 = arith.constant 0 : i32
    %dma_wait3A_1541 = tpu.memref_slice %arg11[%dma_wait3A_1539, %dma_wait3A_1540] : memref<64x10112xf32, #tpu.memory_space<vmem>> -> memref<1x10112xf32, #tpu.memory_space<vmem>>
    %dma_wait3A_1542 = tpu.memref_squeeze %dma_wait3A_1541 : memref<1x10112xf32, #tpu.memory_space<vmem>> -> memref<10112xf32, #tpu.memory_space<vmem>>
    %dma_wait3A_1543 = arith.constant 626944 : i32
    %dma_wait3A_1544 = tpu.memref_slice %arg0[%dma_wait3A_1543] : memref<1314816xf32, #tpu.memory_space<any>> -> memref<10112xf32, #tpu.memory_space<any>>
    tpu.wait_dma2 semaphore(%arg13 : memref<!tpu.dma_semaphore, #tpu.memory_space<semaphore_mem>>) src(%dma_wait3A_1544 : memref<10112xf32, #tpu.memory_space<any>>) dst(%dma_wait3A_1542 : memref<10112xf32, #tpu.memory_space<vmem>>)
    %dma_wait3A_1545 = arith.constant 61 : i32
    %dma_wait3A_1546 = arith.constant 0 : i32
    %dma_wait3A_1547 = tpu.memref_slice %arg12[%dma_wait3A_1545, %dma_wait3A_1546] : memref<64x10112xf32, #tpu.memory_space<vmem>> -> memref<1x10112xf32, #tpu.memory_space<vmem>>
    %dma_wait3A_1548 = tpu.memref_squeeze %dma_wait3A_1547 : memref<1x10112xf32, #tpu.memory_space<vmem>> -> memref<10112xf32, #tpu.memory_space<vmem>>
    %dma_wait3A_1549 = arith.constant 1284352 : i32
    %dma_wait3A_1550 = tpu.memref_slice %arg0[%dma_wait3A_1549] : memref<1314816xf32, #tpu.memory_space<any>> -> memref<10112xf32, #tpu.memory_space<any>>
    tpu.wait_dma2 semaphore(%arg13 : memref<!tpu.dma_semaphore, #tpu.memory_space<semaphore_mem>>) src(%dma_wait3A_1550 : memref<10112xf32, #tpu.memory_space<any>>) dst(%dma_wait3A_1548 : memref<10112xf32, #tpu.memory_space<vmem>>)
    %dma_wait3A_1551 = arith.constant 62 : i32
    %dma_wait3A_1552 = arith.constant 0 : i32
    %dma_wait3A_1553 = tpu.memref_slice %arg11[%dma_wait3A_1551, %dma_wait3A_1552] : memref<64x10112xf32, #tpu.memory_space<vmem>> -> memref<1x10112xf32, #tpu.memory_space<vmem>>
    %dma_wait3A_1554 = tpu.memref_squeeze %dma_wait3A_1553 : memref<1x10112xf32, #tpu.memory_space<vmem>> -> memref<10112xf32, #tpu.memory_space<vmem>>
    %dma_wait3A_1555 = arith.constant 637056 : i32
    %dma_wait3A_1556 = tpu.memref_slice %arg0[%dma_wait3A_1555] : memref<1314816xf32, #tpu.memory_space<any>> -> memref<10112xf32, #tpu.memory_space<any>>
    tpu.wait_dma2 semaphore(%arg13 : memref<!tpu.dma_semaphore, #tpu.memory_space<semaphore_mem>>) src(%dma_wait3A_1556 : memref<10112xf32, #tpu.memory_space<any>>) dst(%dma_wait3A_1554 : memref<10112xf32, #tpu.memory_space<vmem>>)
    %dma_wait3A_1557 = arith.constant 62 : i32
    %dma_wait3A_1558 = arith.constant 0 : i32
    %dma_wait3A_1559 = tpu.memref_slice %arg12[%dma_wait3A_1557, %dma_wait3A_1558] : memref<64x10112xf32, #tpu.memory_space<vmem>> -> memref<1x10112xf32, #tpu.memory_space<vmem>>
    %dma_wait3A_1560 = tpu.memref_squeeze %dma_wait3A_1559 : memref<1x10112xf32, #tpu.memory_space<vmem>> -> memref<10112xf32, #tpu.memory_space<vmem>>
    %dma_wait3A_1561 = arith.constant 1294464 : i32
    %dma_wait3A_1562 = tpu.memref_slice %arg0[%dma_wait3A_1561] : memref<1314816xf32, #tpu.memory_space<any>> -> memref<10112xf32, #tpu.memory_space<any>>
    tpu.wait_dma2 semaphore(%arg13 : memref<!tpu.dma_semaphore, #tpu.memory_space<semaphore_mem>>) src(%dma_wait3A_1562 : memref<10112xf32, #tpu.memory_space<any>>) dst(%dma_wait3A_1560 : memref<10112xf32, #tpu.memory_space<vmem>>)
    %dma_wait3A_1563 = arith.constant 63 : i32
    %dma_wait3A_1564 = arith.constant 0 : i32
    %dma_wait3A_1565 = tpu.memref_slice %arg11[%dma_wait3A_1563, %dma_wait3A_1564] : memref<64x10112xf32, #tpu.memory_space<vmem>> -> memref<1x10112xf32, #tpu.memory_space<vmem>>
    %dma_wait3A_1566 = tpu.memref_squeeze %dma_wait3A_1565 : memref<1x10112xf32, #tpu.memory_space<vmem>> -> memref<10112xf32, #tpu.memory_space<vmem>>
    %dma_wait3A_1567 = arith.constant 647168 : i32
    %dma_wait3A_1568 = tpu.memref_slice %arg0[%dma_wait3A_1567] : memref<1314816xf32, #tpu.memory_space<any>> -> memref<10112xf32, #tpu.memory_space<any>>
    tpu.wait_dma2 semaphore(%arg13 : memref<!tpu.dma_semaphore, #tpu.memory_space<semaphore_mem>>) src(%dma_wait3A_1568 : memref<10112xf32, #tpu.memory_space<any>>) dst(%dma_wait3A_1566 : memref<10112xf32, #tpu.memory_space<vmem>>)
    %dma_wait3A_1569 = arith.constant 63 : i32
    %dma_wait3A_1570 = arith.constant 0 : i32
    %dma_wait3A_1571 = tpu.memref_slice %arg12[%dma_wait3A_1569, %dma_wait3A_1570] : memref<64x10112xf32, #tpu.memory_space<vmem>> -> memref<1x10112xf32, #tpu.memory_space<vmem>>
    %dma_wait3A_1572 = tpu.memref_squeeze %dma_wait3A_1571 : memref<1x10112xf32, #tpu.memory_space<vmem>> -> memref<10112xf32, #tpu.memory_space<vmem>>
    %dma_wait3A_1573 = arith.constant 1304576 : i32
    %dma_wait3A_1574 = tpu.memref_slice %arg0[%dma_wait3A_1573] : memref<1314816xf32, #tpu.memory_space<any>> -> memref<10112xf32, #tpu.memory_space<any>>
    tpu.wait_dma2 semaphore(%arg13 : memref<!tpu.dma_semaphore, #tpu.memory_space<semaphore_mem>>) src(%dma_wait3A_1574 : memref<10112xf32, #tpu.memory_space<any>>) dst(%dma_wait3A_1572 : memref<10112xf32, #tpu.memory_space<vmem>>)
    %get3A_1575 = arith.constant 0 : index
    %get3A_1576 = arith.constant 0 : index
    %get3A_1577 = vector.load %arg11[%get3A_1575, %get3A_1576] : memref<64x10112xf32, #tpu.memory_space<vmem>>, vector<64x10112xf32>
    %get3A_1578 = arith.constant 0 : index
    %get3A_1579 = arith.constant 0 : index
    %get3A_1580 = vector.load %arg12[%get3A_1578, %get3A_1579] : memref<64x10112xf32, #tpu.memory_space<vmem>>, vector<64x10112xf32>
    %add3A_1581 = arith.addf %get3A_1577, %get3A_1580 : vector<64x10112xf32>
    %slice3A_1582 = vector.extract_strided_slice %add3A_1581 {offsets = [0, 0], sizes = [64, 10000], strides = [1, 1]} : vector<64x10112xf32> to vector<64x10000xf32>
    %get3A_1583 = arith.constant 0 : index
    %get3A_1584 = arith.constant 0 : index
    %get3A_1585 = vector.load %arg2[%get3A_1583, %get3A_1584] : memref<10000x128xf32, #tpu.memory_space<vmem>>, vector<10000x128xf32>
    %dot_general3A_1586 = arith.constant dense<0.000000e+00> : vector<64x128xf32>
    %dot_general3A_1587 = tpu.matmul %slice3A_1582, %get3A_1585, %dot_general3A_1586 {dimension_numbers = #tpu.dot_dimension_numbers<[1], [0], [0], [1], [0, 0, 1, 1], [], []>, precision = #tpu.contract_precision<fp32>, transpose_lhs_hint = false} : vector<64x10000xf32>, vector<10000x128xf32>, vector<64x128xf32> -> vector<64x128xf32>
    %get3A_1588 = arith.constant 0 : index
    %get3A_1589 = arith.constant 0 : index
    %get3A_1590 = vector.load %arg3[%get3A_1588, %get3A_1589] : memref<256x128xf32, #tpu.memory_space<vmem>>, vector<128x128xf32>
    %dot_general3A_1591 = arith.constant dense<0.000000e+00> : vector<64x128xf32>
    %dot_general3A_1592 = tpu.matmul %dot_general3A_806, %get3A_1590, %dot_general3A_1591 {dimension_numbers = #tpu.dot_dimension_numbers<[1], [0], [0], [1], [0, 0, 1, 1], [], []>, precision = #tpu.contract_precision<fp32>, transpose_lhs_hint = false} : vector<64x128xf32>, vector<128x128xf32>, vector<64x128xf32> -> vector<64x128xf32>
    %get3A_1593 = arith.constant 128 : index
    %get3A_1594 = arith.constant 0 : index
    %get3A_1595 = vector.load %arg3[%get3A_1593, %get3A_1594] : memref<256x128xf32, #tpu.memory_space<vmem>>, vector<128x128xf32>
    %dot_general3A_1596 = arith.constant dense<0.000000e+00> : vector<64x128xf32>
    %dot_general3A_1597 = tpu.matmul %dot_general3A_1587, %get3A_1595, %dot_general3A_1596 {dimension_numbers = #tpu.dot_dimension_numbers<[1], [0], [0], [1], [0, 0, 1, 1], [], []>, precision = #tpu.contract_precision<fp32>, transpose_lhs_hint = false} : vector<64x128xf32>, vector<128x128xf32>, vector<64x128xf32> -> vector<64x128xf32>
    %add3A_1598 = arith.addf %dot_general3A_1592, %dot_general3A_1597 : vector<64x128xf32>
    %get3A_1599 = arith.constant 0 : index
    %get3A_1600 = arith.constant 0 : index
    %get3A_1601 = vector.load %arg4[%get3A_1599, %get3A_1600] : memref<1x128xf32, #tpu.memory_space<vmem>>, vector<1x128xf32>
    %mul3A = vector.broadcast %broadcast_in_dim3A_802 : vector<64x1xf32> to vector<64x128xf32>
    %mul3A_1602 = vector.broadcast %get3A_1601 : vector<1x128xf32> to vector<64x128xf32>
    %mul3A_1603 = arith.mulf %mul3A, %mul3A_1602 : vector<64x128xf32>
    %add3A_1604 = arith.addf %add3A_1598, %mul3A_1603 : vector<64x128xf32>
    %get3A_1605 = arith.constant 0 : index
    %get3A_1606 = arith.constant 0 : index
    %get3A_1607 = vector.load %arg5[%get3A_1605, %get3A_1606] : memref<128x128xf32, #tpu.memory_space<vmem>>, vector<128x128xf32>
    %dot_general3A_1608 = arith.constant dense<0.000000e+00> : vector<64x128xf32>
    %dot_general3A_1609 = tpu.matmul %add3A_1604, %get3A_1607, %dot_general3A_1608 {dimension_numbers = #tpu.dot_dimension_numbers<[1], [0], [0], [1], [0, 0, 1, 1], [], []>, precision = #tpu.contract_precision<fp32>, transpose_lhs_hint = false} : vector<64x128xf32>, vector<128x128xf32>, vector<64x128xf32> -> vector<64x128xf32>
    %get3A_1610 = arith.constant 0 : index
    %get3A_1611 = arith.constant 0 : index
    %get3A_1612 = vector.load %arg6[%get3A_1610, %get3A_1611] : memref<1x128xf32, #tpu.memory_space<vmem>>, vector<1x128xf32>
    %add3A_1613 = vector.broadcast %get3A_1612 : vector<1x128xf32> to vector<64x128xf32>
    %add3A_1614 = arith.addf %dot_general3A_1609, %add3A_1613 : vector<64x128xf32>
    %max3A = arith.constant 0.000000e+00 : f32
    %max3A_1615 = vector.broadcast %max3A : f32 to vector<64x128xf32>
    %max3A_1616 = arith.maximumf %add3A_1614, %max3A_1615 : vector<64x128xf32>
    %get3A_1617 = arith.constant 0 : index
    %get3A_1618 = arith.constant 0 : index
    %get3A_1619 = vector.load %arg7[%get3A_1617, %get3A_1618] : memref<128x10xf32, #tpu.memory_space<vmem>>, vector<128x10xf32>
    %dot_general3A_1620 = arith.constant dense<0.000000e+00> : vector<64x10xf32>
    %dot_general3A_1621 = tpu.matmul %max3A_1616, %get3A_1619, %dot_general3A_1620 {dimension_numbers = #tpu.dot_dimension_numbers<[1], [0], [0], [1], [0, 0, 1, 1], [], []>, precision = #tpu.contract_precision<fp32>, transpose_lhs_hint = false} : vector<64x128xf32>, vector<128x10xf32>, vector<64x10xf32> -> vector<64x10xf32>
    %get3A_1622 = arith.constant 0 : index
    %get3A_1623 = arith.constant 0 : index
    %get3A_1624 = vector.load %arg8[%get3A_1622, %get3A_1623] : memref<1x10xf32, #tpu.memory_space<vmem>>, vector<1x10xf32>
    %add3A_1625 = vector.broadcast %get3A_1624 : vector<1x10xf32> to vector<64x10xf32>
    %add3A_1626 = arith.addf %dot_general3A_1621, %add3A_1625 : vector<64x10xf32>
    %swap3A = arith.constant 0 : index
    %swap3A_1627 = arith.constant 0 : index
    %swap3A_1628 = vector.load %arg9[%swap3A, %swap3A_1627] : memref<64x10xf32, #tpu.memory_space<vmem>>, vector<64x10xf32>
    tpu.vector_store %arg9[%swap3A, %swap3A_1627], %add3A_1626 {strides = array<i32>} : memref<64x10xf32, #tpu.memory_space<vmem>>, vector<64x10xf32>,
    return
  }
}

</mosaic_0001>

<sc_bundles>
// kernel: kernel.4.cloned.1.call-start
scs
__scs_entry_jumppad:
0x0: {  	(pc) =	sbr.rel $0x88, $3  }
0x1: {  	(tag) =	ssettag $0x0;
	lr =	simm.s32 $0x1  }
0x2: {  	[smem:$0x3F98] =	sst lr;
	_ =	strace $0xD0000000  }
0x3: {  	_ = 	snop  }
0x4: {  	_ = 	snop  }
0x5: {  	_ = 	snop  }
0x6: {  	_ = 	snop  }
0x7: {  	_ = 	snop  }
__scs_overlays_trampoline_lowered:
0x8: {  	[smem:$0x3FA7] =	sst s0  }
0x9: {  	[smem:$0x3FA8] =	sst s1  }
0xa: {  	[smem:$0x3FA9] =	sst s2  }
0xb: {  	[smem:$0x3FAA] =	sst s3  }
0xc: {  	[smem:$0x3FAB] =	sst s4  }
0xd: {  	[smem:$0x3FAC] =	sst s5  }
0xe: {  	[smem:$0x3FAD] =	sst s6  }
0xf: {  	[smem:$0x3FAE] =	sst s7  }
0x10: {  	[smem:$0x3FAF] =	sst s8  }
0x11: {  	[smem:$0x3FB0] =	sst s9;
	s0 =	simm.s32 @!p0 $0x0  }
0x12: {  	s1 =	sld [smem:$0x3F96];
	s0 =	simm.s32 @p0 $0x1  }
0x13: {  	[smem:$0x3FB1] =	sst s0;
	s0 =	simm.s32 @!p1 $0x0  }
0x14: {  	s2 =	sld [smem:$0x3F95];
	s0 =	simm.s32 @p1 $0x1  }
0x15: {  	[smem:$0x3FB2] =	sst s0;
	s0 =	simm.s32 @!p2 $0x0  }
0x16: {  	s3 =	sld [smem:$0x3FDB];
	s0 =	simm.s32 @p2 $0x1  }
0x17: {  	s4 =	simm.s32 $0x1BF5;
	[smem:$0x3FB4] =	sst s0  }
0x18: {  	s0 =	sld [smem:$0x3F97];
	_ =	swait.ge [sflag:s4], $0x0  }
0x19: {  	s7 =	sld [smem:$0x3F98]  }
0x1a: {  	s8 =	sadd.s32 $0xFFFFE003, lr  }
0x1b: {  	s9 =	sadd.s32 $0xFFFFFEF7, lr;
	s5 =	simm.s32 $0xFFFFFFFF;
	p2 =	slt.u32 s8, $0xFFFFF086  }
0x1c: {  	p1 =	slt.u32 s9, $0xF7A;
	s5 =	simm.s32 @!p2 $0x0  }
0x1d: {  	s5 =	simm.s32 @p1 $0x1;
	p0 =	seq.s32 s7, s2  }
0x1e: {  	s7 =	smul.u32 @!p0 $0xF7A, s2;
	p2 =	seq.s32 @!p0 s5, $0x0  }
0x1f: {  	s9 =	smul.u32 $0xF7A, s1;
	s8 =	simm.s32 @!p0 $0x1BF5;
	p2 =	por !p2, p0  }
0x20: {  	[sflag:s8] =	ssyncset.s32 @!p0 $0xFFFFF086;
	s6 =	sadd.s32 @!p0 s3, s7;
	s7 =	simm.s32 @!p0 $0x108  }
0x21: {  	s3 =	sadd.s32 s3, s9;
	s6 =	sadd.s32 @!p0 $0x88, s6;
	s7 =	simm.s32 @p2 $0x1082  }
0x22: {  	[simem:s7], [sflag:s8] =	dma.local @!p0 [hbm:s6], $0xF7A  }
0x23: {  	s9 =	sor.u32 $0xD0000000, s2;
	s6 =	simm.s32 $0x108;
	_ =	swait.ge @!p0 [sflag:s8], $0x0  }
0x24: {  	s3 =	sadd.s32 $0x88, s3;
	s6 =	simm.s32 @!p1 $0x1082;
	[sflag:s4] =	ssyncset.s32 $0xFFFFF086  }
0x25: {  	[simem:s6], [sflag:s4] =	dma.local [hbm:s3], $0xF7A  }
0x26: {  	[smem:$0x3F98] =	sst s1;
	(tag) =	ssettag s2;
	_ =	strace s9  }
0x27: {  	s1 =	sld [smem:$0x3FA8]  }
0x28: {  	s2 =	sld [smem:$0x3FA9]  }
0x29: {  	s4 =	sld [smem:$0x3FAB]  }
0x2a: {  	p0 =	seq.s32 s5, $0x0;
	s5 =	sld [smem:$0x3FAC]  }
0x2b: {  	s6 =	sld [smem:$0x3FAD]  }
0x2c: {  	s7 =	sld [smem:$0x3FAE]  }
0x2d: {  	s3 =	simm.s32 $0x108;
	s8 =	sld [smem:$0x3FAF]  }
0x2e: {  	s3 =	simm.s32 @!p0 $0x1082;
	s9 =	sld [smem:$0x3FB0]  }
0x2f: {  	lr =	sadd.s32 s0, s3;
	s0 =	sld [smem:$0x3FA7]  }
0x30: {  	s3 =	sld [smem:$0x3FAA]  }
0x31: {  	[smem:$0x3FB3] =	sst s10  }
0x32: {  	s10 =	sld [smem:$0x3FB1];
	_ =	sdelay $0x3  }
0x33: {  	p0 =	seq.s32 s10, $0x1;
	s10 =	sld [smem:$0x3FB3];
	_ =	sdelay $0x3  }
0x34: {  	[smem:$0x3FB3] =	sst s10  }
0x35: {  	s10 =	sld [smem:$0x3FB2];
	_ =	sdelay $0x3  }
0x36: {  	p1 =	seq.s32 s10, $0x1;
	s10 =	sld [smem:$0x3FB3];
	_ =	sdelay $0x3  }
0x37: {  	[smem:$0x3FB3] =	sst s10  }
0x38: {  	s10 =	sld [smem:$0x3FB4]  }
0x39: {  	_ = 	snop;
	(pc) =	sbr.ind lr, $3  }
0x3a: {  	_ = 	snop  }
0x3b: {  	_ = 	snop  }
0x3c: {  	p2 =	seq.s32 s10, $0x1;
	s10 =	sld [smem:$0x3FB3]  }
0x3d: {  	_ =	shalt  }
0x3e: {  	_ =	shalt  }
0x3f: {  	_ =	shalt  }
0x40: {  	_ =	shalt  }
0x41: {  	_ =	shalt  }
0x42: {  	_ =	shalt  }
0x43: {  	_ =	shalt  }
0x44: {  	_ =	shalt  }
0x45: {  	_ =	shalt  }
0x46: {  	_ =	shalt  }
0x47: {  	_ =	shalt  }
0x48: {  	_ =	shalt  }
0x49: {  	_ =	shalt  }
0x4a: {  	_ =	shalt  }
0x4b: {  	_ =	shalt  }
0x4c: {  	_ =	shalt  }
0x4d: {  	_ =	shalt  }
0x4e: {  	_ =	shalt  }
0x4f: {  	_ =	shalt  }
0x50: {  	_ =	shalt  }
0x51: {  	_ =	shalt  }
0x52: {  	_ =	shalt  }
0x53: {  	_ =	shalt  }
0x54: {  	_ =	shalt  }
0x55: {  	_ =	shalt  }
0x56: {  	_ =	shalt  }
0x57: {  	_ =	shalt  }
0x58: {  	_ =	shalt  }
0x59: {  	_ =	shalt  }
0x5a: {  	_ =	shalt  }
0x5b: {  	_ =	shalt  }
0x5c: {  	_ =	shalt  }
0x5d: {  	_ =	shalt  }
0x5e: {  	_ =	shalt  }
0x5f: {  	_ =	shalt  }
0x60: {  	_ =	shalt  }
0x61: {  	_ =	shalt  }
0x62: {  	_ =	shalt  }
0x63: {  	_ =	shalt  }
0x64: {  	_ =	shalt  }
0x65: {  	_ =	shalt  }
0x66: {  	_ =	shalt  }
0x67: {  	_ =	shalt  }
0x68: {  	_ =	shalt  }
0x69: {  	_ =	shalt  }
0x6a: {  	_ =	shalt  }
0x6b: {  	_ =	shalt  }
0x6c: {  	_ =	shalt  }
0x6d: {  	_ =	shalt  }
0x6e: {  	_ =	shalt  }
0x6f: {  	_ =	shalt  }
0x70: {  	_ =	shalt  }
0x71: {  	_ =	shalt  }
0x72: {  	_ =	shalt  }
0x73: {  	_ =	shalt  }
0x74: {  	_ =	shalt  }
0x75: {  	_ =	shalt  }
0x76: {  	_ =	shalt  }
0x77: {  	_ =	shalt  }
0x78: {  	_ =	shalt  }
0x79: {  	_ =	shalt  }
0x7a: {  	_ =	shalt  }
0x7b: {  	_ =	shalt  }
0x7c: {  	_ =	shalt  }
0x7d: {  	_ =	shalt  }
0x7e: {  	_ =	shalt  }
0x7f: {  	_ =	shalt  }
0x80: {  	_ =	shalt  }
0x81: {  	_ =	shalt  }
0x82: {  	_ =	shalt  }
0x83: {  	_ =	shalt  }
0x84: {  	_ =	shalt  }
0x85: {  	_ =	shalt  }
0x86: {  	_ =	shalt  }
0x87: {  	_ =	shalt  }
.Lfunc_end0:
.L_simem_size_0:
called_computation_lowered:
.L_overlay_start_0:
0x88: {  	s2 =	sld [smem:$0x3FD9]  }
0x89: {  	s3 =	sld [smem:$0x3FFE];
	_ =	sdelay $0x1  }
0x8a: {  	s1 =	srdreg.scid  }
0x8b: {  	s0 =	sand.u32 $0x1, s1  }
0x8c: {  	s17 =	sshll.u32 s0, $0xA;
	s2 =	sadd.s32 s3, s2  }
0x8d: {  	s2 =	sadd.s32 s2, s17  }
0x8e: {  	[smem:$0x3FBF] =	sst s2  }
0x8f: {  	_ = 	snop  }
0x90: {  	s2 =	sld [smem:$0x3FC7];
	(tm) =	ssettm $0x1  }
0x91: {  	s18 =	sld [smem:$0x3FFB];
	_ =	sdelay $0x3  }
0x92: {  	_ =	strace s18  }
0x93: {  	s3 =	sld [smem:$0x3FFC];
	_ =	sdelay $0x3  }
0x94: {  	_ =	strace s3  }
0x95: {  	s3 =	sld [smem:$0x3FFD];
	_ =	sdelay $0x3  }
0x96: {  	_ =	strace s3  }
0x97: {  	_ =	strace $0x8FFFFFFF  }
0x98: {  	s19 =	sld [smem:$0x3FDB];
	_ =	sdelay $0x1  }
0x99: {  	s4 =	simm.s32 $_scs_section_size  }
0x9a: {  	s5 =	simm.s32 $_size__tile_overlayer_lowered;
	s6 =	simm.s32 $_tile_overlayer_lowered  }
0x9b: {  	s22 =	simm.s32 $0x1BFF;
	s21 =	sshll.u32 s6, $0x1;
	s3 =	sadd.s32 s4, s19  }
0x9c: {  	s7 =	simm.s32 $0x0;
	s20 =	sshll.u32 s5, $0x1;
	s5 =	sadd.s32 s21, s3  }
0x9d: {  	[timem:s7], [sflag:s22] =	dma.local [hbm:s5], s20  }
0x9e: {  	_ =	swait.ge [sflag:s22], s20  }
0x9f: {  	s4 =	ssub.s32 $0x0, s20;
	[sflag:s22] =	ssyncset.done $0x0  }
0xa0: {  	[sflag:s22] =	ssyncadd.s32 s4;
	_ =	sdelay $0x1  }
0xa1: {  	s23 =	simm.s32 $0x1B8B  }
0xa2: {  	_ =	swait.ge [sflag:s23], $0x1  }
0xa3: {  	[sflag:s23] =	ssyncset.done $0x0  }
0xa4: {  	s25 =	simm.s32 $0x1B8E;
	s24 =	sld [smem:$0x3FFE];
	[sflag:s23] =	ssyncadd.s32 $0xFFFFFFFF  }
0xa5: {  	s26 =	simm.s32 $execute0_lowered;
	[smem:$0x3FD2] =	sst s25  }
0xa6: {  	s5 =	sshll.u32 s26, $0x1;
	_ =	strace $0x80000046;
	[dreg:$0x1] =	wrdreg $0xFFFFFFFF  }
0xa7: {  	s28 =	simm.s32 $_size_execute0_lowered;
	s3 =	sadd.s32 s3, s5;
	[dreg:$0x0] =	wrdreg $0x0  }
0xa8: {  	s5 =	sshll.u32 s28, $0x1;
	[dreg:$0x2] =	wrdreg s3  }
0xa9: {  	[dreg:$0x3] =	wrdreg s5  }
0xaa: {  	[dreg:$0x4] =	wrdreg $0xC0  }
0xab: {  	_ =	task [dreg:s7], $0x5FFFF  }
0xac: {  	[dreg:$0x1] =	wrdreg $0xFFFFFFFF  }
0xad: {  	[dreg:$0x0] =	wrdreg $0x60  }
0xae: {  	[dreg:$0x2] =	wrdreg s24  }
0xaf: {  	[dreg:$0x3] =	wrdreg s2  }
0xb0: {  	[dreg:$0x4] =	wrdreg $0x1B6800  }
0xb1: {  	[dreg:$0x5] =	wrdreg $0x116000  }
0xb2: {  	[dreg:$0x6] =	wrdreg $0x9  }
0xb3: {  	_ =	task.clear_ibuf [dreg:s7], $0x7FFFF;
	_ =	strace $0x90000046  }
0xb4: {  	s29 =	simm.s32 $0x9;
	_ =	strace $0x80000048  }
0xb5: {  	_ =	swait.ge [sflag:s29], $0x1  }
0xb6: {  	[sflag:s29] =	ssyncadd.s32 $0xFFFFFFFF  }
0xb7: {  	_ =	strace $0x90000048  }
0xb8: {  	_ =	sfence  }
0xb9: {  	s30 =	sld [smem:$0x0];
	_ =	sdelay $0x2  }
0xba: {  	s31 =	sshll.u32 s1, $0xD;
	s1 =	sshrl.u32 s1, $0x2  }
0xbb: {  	s3 =	sand.u32 $0x4000, s31;
	s1 =	sadd.s32 s1, s30  }
0xbc: {  	s0 =	sor.u32 s3, s0;
	s1 =	sshll.u32 s1, $0x11  }
0xbd: {  	s0 =	sor.u32 s1, s0  }
0xbe: {  	s0 =	sadd.s32 $0x8F2B, s0  }
0xbf: {  	[sflag:s0] =	ssyncadd.remote.s32 $0x1  }
0xc0: {  	_ =	sfence.sel $0xFFFF  }
0xc1: {  	[dreg:$0x0] =	wrdreg $0xFFFFFFFF;
	(pc) =	sbr.abs _section_cstart, $3  }
0xc2: {  	[dreg:$0x1] =	wrdreg $0xFFFFFFFF  }
0xc3: {  	_ =	task.clear_ibuf [dreg:s7], $0x2FFFF;
	_ =	strace $0x9FFFFFFF  }
0xc4: {  	(tm) =	ssettm $0x7FFFFFFF  }
0xc5: {  	_ =	shalt  }
tec
execute0_lowered:
.L_overlay_start_1:
0x0: {  	(tag) =	ssettag $0x1  }
0x1: {  	s0 =	rddreg [dreg:$0x0];
	s1 =	srdreg.scid  }
0x2: {  	s5 =	stileid.u32;
	s2 =	rddreg [dreg:$0x2];
	s19 =	simm.s32 $0x9E00  }
0x3: {  	s20 =	simm.s32 $0xC580;
	s21 =	simm.s32 $0x1;
	s22 =	simm.s32 $0x1380  }
0x4: {  	s28 =	simm.s32 $0x3;
	s29 =	simm.s32 $0x5;
	s31 =	simm.s32 $0x2  }
0x5: {  	s18 =	simm.s32 $0x7;
	s30 =	simm.s32 $0xEDA0;
	s23 =	simm.s32 $0xA  }
0x6: {  	s1 =	sand.u32 $0x1, s1;
	s3 =	sshll.u32 s5, $0x1;
	s7 =	smul.u32 $0xA080, s5  }
0x7: {  	s9 =	sadd.s32 $0x16200, s0;
	s24 =	sadd.s32 $0x15600, s0;
	p0 =	sne.s32 s5, $0x0  }
0x8: {  	s4 =	sor.u32 s1, s3;
	s3 =	rddreg [dreg:$0x3];
	s8 =	smul.u32 $0xA0800, s1  }
0x9: {  	s1 =	ssub.s32 $0x2, s1;
	s6 =	smul.u32 $0x2710, s4;
	s4 =	simm.s32 $0x0  }
0xa: {  	s5 =	simm.s32 $0x0;
	s25 =	sshrl.u32 s1, $0x1;
	[smem:$0x7FF] =	sst s4  }
0xb: {  	s8 =	sadd.s32 s7, s8;
	s1 =	ssub.s32 s1, s25;
	s7 =	sadd.s32 s7, s3  }
0xc: {  	s25 =	simm.s32 $0x8;
	_ =	strace $0x80000047;
	[dreg:$0x5] =	wrdreg s9  }
0xd: {  	s6 =	sshrl.u32 s6, $0x3;
	[dreg:$0x6] =	wrdreg s24;
	s8 =	sshrl.u32 s8, $0x3  }
0xe: {  	s10 =	sadd.s32 $0x5040, s7;
	s11 =	sadd.s32 $0x2820, s7;
	s14 =	sadd.s32 $0x7860, s7  }
0xf: {  	s17 =	smax.u32 s1, $0x1;
	s24 =	simm.s32 $0x1390;
	s6 =	sadd.s32 s6, s0  }
0x10: {  	s1 =	simm.s32 $0x6;
	s0 =	sadd.s32 s8, s0;
	s26 =	sadd.s32 $0x1C00, s6  }
0x11: {  	s6 =	sadd.s32 $0xB840, s6;
	s12 =	sadd.s32 $0x16800, s0;
	s13 =	sadd.s32 $0x16D04, s0  }
0x12: {  	s15 =	sadd.s32 $0x17208, s0;
	s16 =	sadd.s32 $0x1770C, s0;
	[dreg:$0x7] =	wrdreg s26  }
0x13: {  	s0 =	simm.s32 $0x9;
	[dreg:$0x8] =	wrdreg s6;
	s26 =	simm.s32 $0x4  }
.LBB2_1:
0x14: {  	s6 =	rddreg [dreg:$0x7]  }
0x15: {  	[tilespmem:s4], [sflag:$0x1] =	stream.linear.gather [hbm4b:s6+s4], $0x2710, $0x38;
	[tilespmem:$0x1B8F8] =	vst v63  }
0x16: {  	s9 =	rddreg [dreg:$0x8];
	s8 =	simm.s32 $0x2780  }
0x17: {  	[tilespmem:s8], [sflag:$0x2] =	stream.linear.gather [hbm4b:s9+s4], $0x2710, $0x38;
	[tilespmem:$0x1B8F8] =	vst v63  }
0x18: {  	s9 =	rddreg [dreg:$0x5]  }
0x19: {  	[tilespmem:s19], [sflag:$0x3] =	stream.linear.gather [hbm4b:s9+s4], $0x2780, $0x38;
	[tilespmem:$0x1B8F8] =	vst v63  }
0x1a: {  	s8 =	rddreg [dreg:$0x6]  }
0x1b: {  	[tilespmem:s20], [sflag:$0x4] =	stream.linear.gather [hbm4b:s8+s4], $0x5080, $0x38;
	[tilespmem:$0x1B8F8] =	vst v63  }
0x1c: {  	s6 =	simm.s32 @!p0 $0x0;
	s9 =	rddreg [dreg:$0x1];
	s8 =	simm.s32 @!p0 $0x4F00  }
0x1d: {  	[tilespmem:s8], [sflag:$0xB] =	stream.linear.gather @!p0 [hbm4b:s9+s6], $0x2780, $0x38;
	[tilespmem:$0x1B8F8] =	vst v63  }
0x1e: {  	s6 =	simm.s32 @!p0 $0xB  }
0x1f: {  	_ =	swait.ge @!p0 [sflag:s6], $0x2780  }
0x20: {  	[sflag:s6] =	ssyncset.done @!p0 $0x0  }
0x21: {  	[sflag:s6] =	ssyncadd.s32 @!p0 $0xFFFFD880  }
0x22: {  	[spmem:s2] =	stream.linear.scatter @!p0 [tilespmem:s8], [sflag:$0xB], $0x2780, $0x38;
	[tilespmem:$0x1B8F8] =	vst v63  }
0x23: {  	_ =	swait.ge @!p0 [sflag:s6], $0x2780  }
0x24: {  	[sflag:s6] =	ssyncset.done @!p0 $0x0  }
0x25: {  	[sflag:s6] =	ssyncadd.s32 @!p0 $0xFFFFD880  }
0x26: {  	[bflag:$0x0] =	sbarrier.arrive $0xFFFF  }
0x27: {  	_ =	swait.ge [sflag:s21], $0x2710  }
0x28: {  	[sflag:s21] =	ssyncset.done $0x0  }
0x29: {  	s9 =	simm.s32 $0x4F00;
	[sflag:s21] =	ssyncadd.s32 $0xFFFFD8F0  }
0x2a: {  	[tilespmem:s9], [sflag:$0x6] =	stream.indirect.gather [spmem:s2], $0x1, s4, s22, $0xb8;
	[tilespmem:$0x1B8F8] =	vst v63  }
0x2b: {  	s8 =	simm.s32 $0x6280  }
0x2c: {  	[tilespmem:s8], [sflag:$0x7] =	stream.indirect.gather [spmem:s2], $0x1, s22, s24, $0xb8;
	[tilespmem:$0x1B8F8] =	vst v63  }
0x2d: {  	_ =	swait.ge [sflag:s26], $0x5080  }
0x2e: {  	[sflag:s26] =	ssyncset.done $0x0  }
0x2f: {  	[sflag:s26] =	ssyncadd.s32 $0xFFFFAF80  }
0x30: {  	[spmem:s7] =	stream.linear.scatter [tilespmem:s20], [sflag:$0x5], $0x5040, $0x38;
	[tilespmem:$0x1B8F8] =	vst v63  }
0x31: {  	_ = 	snop  }
0x32: {  	[spmem:s10] =	stream.linear.scatter [tilespmem:s20], [sflag:$0x5], $0x5040, $0x38;
	[tilespmem:$0x1B8F8] =	vst v63  }
0x33: {  	_ =	swait.ge [sflag:s28], $0x2780  }
0x34: {  	[sflag:s28] =	ssyncset.done $0x0  }
0x35: {  	[sflag:s28] =	ssyncadd.s32 $0xFFFFD880  }
0x36: {  	_ =	swait.ge [sflag:s29], $0x5040  }
0x37: {  	[sflag:s29] =	ssyncset.done $0x0  }
0x38: {  	[sflag:s29] =	ssyncadd.s32 $0xFFFFAFC0  }
0x39: {  	_ =	swait.ge [sflag:s29], $0x5040  }
0x3a: {  	[sflag:s29] =	ssyncset.done $0x0  }
0x3b: {  	[sflag:s29] =	ssyncadd.s32 $0xFFFFAFC0  }
0x3c: {  	s9 =	simm.s32 $0x2710;
	[bflag:$0x0] =	sbarrier.arrive $0xFFFF  }
0x3d: {  	[spmem:s3] =	stream.indirect.scatter.add.f32 [tilespmem:s19], [sflag:$0x8], $0x1, s4, s9, $0xb8;
	[tilespmem:$0x1B8F8] =	vst v63  }
0x3e: {  	_ =	swait.ge [sflag:s31], $0x2710  }
0x3f: {  	[sflag:s31] =	ssyncset.done $0x0  }
0x40: {  	[sflag:s31] =	ssyncadd.s32 $0xFFFFD8F0  }
0x41: {  	_ =	swait.ge [sflag:s1], $0x1380  }
0x42: {  	[sflag:s1] =	ssyncset.done $0x0  }
0x43: {  	s6 =	simm.s32 $0x0;
	[sflag:s1] =	ssyncadd.s32 $0xFFFFEC80  }
0x44: {  	v0 =	vld [tilespmem:s6+$0x4F00];
	_ =	sdelay $0x1  }
0x45: {  	v1 =	vld [tilespmem:s6+$0x2780]  }
0x46: {  	s8 =	simm.s32 $0x40  }
.LBB2_2:
0x47: {  	p1 =	sne.s32 s8, $0x4DC0  }
.Ltmp0:
0x48: {  	s9 =	sshra.s32 s8, $0x2;
	s8 =	sadd.s32 $0x40, s8;
	v2 =	vmul.u32 $0x2780, v0;
	(pc) =	sbr.rel @p1 .LBB2_2-.Ltmp0, $4  }
0x49: {  	v0 =	vld [tilespmem:s9+$0x4F00]  }
0x4a: {  	v2 =	vadd.s32 v2, v1  }
0x4b: {  	v1 =	vld [tilespmem:s9+$0x2780];
	v2 =	vadd.s32 $0x2780, v2  }
0x4c: {  	[tilespmem:s6+$0x7680] =	vst v2;
	s6 =	smov.u32 s9  }
0x4d: {  	_ = 	snop  }
0x4e: {  	v0 =	vmul.u32 $0x2780, v0;
	_ =	sdelay $0x1  }
0x4f: {  	v0 =	vadd.s32 v0, v1  }
0x50: {  	v0 =	vadd.s32 $0x2780, v0  }
0x51: {  	s8 =	simm.s32 $0x7680;
	[tilespmem:s6+$0x7680] =	vst v0  }
0x52: {  	[spmem:s3] =	stream.indirect.scatter.add.f32 [tilespmem:s19], [sflag:$0x8], $0x1, s8, s22, $0xb8;
	[tilespmem:$0x1B8F8] =	vst v63  }
0x53: {  	_ =	swait.ge [sflag:s18], $0x1390  }
0x54: {  	s9 =	simm.s32 $0x0;
	[sflag:s18] =	ssyncset.done $0x0  }
0x55: {  	s6 =	sand.u32 $0x1FF0, s9;
	[sflag:s18] =	ssyncadd.s32 $0xFFFFEC70  }
0x56: {  	v62 =	vld [tilespmem:s6+$0x6280];
	_ =	sdelay $0x1  }
0x57: {  	v63 =	vld [tilespmem:s6+$0x3B00];
	_ =	sdelay $0x2  }
0x58: {  	v0 =	vmul.u32 $0x2780, v62;
	_ =	sdelay $0x1  }
0x59: {  	v0 =	vadd.s32 v0, v63  }
0x5a: {  	s8 =	simm.s32 $0x10;
	s6 =	simm.s32 $0x8A00;
	v0 =	vadd.s32 $0x2780, v0  }
0x5b: {  	s9 =	sand.u32 $0x1FF0, s8;
	s8 =	simm.s32 $0x20;
	[tilespmem:s6+$0x0] =	vst v0  }
.LBB2_4:
0x5c: {  	p1 =	sne.s32 s8, $0x1380;
	v0 =	vld [tilespmem:s9+$0x6280];
	_ =	sdelay $0x1  }
0x5d: {  	v1 =	vld [tilespmem:s9+$0x3B00];
	_ =	sdelay $0x2  }
.Ltmp1:
0x5e: {  	v0 =	vmul.u32 $0x2780, v0;
	(pc) =	sbr.rel @p1 .LBB2_4-.Ltmp1, $4  }
0x5f: {  	_ = 	snop  }
0x60: {  	v0 =	vadd.s32 v0, v1  }
0x61: {  	s6 =	sadd.s32 $0x10, s6;
	v0 =	vadd.s32 $0x2780, v0  }
0x62: {  	s9 =	sand.u32 $0x1FF0, s8;
	s8 =	sadd.s32 $0x10, s8;
	[tilespmem:s6+$0x0] =	vst v0  }
0x63: {  	v0 =	vld [tilespmem:s9+$0x6280];
	_ =	sdelay $0x1  }
0x64: {  	v1 =	vld [tilespmem:s9+$0x3B00];
	_ =	sdelay $0x2  }
0x65: {  	v0 =	vmul.u32 $0x2780, v0;
	_ =	sdelay $0x1  }
0x66: {  	v0 =	vadd.s32 v0, v1  }
0x67: {  	s6 =	sadd.s32 $0x10, s6;
	v0 =	vadd.s32 $0x2780, v0  }
0x68: {  	s9 =	simm.s32 $0x8A00;
	[tilespmem:s6+$0x0] =	vst v0  }
0x69: {  	[spmem:s3] =	stream.indirect.scatter.add.f32 [tilespmem:s19], [sflag:$0x8], $0x1, s9, s24, $0xb8;
	[tilespmem:$0x1B8F8] =	vst v63  }
0x6a: {  	_ =	swait.ge [sflag:s25], $0x2710  }
0x6b: {  	[sflag:s25] =	ssyncset.done $0x0  }
0x6c: {  	[sflag:s25] =	ssyncadd.s32 $0xFFFFD8F0  }
0x6d: {  	_ =	swait.ge [sflag:s25], $0x1380  }
0x6e: {  	[sflag:s25] =	ssyncset.done $0x0  }
0x6f: {  	[sflag:s25] =	ssyncadd.s32 $0xFFFFEC80  }
0x70: {  	_ =	swait.ge [sflag:s25], $0x1390  }
0x71: {  	[sflag:s25] =	ssyncset.done $0x0  }
0x72: {  	[sflag:s25] =	ssyncadd.s32 $0xFFFFEC70  }
0x73: {  	[bflag:$0x0] =	sbarrier.arrive $0xFFFF  }
0x74: {  	[tilespmem:s20], [sflag:$0x9] =	stream.linear.gather [spmem:s7], $0x2820, $0x38;
	[tilespmem:$0x1B8F8] =	vst v63  }
0x75: {  	_ = 	snop  }
0x76: {  	[tilespmem:s30], [sflag:$0x9] =	stream.linear.gather [spmem:s11], $0x2820, $0x38;
	[tilespmem:$0x1B8F8] =	vst v63  }
0x77: {  	_ =	swait.ge [sflag:s0], $0x2820  }
0x78: {  	[sflag:s0] =	ssyncset.done $0x0  }
0x79: {  	[sflag:s0] =	ssyncadd.s32 $0xFFFFD7E0  }
0x7a: {  	[hbm4b:s12+s4] =	stream.linear.scatter [tilespmem:s20], [sflag:$0xA], $0x2820, $0x38;
	[tilespmem:$0x1B8F8] =	vst v63  }
0x7b: {  	_ =	swait.ge [sflag:s0], $0x2820  }
0x7c: {  	[sflag:s0] =	ssyncset.done $0x0  }
0x7d: {  	[sflag:s0] =	ssyncadd.s32 $0xFFFFD7E0  }
0x7e: {  	[hbm4b:s13+s4] =	stream.linear.scatter [tilespmem:s30], [sflag:$0xA], $0x2820, $0x38;
	[tilespmem:$0x1B8F8] =	vst v63  }
0x7f: {  	_ =	swait.ge [sflag:s23], $0x2820  }
0x80: {  	[sflag:s23] =	ssyncset.done $0x0  }
0x81: {  	[sflag:s23] =	ssyncadd.s32 $0xFFFFD7E0  }
0x82: {  	[tilespmem:s20], [sflag:$0x9] =	stream.linear.gather [spmem:s10], $0x2820, $0x38;
	[tilespmem:$0x1B8F8] =	vst v63  }
0x83: {  	_ =	swait.ge [sflag:s23], $0x2820  }
0x84: {  	[sflag:s23] =	ssyncset.done $0x0  }
0x85: {  	[sflag:s23] =	ssyncadd.s32 $0xFFFFD7E0  }
0x86: {  	[tilespmem:s30], [sflag:$0x9] =	stream.linear.gather [spmem:s14], $0x2820, $0x38;
	[tilespmem:$0x1B8F8] =	vst v63  }
0x87: {  	_ =	swait.ge [sflag:s0], $0x2820  }
0x88: {  	[sflag:s0] =	ssyncset.done $0x0  }
0x89: {  	[sflag:s0] =	ssyncadd.s32 $0xFFFFD7E0  }
0x8a: {  	[hbm4b:s15+s4] =	stream.linear.scatter [tilespmem:s20], [sflag:$0xA], $0x2820, $0x38;
	[tilespmem:$0x1B8F8] =	vst v63  }
0x8b: {  	_ =	swait.ge [sflag:s0], $0x2820  }
0x8c: {  	[sflag:s0] =	ssyncset.done $0x0  }
0x8d: {  	s5 =	sadd.s32 $0x1, s5;
	[sflag:s0] =	ssyncadd.s32 $0xFFFFD7E0  }
0x8e: {  	[hbm4b:s16+s4] =	stream.linear.scatter [tilespmem:s30], [sflag:$0xA], $0x2820, $0x38;
	[tilespmem:$0x1B8F8] =	vst v63  }
0x8f: {  	p1 =	sne.s32 s5, s17;
	_ =	swait.ge [sflag:s23], $0x2820  }
.Ltmp2:
0x90: {  	[sflag:s23] =	ssyncset.done $0x0;
	(pc) =	sbr.rel @p1 .LBB2_1-.Ltmp2, $4  }
0x91: {  	[sflag:s23] =	ssyncadd.s32 $0xFFFFD7E0  }
0x92: {  	_ =	swait.ge [sflag:s23], $0x2820  }
0x93: {  	[sflag:s23] =	ssyncset.done $0x0  }
0x94: {  	[sflag:s23] =	ssyncadd.s32 $0xFFFFD7E0  }
0x95: {  	_ =	sfence.sel $0x180000  }
0x96: {  	[bflag:$0x0] =	sbarrier.arrive $0xFFFF  }
0x97: {  	_ =	strace $0x90000047  }
0x98: {  	[bflag:$0x2] =	sbarrier.arrive $0xFFFF  }
0x99: {  	s0 =	rddreg [dreg:$0x4]  }
0x9a: {  	s0 =	sadd.s32 @!p0 $0x100000, s0  }
0x9b: {  	[sflag:s0] =	ssyncadd.tile.s32 @!p0 $0x1;
	_ =	shalt  }
.Lfunc_end2:
_tile_overlayer_lowered:
.L_overlay_start_2:
0x9c: {  	(tag) =	ssettag $0x2  }
0x9d: {  	s0 =	rddreg [dreg:$0x0];
	s2 =	stileid.u32  }
0x9e: {  	s1 =	rddreg [dreg:$0x1];
	p0 =	sne.s32 s2, $0x0  }
0x9f: {  	s3 =	rddreg [dreg:$0x2];
	[bflag:$0x3] =	sbarrier.arrive $0xFFFF;
	s2 =	simm.s32 @!p0 $0x1C0B  }
0xa0: {  	[timem:s3], [sflag:s2] =	dma.local @!p0 [hbm:s0], s1  }
0xa1: {  	s0 =	simm.s32 @!p0 $0xB  }
0xa2: {  	_ =	swait.ge @!p0 [sflag:s0], s1  }
0xa3: {  	s1 =	ssub.s32 @!p0 $0x0, s1;
	[sflag:s0] =	ssyncset.done @!p0 $0x0  }
0xa4: {  	[sflag:s0] =	ssyncadd.s32 @!p0 s1  }
0xa5: {  	[bflag:$0x3] =	sbarrier.arrive $0xFFFF  }
0xa6: {  	_ =	shalt  }

</sc_bundles>
